<compile_context>
chip_gen: v7x
topology: tpu7x:2x2x1
jax: 0.10.2.dev20260603
libtpu: 0.0.44.dev20260713+nightly
codegen_flags: <defaults>
</compile_context>

<pallas_src>
import functools

import jax
import jax.numpy as jnp
from jax import lax
from jax.experimental import pallas as pl
from jax.experimental.pallas import tpu as pltpu
from jax.experimental.pallas import tpu_sc as plsc

_B = 4096
_GT, _GN, _GD = 13, 100000, 64
_CT, _CN, _CD = 13, 1000000, 32

_NC, _NS = 2, 16
_NW = _NC * _NS
_BPW = _B // _NW


def _sc_gather(gt3, gidx, ct3, cidx):
    mesh = plsc.VectorSubcoreMesh(
        core_axis_name="c", subcore_axis_name="s",
        num_cores=_NC, num_subcores=_NS)

    @functools.partial(
        pl.kernel,
        out_type=(jax.ShapeDtypeStruct((_GT, _B, _GD), jnp.float32),
                  jax.ShapeDtypeStruct((_CT, _B, _CD), jnp.float32)),
        mesh=mesh,
        compiler_params=pltpu.CompilerParams(use_tc_tiling_on_sc=False),
        scratch_types=(
            pltpu.VMEM((1, _GT * _BPW), jnp.int32),
            pltpu.VMEM((1, _CT * _BPW), jnp.int32),
            pltpu.VMEM((_BPW, _GD), jnp.float32),
            pltpu.VMEM((_BPW, _GD), jnp.float32),
            pltpu.VMEM((_BPW, _CD), jnp.float32),
            pltpu.VMEM((_BPW, _CD), jnp.float32),
            pltpu.SemaphoreType.DMA,
            pltpu.SemaphoreType.DMA,
        ),
    )
    def k(gt_hbm, gidx_hbm, ct_hbm, cidx_hbm, gout_hbm, cout_hbm,
          gi_v, ci_v, g0, g1, c0, c1, sem0, sem1):
        wid = lax.axis_index("s") * _NC + lax.axis_index("c")
        rbase = wid * _BPW
        pltpu.sync_copy(gidx_hbm.at[wid], gi_v)
        pltpu.sync_copy(cidx_hbm.at[wid], ci_v)
        sems = (sem0, sem1)
        for tab, idx_v, out, bufs, nt in (
                (gt_hbm, gi_v, gout_hbm, (g0, g1), _GT),
                (ct_hbm, ci_v, cout_hbm, (c0, c1), _CT)):
            copies = [None, None]
            for t in range(nt):
                p = t & 1
                if copies[p] is not None:
                    copies[p].wait()
                idx = idx_v.at[0, pl.ds(t * _BPW, _BPW)]
                pltpu.async_copy(tab.at[t].at[idx], bufs[p], sems[p]).wait()
                copies[p] = pltpu.async_copy(
                    bufs[p], out.at[t, pl.ds(rbase, _BPW)], sems[p])
            copies[0].wait()
            copies[1].wait()

    return k(gt3, gidx, ct3, cidx)


def _mlp_body(df, gp, cp, dw1t, db1, dw2t, db2,
              w1g, w1c, w1dt, ob1, ow2t, ob2, ow3t, ob3, ow4t, ob4,
              ow5t, ob5, out):
    dot = functools.partial(jnp.dot, preferred_element_type=jnp.float32)
    h = jnp.maximum(dot(df[...], dw1t[...]) + db1[...], 0.0)
    de = dot(h, dw2t[...]) + db2[...]
    o = dot(de, w1dt[...]) + ob1[...]
    gpv = gp[...]
    cpv = cp[...]
    w1gv = w1g[...]
    w1cv = w1c[...]
    for t in range(_GT):
        o = o + dot(gpv[t], w1gv[t])
    for t in range(_CT):
        o = o + dot(cpv[t], w1cv[t])
    o = jnp.maximum(o, 0.0)
    o = jnp.maximum(dot(o, ow2t[...]) + ob2[...], 0.0)
    o = jnp.maximum(dot(o, ow3t[...]) + ob3[...], 0.0)
    o = jnp.maximum(dot(o, ow4t[...]) + ob4[...], 0.0)
    out[...] = dot(o, ow5t[...]) + ob5[...]


def _tc_mlp(df, gp3, cp3, dw1t, db1, dw2t, db2,
            w1g, w1c, w1dt, ob1, ow2t, ob2, ow3t, ob3, ow4t, ob4,
            ow5t, ob5, block_b=512):
    grid = (_B // block_b,)

    def full_spec(a):
        return pl.BlockSpec(a.shape, lambda i: (0,) * a.ndim)

    weights = (dw1t, db1, dw2t, db2, w1g, w1c, w1dt, ob1,
               ow2t, ob2, ow3t, ob3, ow4t, ob4, ow5t, ob5)
    return pl.pallas_call(
        _mlp_body,
        grid=grid,
        in_specs=[pl.BlockSpec((block_b, df.shape[1]), lambda i: (i, 0)),
                  pl.BlockSpec((_GT, block_b, _GD), lambda i: (0, i, 0)),
                  pl.BlockSpec((_CT, block_b, _CD), lambda i: (0, i, 0))]
                 + [full_spec(w) for w in weights],
        out_specs=pl.BlockSpec((block_b, 1), lambda i: (i, 0)),
        out_shape=jax.ShapeDtypeStruct((_B, 1), jnp.float32),
    )(df, gp3, cp3, *weights)


def _worker_major(idx):
    return (idx.T.reshape(idx.shape[1], _NW, _BPW)
            .transpose(1, 0, 2).reshape(_NW, 1, -1))


def kernel(dense_features, gpu_sharded_sparse_features, cpu_sharded_sparse_features,
           gpu_tables, cpu_tables, dw1, db1, dw2, db2,
           ow1, ob1, ow2, ob2, ow3, ob3, ow4, ob4, ow5, ob5):
    gidx = _worker_major(gpu_sharded_sparse_features.astype(jnp.int32))
    cidx = _worker_major(cpu_sharded_sparse_features.astype(jnp.int32))

    gp3, cp3 = _sc_gather(gpu_tables, gidx, cpu_tables, cidx)

    ow1t = ow1.T
    g_cols = _GT * _GD
    c_cols = _CT * _CD
    w1g = ow1t[:g_cols].reshape(_GT, _GD, 512)
    w1c = ow1t[g_cols:g_cols + c_cols].reshape(_CT, _CD, 512)
    w1dt = ow1t[g_cols + c_cols:]

    return _tc_mlp(
        dense_features, gp3, cp3,
        dw1.T, db1[None, :], dw2.T, db2[None, :],
        w1g, w1c, w1dt, ob1[None, :],
        ow2.T, ob2[None, :], ow3.T, ob3[None, :], ow4.T, ob4[None, :],
        ow5.T, ob5[None, :])

# --- scband reference (transcript-rebuilt; emitter-appended) ---
"""Pipeline reference for scband-mixed-sharded-snn-23751169147035 (READ-ONLY COPY).

The authoritative reference and input builder live on the scoring server;
editing this copy changes nothing except your own understanding.
"""

import jax, jax.numpy as jnp
import numpy as np

B = 4096
GT, GN, GD = 13, 100000, 64
CT, CN, CD = 13, 1000000, 32
DF = 13
OD = 512
IN_FEAT = GT * GD + CT * CD + GD  # hvd.size() == 1, communicators are identity


def setup_inputs(seed: int = 0) -> dict:
    key = jax.random.key(seed)
    ks = jax.random.split(key, 24)
    inp = {}
    inp['dense_features'] = jax.random.normal(ks[0], (B, DF), dtype=jnp.float32)
    inp['gpu_sharded_sparse_features'] = jax.random.randint(ks[1], (B, GT), 0, GN, dtype=jnp.int64)
    inp['cpu_sharded_sparse_features'] = jax.random.randint(ks[2], (B, CT), 0, CN, dtype=jnp.int64)
    inp['gpu_tables'] = jax.random.normal(ks[3], (GT, GN, GD), dtype=jnp.float32) * 0.01
    inp['cpu_tables'] = jax.random.normal(ks[4], (CT, CN, CD), dtype=jnp.float32) * 0.01
    # dense_arch: Linear(DF, OD) -> ReLU -> Linear(OD, GD)
    inp['dw1'] = jax.random.normal(ks[5], (OD, DF), dtype=jnp.float32) * (1.0 / np.sqrt(DF))
    inp['db1'] = jnp.zeros((OD,), dtype=jnp.float32)
    inp['dw2'] = jax.random.normal(ks[6], (GD, OD), dtype=jnp.float32) * (1.0 / np.sqrt(OD))
    inp['db2'] = jnp.zeros((GD,), dtype=jnp.float32)
    # over_arch: Linear(IN_FEAT, OD) -> ReLU -> 3x(Linear(OD, OD) -> ReLU) -> Linear(OD, 1)
    inp['ow1'] = jax.random.normal(ks[7], (OD, IN_FEAT), dtype=jnp.float32) * (1.0 / np.sqrt(IN_FEAT))
    inp['ob1'] = jnp.zeros((OD,), dtype=jnp.float32)
    inp['ow2'] = jax.random.normal(ks[8], (OD, OD), dtype=jnp.float32) * (1.0 / np.sqrt(OD))
    inp['ob2'] = jnp.zeros((OD,), dtype=jnp.float32)
    inp['ow3'] = jax.random.normal(ks[9], (OD, OD), dtype=jnp.float32) * (1.0 / np.sqrt(OD))
    inp['ob3'] = jnp.zeros((OD,), dtype=jnp.float32)
    inp['ow4'] = jax.random.normal(ks[10], (OD, OD), dtype=jnp.float32) * (1.0 / np.sqrt(OD))
    inp['ob4'] = jnp.zeros((OD,), dtype=jnp.float32)
    inp['ow5'] = jax.random.normal(ks[11], (1, OD), dtype=jnp.float32) * (1.0 / np.sqrt(OD))
    inp['ob5'] = jnp.zeros((1,), dtype=jnp.float32)
    return inp


def _lookup(tables, idx):
    # tables: [T, V, D], idx: [B, T] -> [B, T, D]
    return jax.vmap(lambda t, i: jnp.take(t, i, axis=0), in_axes=(0, 1), out_axes=1)(tables, idx)


def reference(dense_features, gpu_sharded_sparse_features, cpu_sharded_sparse_features,
              gpu_tables, cpu_tables, dw1, db1, dw2, db2,
              ow1, ob1, ow2, ob2, ow3, ob3, ow4, ob4, ow5, ob5):
    # GPU embedding tables lookup (pooling factor 1 per table) + identity all-to-all
    gpu_embeddings = _lookup(gpu_tables, gpu_sharded_sparse_features)  # [B, GT, GD]
    # CPU embedding tables lookup
    cpu_embeddings = _lookup(cpu_tables, cpu_sharded_sparse_features)  # [B, CT, CD]
    # view with hvd.size() == 1 is identity; cpu_communicator identity
    cpu_embeddings = cpu_embeddings.reshape(cpu_embeddings.shape[0], cpu_embeddings.shape[1], cpu_embeddings.shape[2])
    # dense arch
    h = jnp.maximum(dense_features @ dw1.T + db1, 0.0)
    dense_embeddings = h @ dw2.T + db2  # [B, GD]
    embeddings = jnp.concatenate([
        gpu_embeddings.reshape(gpu_embeddings.shape[0], -1),
        cpu_embeddings.reshape(cpu_embeddings.shape[0], -1),
        dense_embeddings,
    ], axis=1)  # [B, IN_FEAT]
    # over arch
    o = jnp.maximum(embeddings @ ow1.T + ob1, 0.0)
    o = jnp.maximum(o @ ow2.T + ob2, 0.0)
    o = jnp.maximum(o @ ow3.T + ob3, 0.0)
    o = jnp.maximum(o @ ow4.T + ob4, 0.0)
    logits = o @ ow5.T + ob5  # [B, 1]
    return logits

if __name__ == "__main__":
    import jax
    _d = setup_inputs()
    print(jax.jit(kernel)(*tuple(_d.values())))

</pallas_src>

<mosaic_0001>
#map = affine_map<(d0, d1) -> (0, 0, 0)>
module attributes {stable_mosaic.version = 14 : i64} {
  func.func @k(%arg0: i32, %arg1: i32, %arg2: memref<13x100000x64xf32, #tpu.memory_space<hbm>>, %arg3: memref<32x1x1664xi32, #tpu.memory_space<hbm>>, %arg4: memref<13x1000000x32xf32, #tpu.memory_space<hbm>>, %arg5: memref<32x1x1664xi32, #tpu.memory_space<hbm>>, %arg6: memref<13x4096x64xf32, #tpu.memory_space<hbm>>, %arg7: memref<13x4096x32xf32, #tpu.memory_space<hbm>>, %arg8: memref<1x1664xi32, #tpu.memory_space<vmem>>, %arg9: memref<1x1664xi32, #tpu.memory_space<vmem>>, %arg10: memref<128x64xf32, #tpu.memory_space<vmem>>, %arg11: memref<128x64xf32, #tpu.memory_space<vmem>>, %arg12: memref<128x32xf32, #tpu.memory_space<vmem>>, %arg13: memref<128x32xf32, #tpu.memory_space<vmem>>, %arg14: memref<!tpu.dma_semaphore, #tpu.memory_space<semaphore_mem>>, %arg15: memref<!tpu.dma_semaphore, #tpu.memory_space<semaphore_mem>>) attributes {dimension_semantics = [#tpu.dimension_semantics<core_parallel>, #tpu.dimension_semantics<subcore_parallel>], iteration_bounds = array<i64: 2, 16>, scalar_prefetch = 0 : i64, scratch_operands = 8 : i64, tpu.core_type = #tpu.core_type<sc_vector_subcore>, window_params = [{transform_indices = #map}, {transform_indices = #map}, {transform_indices = #map}, {transform_indices = #map}, {transform_indices = #map}, {transform_indices = #map}]} {
    %mul3A = arith.constant 2 : i32
    %mul3A_0 = arith.muli %arg1, %mul3A : i32
    %add3A = arith.addi %mul3A_0, %arg0 : i32
    %mul3A_1 = arith.constant 128 : i32
    %mul3A_2 = arith.muli %add3A, %mul3A_1 : i32
    "tpu.region"() ({
      %run_scoped3A = tpu.sem_alloc : memref<!tpu.dma_semaphore, #tpu.memory_space<semaphore_mem>>
      %dma_start3A_989 = arith.constant 0 : i32
      %dma_start3A_990 = arith.constant 0 : i32
      %dma_start3A_991 = tpu.memref_slice %arg3[%add3A, %dma_start3A_989, %dma_start3A_990] : memref<32x1x1664xi32, #tpu.memory_space<hbm>> -> memref<1x1x1664xi32, #tpu.memory_space<hbm>>
      %dma_start3A_992 = tpu.memref_squeeze %dma_start3A_991 : memref<1x1x1664xi32, #tpu.memory_space<hbm>> -> memref<1x1664xi32, #tpu.memory_space<hbm>>
      %dma_start3A_993 = arith.constant 0 : i32
      %dma_start3A_994 = arith.constant 0 : i32
      %dma_start3A_995 = tpu.memref_slice %arg3[%add3A, %dma_start3A_993, %dma_start3A_994] : memref<32x1x1664xi32, #tpu.memory_space<hbm>> -> memref<1x1x1664xi32, #tpu.memory_space<hbm>>
      %dma_start3A_996 = tpu.memref_squeeze %dma_start3A_995 : memref<1x1x1664xi32, #tpu.memory_space<hbm>> -> memref<1x1664xi32, #tpu.memory_space<hbm>>
      tpu.enqueue_dma source(%dma_start3A_996 : memref<1x1664xi32, #tpu.memory_space<hbm>>) target(%arg8 : memref<1x1664xi32, #tpu.memory_space<vmem>>) target_semaphore(%run_scoped3A : memref<!tpu.dma_semaphore, #tpu.memory_space<semaphore_mem>>)
      %dma_wait3A_997 = arith.constant 0 : i32
      %dma_wait3A_998 = arith.constant 0 : i32
      %dma_wait3A_999 = tpu.memref_slice %arg3[%add3A, %dma_wait3A_997, %dma_wait3A_998] : memref<32x1x1664xi32, #tpu.memory_space<hbm>> -> memref<1x1x1664xi32, #tpu.memory_space<hbm>>
      %dma_wait3A_1000 = tpu.memref_squeeze %dma_wait3A_999 : memref<1x1x1664xi32, #tpu.memory_space<hbm>> -> memref<1x1664xi32, #tpu.memory_space<hbm>>
      %dma_wait3A_1001 = arith.constant 0 : i32
      %dma_wait3A_1002 = arith.constant 0 : i32
      %dma_wait3A_1003 = tpu.memref_slice %arg3[%add3A, %dma_wait3A_1001, %dma_wait3A_1002] : memref<32x1x1664xi32, #tpu.memory_space<hbm>> -> memref<1x1x1664xi32, #tpu.memory_space<hbm>>
      %dma_wait3A_1004 = tpu.memref_squeeze %dma_wait3A_1003 : memref<1x1x1664xi32, #tpu.memory_space<hbm>> -> memref<1x1664xi32, #tpu.memory_space<hbm>>
      tpu.wait_dma2 semaphore(%run_scoped3A : memref<!tpu.dma_semaphore, #tpu.memory_space<semaphore_mem>>) src(%dma_wait3A_1004 : memref<1x1664xi32, #tpu.memory_space<hbm>>) dst(%arg8 : memref<1x1664xi32, #tpu.memory_space<vmem>>)
      tpu.yield
    }) : () -> ()
    "tpu.region"() ({
      %run_scoped3A = tpu.sem_alloc : memref<!tpu.dma_semaphore, #tpu.memory_space<semaphore_mem>>
      %dma_start3A_989 = arith.constant 0 : i32
      %dma_start3A_990 = arith.constant 0 : i32
      %dma_start3A_991 = tpu.memref_slice %arg5[%add3A, %dma_start3A_989, %dma_start3A_990] : memref<32x1x1664xi32, #tpu.memory_space<hbm>> -> memref<1x1x1664xi32, #tpu.memory_space<hbm>>
      %dma_start3A_992 = tpu.memref_squeeze %dma_start3A_991 : memref<1x1x1664xi32, #tpu.memory_space<hbm>> -> memref<1x1664xi32, #tpu.memory_space<hbm>>
      %dma_start3A_993 = arith.constant 0 : i32
      %dma_start3A_994 = arith.constant 0 : i32
      %dma_start3A_995 = tpu.memref_slice %arg5[%add3A, %dma_start3A_993, %dma_start3A_994] : memref<32x1x1664xi32, #tpu.memory_space<hbm>> -> memref<1x1x1664xi32, #tpu.memory_space<hbm>>
      %dma_start3A_996 = tpu.memref_squeeze %dma_start3A_995 : memref<1x1x1664xi32, #tpu.memory_space<hbm>> -> memref<1x1664xi32, #tpu.memory_space<hbm>>
      tpu.enqueue_dma source(%dma_start3A_996 : memref<1x1664xi32, #tpu.memory_space<hbm>>) target(%arg9 : memref<1x1664xi32, #tpu.memory_space<vmem>>) target_semaphore(%run_scoped3A : memref<!tpu.dma_semaphore, #tpu.memory_space<semaphore_mem>>)
      %dma_wait3A_997 = arith.constant 0 : i32
      %dma_wait3A_998 = arith.constant 0 : i32
      %dma_wait3A_999 = tpu.memref_slice %arg5[%add3A, %dma_wait3A_997, %dma_wait3A_998] : memref<32x1x1664xi32, #tpu.memory_space<hbm>> -> memref<1x1x1664xi32, #tpu.memory_space<hbm>>
      %dma_wait3A_1000 = tpu.memref_squeeze %dma_wait3A_999 : memref<1x1x1664xi32, #tpu.memory_space<hbm>> -> memref<1x1664xi32, #tpu.memory_space<hbm>>
      %dma_wait3A_1001 = arith.constant 0 : i32
      %dma_wait3A_1002 = arith.constant 0 : i32
      %dma_wait3A_1003 = tpu.memref_slice %arg5[%add3A, %dma_wait3A_1001, %dma_wait3A_1002] : memref<32x1x1664xi32, #tpu.memory_space<hbm>> -> memref<1x1x1664xi32, #tpu.memory_space<hbm>>
      %dma_wait3A_1004 = tpu.memref_squeeze %dma_wait3A_1003 : memref<1x1x1664xi32, #tpu.memory_space<hbm>> -> memref<1x1664xi32, #tpu.memory_space<hbm>>
      tpu.wait_dma2 semaphore(%run_scoped3A : memref<!tpu.dma_semaphore, #tpu.memory_space<semaphore_mem>>) src(%dma_wait3A_1004 : memref<1x1664xi32, #tpu.memory_space<hbm>>) dst(%arg9 : memref<1x1664xi32, #tpu.memory_space<vmem>>)
      tpu.yield
    }) : () -> ()
    %dma_start3A = arith.constant 0 : i32
    %dma_start3A_3 = arith.constant 0 : i32
    %dma_start3A_4 = arith.constant 0 : i32
    %dma_start3A_5 = tpu.memref_slice %arg8[%dma_start3A_3, %dma_start3A_4] : memref<1x1664xi32, #tpu.memory_space<vmem>> -> memref<1x128xi32, #tpu.memory_space<vmem>>
    %dma_start3A_6 = tpu.memref_squeeze %dma_start3A_5 : memref<1x128xi32, #tpu.memory_space<vmem>> -> memref<128xi32, #tpu.memory_space<vmem>>
    %dma_start3A_7 = arith.constant 0 : i32
    %dma_start3A_8 = arith.constant 0 : i32
    %dma_start3A_9 = tpu.memref_slice %arg2[%dma_start3A, %dma_start3A_7, %dma_start3A_8] : memref<13x100000x64xf32, #tpu.memory_space<hbm>> -> memref<1x100000x64xf32, #tpu.memory_space<hbm>>
    %dma_start3A_10 = tpu.memref_squeeze %dma_start3A_9 : memref<1x100000x64xf32, #tpu.memory_space<hbm>> -> memref<100000x64xf32, #tpu.memory_space<hbm>>
    %dma_start3A_11 = arith.constant 0 : i32
    %dma_start3A_12 = arith.constant 0 : i32
    %dma_start3A_13 = tpu.memref_slice %dma_start3A_10[%dma_start3A_11, %dma_start3A_12] : memref<100000x64xf32, #tpu.memory_space<hbm>> -> memref<100000x64xf32, #tpu.memory_space<hbm>>
    tpu.enqueue_indirect_dma source(%dma_start3A_13 : memref<100000x64xf32, #tpu.memory_space<hbm>>) target(%arg10 : memref<128x64xf32, #tpu.memory_space<vmem>>) offsets(%dma_start3A_6 : memref<128xi32, #tpu.memory_space<vmem>>) semaphore(%arg14 : memref<!tpu.dma_semaphore, #tpu.memory_space<semaphore_mem>>)
    %dma_wait3A = arith.constant 0 : i32
    %dma_wait3A_14 = arith.constant 0 : i32
    %dma_wait3A_15 = arith.constant 0 : i32
    %dma_wait3A_16 = tpu.memref_slice %arg8[%dma_wait3A_14, %dma_wait3A_15] : memref<1x1664xi32, #tpu.memory_space<vmem>> -> memref<1x128xi32, #tpu.memory_space<vmem>>
    %dma_wait3A_17 = tpu.memref_squeeze %dma_wait3A_16 : memref<1x128xi32, #tpu.memory_space<vmem>> -> memref<128xi32, #tpu.memory_space<vmem>>
    %dma_wait3A_18 = arith.constant 0 : i32
    %dma_wait3A_19 = arith.constant 0 : i32
    %dma_wait3A_20 = tpu.memref_slice %arg2[%dma_wait3A, %dma_wait3A_18, %dma_wait3A_19] : memref<13x100000x64xf32, #tpu.memory_space<hbm>> -> memref<1x100000x64xf32, #tpu.memory_space<hbm>>
    %dma_wait3A_21 = tpu.memref_squeeze %dma_wait3A_20 : memref<1x100000x64xf32, #tpu.memory_space<hbm>> -> memref<100000x64xf32, #tpu.memory_space<hbm>>
    %dma_wait3A_22 = arith.constant 0 : i32
    %dma_wait3A_23 = arith.constant 0 : i32
    %dma_wait3A_24 = tpu.memref_slice %dma_wait3A_21[%dma_wait3A_22, %dma_wait3A_23] : memref<100000x64xf32, #tpu.memory_space<hbm>> -> memref<100000x64xf32, #tpu.memory_space<hbm>>
    tpu.wait_indirect_dma semaphore(%arg14 : memref<!tpu.dma_semaphore, #tpu.memory_space<semaphore_mem>>) src(%dma_wait3A_24 : memref<100000x64xf32, #tpu.memory_space<hbm>>) dst(%arg10 : memref<128x64xf32, #tpu.memory_space<vmem>>)
    %dma_start3A_25 = arith.constant 0 : i32
    %dma_start3A_26 = arith.constant 0 : i32
    %dma_start3A_27 = tpu.memref_slice %arg6[%dma_start3A_25, %mul3A_2, %dma_start3A_26] : memref<13x4096x64xf32, #tpu.memory_space<hbm>> -> memref<1x128x64xf32, #tpu.memory_space<hbm>>
    %dma_start3A_28 = tpu.memref_squeeze %dma_start3A_27 : memref<1x128x64xf32, #tpu.memory_space<hbm>> -> memref<128x64xf32, #tpu.memory_space<hbm>>
    %dma_start3A_29 = arith.constant 0 : i32
    %dma_start3A_30 = tpu.memref_slice %arg6[%dma_start3A_25, %mul3A_2, %dma_start3A_29] : memref<13x4096x64xf32, #tpu.memory_space<hbm>> -> memref<1x128x64xf32, #tpu.memory_space<hbm>>
    %dma_start3A_31 = tpu.memref_squeeze %dma_start3A_30 : memref<1x128x64xf32, #tpu.memory_space<hbm>> -> memref<128x64xf32, #tpu.memory_space<hbm>>
    tpu.enqueue_dma source(%arg10 : memref<128x64xf32, #tpu.memory_space<vmem>>) target(%dma_start3A_31 : memref<128x64xf32, #tpu.memory_space<hbm>>) target_semaphore(%arg14 : memref<!tpu.dma_semaphore, #tpu.memory_space<semaphore_mem>>)
    %dma_start3A_32 = arith.constant 1 : i32
    %dma_start3A_33 = arith.constant 0 : i32
    %dma_start3A_34 = arith.constant 128 : i32
    %dma_start3A_35 = tpu.memref_slice %arg8[%dma_start3A_33, %dma_start3A_34] : memref<1x1664xi32, #tpu.memory_space<vmem>> -> memref<1x128xi32, #tpu.memory_space<vmem>>
    %dma_start3A_36 = tpu.memref_squeeze %dma_start3A_35 : memref<1x128xi32, #tpu.memory_space<vmem>> -> memref<128xi32, #tpu.memory_space<vmem>>
    %dma_start3A_37 = arith.constant 0 : i32
    %dma_start3A_38 = arith.constant 0 : i32
    %dma_start3A_39 = tpu.memref_slice %arg2[%dma_start3A_32, %dma_start3A_37, %dma_start3A_38] : memref<13x100000x64xf32, #tpu.memory_space<hbm>> -> memref<1x100000x64xf32, #tpu.memory_space<hbm>>
    %dma_start3A_40 = tpu.memref_squeeze %dma_start3A_39 : memref<1x100000x64xf32, #tpu.memory_space<hbm>> -> memref<100000x64xf32, #tpu.memory_space<hbm>>
    %dma_start3A_41 = arith.constant 0 : i32
    %dma_start3A_42 = arith.constant 0 : i32
    %dma_start3A_43 = tpu.memref_slice %dma_start3A_40[%dma_start3A_41, %dma_start3A_42] : memref<100000x64xf32, #tpu.memory_space<hbm>> -> memref<100000x64xf32, #tpu.memory_space<hbm>>
    tpu.enqueue_indirect_dma source(%dma_start3A_43 : memref<100000x64xf32, #tpu.memory_space<hbm>>) target(%arg11 : memref<128x64xf32, #tpu.memory_space<vmem>>) offsets(%dma_start3A_36 : memref<128xi32, #tpu.memory_space<vmem>>) semaphore(%arg15 : memref<!tpu.dma_semaphore, #tpu.memory_space<semaphore_mem>>)
    %dma_wait3A_44 = arith.constant 1 : i32
    %dma_wait3A_45 = arith.constant 0 : i32
    %dma_wait3A_46 = arith.constant 128 : i32
    %dma_wait3A_47 = tpu.memref_slice %arg8[%dma_wait3A_45, %dma_wait3A_46] : memref<1x1664xi32, #tpu.memory_space<vmem>> -> memref<1x128xi32, #tpu.memory_space<vmem>>
    %dma_wait3A_48 = tpu.memref_squeeze %dma_wait3A_47 : memref<1x128xi32, #tpu.memory_space<vmem>> -> memref<128xi32, #tpu.memory_space<vmem>>
    %dma_wait3A_49 = arith.constant 0 : i32
    %dma_wait3A_50 = arith.constant 0 : i32
    %dma_wait3A_51 = tpu.memref_slice %arg2[%dma_wait3A_44, %dma_wait3A_49, %dma_wait3A_50] : memref<13x100000x64xf32, #tpu.memory_space<hbm>> -> memref<1x100000x64xf32, #tpu.memory_space<hbm>>
    %dma_wait3A_52 = tpu.memref_squeeze %dma_wait3A_51 : memref<1x100000x64xf32, #tpu.memory_space<hbm>> -> memref<100000x64xf32, #tpu.memory_space<hbm>>
    %dma_wait3A_53 = arith.constant 0 : i32
    %dma_wait3A_54 = arith.constant 0 : i32
    %dma_wait3A_55 = tpu.memref_slice %dma_wait3A_52[%dma_wait3A_53, %dma_wait3A_54] : memref<100000x64xf32, #tpu.memory_space<hbm>> -> memref<100000x64xf32, #tpu.memory_space<hbm>>
    tpu.wait_indirect_dma semaphore(%arg15 : memref<!tpu.dma_semaphore, #tpu.memory_space<semaphore_mem>>) src(%dma_wait3A_55 : memref<100000x64xf32, #tpu.memory_space<hbm>>) dst(%arg11 : memref<128x64xf32, #tpu.memory_space<vmem>>)
    %dma_start3A_56 = arith.constant 1 : i32
    %dma_start3A_57 = arith.constant 0 : i32
    %dma_start3A_58 = tpu.memref_slice %arg6[%dma_start3A_56, %mul3A_2, %dma_start3A_57] : memref<13x4096x64xf32, #tpu.memory_space<hbm>> -> memref<1x128x64xf32, #tpu.memory_space<hbm>>
    %dma_start3A_59 = tpu.memref_squeeze %dma_start3A_58 : memref<1x128x64xf32, #tpu.memory_space<hbm>> -> memref<128x64xf32, #tpu.memory_space<hbm>>
    %dma_start3A_60 = arith.constant 0 : i32
    %dma_start3A_61 = tpu.memref_slice %arg6[%dma_start3A_56, %mul3A_2, %dma_start3A_60] : memref<13x4096x64xf32, #tpu.memory_space<hbm>> -> memref<1x128x64xf32, #tpu.memory_space<hbm>>
    %dma_start3A_62 = tpu.memref_squeeze %dma_start3A_61 : memref<1x128x64xf32, #tpu.memory_space<hbm>> -> memref<128x64xf32, #tpu.memory_space<hbm>>
    tpu.enqueue_dma source(%arg11 : memref<128x64xf32, #tpu.memory_space<vmem>>) target(%dma_start3A_62 : memref<128x64xf32, #tpu.memory_space<hbm>>) target_semaphore(%arg15 : memref<!tpu.dma_semaphore, #tpu.memory_space<semaphore_mem>>)
    %dma_wait3A_63 = arith.constant 0 : i32
    %dma_wait3A_64 = arith.constant 0 : i32
    %dma_wait3A_65 = tpu.memref_slice %arg6[%dma_wait3A_63, %mul3A_2, %dma_wait3A_64] : memref<13x4096x64xf32, #tpu.memory_space<hbm>> -> memref<1x128x64xf32, #tpu.memory_space<hbm>>
    %dma_wait3A_66 = tpu.memref_squeeze %dma_wait3A_65 : memref<1x128x64xf32, #tpu.memory_space<hbm>> -> memref<128x64xf32, #tpu.memory_space<hbm>>
    %dma_wait3A_67 = arith.constant 0 : i32
    %dma_wait3A_68 = tpu.memref_slice %arg6[%dma_wait3A_63, %mul3A_2, %dma_wait3A_67] : memref<13x4096x64xf32, #tpu.memory_space<hbm>> -> memref<1x128x64xf32, #tpu.memory_space<hbm>>
    %dma_wait3A_69 = tpu.memref_squeeze %dma_wait3A_68 : memref<1x128x64xf32, #tpu.memory_space<hbm>> -> memref<128x64xf32, #tpu.memory_space<hbm>>
    tpu.wait_dma2 semaphore(%arg14 : memref<!tpu.dma_semaphore, #tpu.memory_space<semaphore_mem>>) src(%arg10 : memref<128x64xf32, #tpu.memory_space<vmem>>) dst(%dma_wait3A_69 : memref<128x64xf32, #tpu.memory_space<hbm>>)
    %dma_start3A_70 = arith.constant 2 : i32
    %dma_start3A_71 = arith.constant 0 : i32
    %dma_start3A_72 = arith.constant 256 : i32
    %dma_start3A_73 = tpu.memref_slice %arg8[%dma_start3A_71, %dma_start3A_72] : memref<1x1664xi32, #tpu.memory_space<vmem>> -> memref<1x128xi32, #tpu.memory_space<vmem>>
    %dma_start3A_74 = tpu.memref_squeeze %dma_start3A_73 : memref<1x128xi32, #tpu.memory_space<vmem>> -> memref<128xi32, #tpu.memory_space<vmem>>
    %dma_start3A_75 = arith.constant 0 : i32
    %dma_start3A_76 = arith.constant 0 : i32
    %dma_start3A_77 = tpu.memref_slice %arg2[%dma_start3A_70, %dma_start3A_75, %dma_start3A_76] : memref<13x100000x64xf32, #tpu.memory_space<hbm>> -> memref<1x100000x64xf32, #tpu.memory_space<hbm>>
    %dma_start3A_78 = tpu.memref_squeeze %dma_start3A_77 : memref<1x100000x64xf32, #tpu.memory_space<hbm>> -> memref<100000x64xf32, #tpu.memory_space<hbm>>
    %dma_start3A_79 = arith.constant 0 : i32
    %dma_start3A_80 = arith.constant 0 : i32
    %dma_start3A_81 = tpu.memref_slice %dma_start3A_78[%dma_start3A_79, %dma_start3A_80] : memref<100000x64xf32, #tpu.memory_space<hbm>> -> memref<100000x64xf32, #tpu.memory_space<hbm>>
    tpu.enqueue_indirect_dma source(%dma_start3A_81 : memref<100000x64xf32, #tpu.memory_space<hbm>>) target(%arg10 : memref<128x64xf32, #tpu.memory_space<vmem>>) offsets(%dma_start3A_74 : memref<128xi32, #tpu.memory_space<vmem>>) semaphore(%arg14 : memref<!tpu.dma_semaphore, #tpu.memory_space<semaphore_mem>>)
    %dma_wait3A_82 = arith.constant 2 : i32
    %dma_wait3A_83 = arith.constant 0 : i32
    %dma_wait3A_84 = arith.constant 256 : i32
    %dma_wait3A_85 = tpu.memref_slice %arg8[%dma_wait3A_83, %dma_wait3A_84] : memref<1x1664xi32, #tpu.memory_space<vmem>> -> memref<1x128xi32, #tpu.memory_space<vmem>>
    %dma_wait3A_86 = tpu.memref_squeeze %dma_wait3A_85 : memref<1x128xi32, #tpu.memory_space<vmem>> -> memref<128xi32, #tpu.memory_space<vmem>>
    %dma_wait3A_87 = arith.constant 0 : i32
    %dma_wait3A_88 = arith.constant 0 : i32
    %dma_wait3A_89 = tpu.memref_slice %arg2[%dma_wait3A_82, %dma_wait3A_87, %dma_wait3A_88] : memref<13x100000x64xf32, #tpu.memory_space<hbm>> -> memref<1x100000x64xf32, #tpu.memory_space<hbm>>
    %dma_wait3A_90 = tpu.memref_squeeze %dma_wait3A_89 : memref<1x100000x64xf32, #tpu.memory_space<hbm>> -> memref<100000x64xf32, #tpu.memory_space<hbm>>
    %dma_wait3A_91 = arith.constant 0 : i32
    %dma_wait3A_92 = arith.constant 0 : i32
    %dma_wait3A_93 = tpu.memref_slice %dma_wait3A_90[%dma_wait3A_91, %dma_wait3A_92] : memref<100000x64xf32, #tpu.memory_space<hbm>> -> memref<100000x64xf32, #tpu.memory_space<hbm>>
    tpu.wait_indirect_dma semaphore(%arg14 : memref<!tpu.dma_semaphore, #tpu.memory_space<semaphore_mem>>) src(%dma_wait3A_93 : memref<100000x64xf32, #tpu.memory_space<hbm>>) dst(%arg10 : memref<128x64xf32, #tpu.memory_space<vmem>>)
    %dma_start3A_94 = arith.constant 2 : i32
    %dma_start3A_95 = arith.constant 0 : i32
    %dma_start3A_96 = tpu.memref_slice %arg6[%dma_start3A_94, %mul3A_2, %dma_start3A_95] : memref<13x4096x64xf32, #tpu.memory_space<hbm>> -> memref<1x128x64xf32, #tpu.memory_space<hbm>>
    %dma_start3A_97 = tpu.memref_squeeze %dma_start3A_96 : memref<1x128x64xf32, #tpu.memory_space<hbm>> -> memref<128x64xf32, #tpu.memory_space<hbm>>
    %dma_start3A_98 = arith.constant 0 : i32
    %dma_start3A_99 = tpu.memref_slice %arg6[%dma_start3A_94, %mul3A_2, %dma_start3A_98] : memref<13x4096x64xf32, #tpu.memory_space<hbm>> -> memref<1x128x64xf32, #tpu.memory_space<hbm>>
    %dma_start3A_100 = tpu.memref_squeeze %dma_start3A_99 : memref<1x128x64xf32, #tpu.memory_space<hbm>> -> memref<128x64xf32, #tpu.memory_space<hbm>>
    tpu.enqueue_dma source(%arg10 : memref<128x64xf32, #tpu.memory_space<vmem>>) target(%dma_start3A_100 : memref<128x64xf32, #tpu.memory_space<hbm>>) target_semaphore(%arg14 : memref<!tpu.dma_semaphore, #tpu.memory_space<semaphore_mem>>)
    %dma_wait3A_101 = arith.constant 1 : i32
    %dma_wait3A_102 = arith.constant 0 : i32
    %dma_wait3A_103 = tpu.memref_slice %arg6[%dma_wait3A_101, %mul3A_2, %dma_wait3A_102] : memref<13x4096x64xf32, #tpu.memory_space<hbm>> -> memref<1x128x64xf32, #tpu.memory_space<hbm>>
    %dma_wait3A_104 = tpu.memref_squeeze %dma_wait3A_103 : memref<1x128x64xf32, #tpu.memory_space<hbm>> -> memref<128x64xf32, #tpu.memory_space<hbm>>
    %dma_wait3A_105 = arith.constant 0 : i32
    %dma_wait3A_106 = tpu.memref_slice %arg6[%dma_wait3A_101, %mul3A_2, %dma_wait3A_105] : memref<13x4096x64xf32, #tpu.memory_space<hbm>> -> memref<1x128x64xf32, #tpu.memory_space<hbm>>
    %dma_wait3A_107 = tpu.memref_squeeze %dma_wait3A_106 : memref<1x128x64xf32, #tpu.memory_space<hbm>> -> memref<128x64xf32, #tpu.memory_space<hbm>>
    tpu.wait_dma2 semaphore(%arg15 : memref<!tpu.dma_semaphore, #tpu.memory_space<semaphore_mem>>) src(%arg11 : memref<128x64xf32, #tpu.memory_space<vmem>>) dst(%dma_wait3A_107 : memref<128x64xf32, #tpu.memory_space<hbm>>)
    %dma_start3A_108 = arith.constant 3 : i32
    %dma_start3A_109 = arith.constant 0 : i32
    %dma_start3A_110 = arith.constant 384 : i32
    %dma_start3A_111 = tpu.memref_slice %arg8[%dma_start3A_109, %dma_start3A_110] : memref<1x1664xi32, #tpu.memory_space<vmem>> -> memref<1x128xi32, #tpu.memory_space<vmem>>
    %dma_start3A_112 = tpu.memref_squeeze %dma_start3A_111 : memref<1x128xi32, #tpu.memory_space<vmem>> -> memref<128xi32, #tpu.memory_space<vmem>>
    %dma_start3A_113 = arith.constant 0 : i32
    %dma_start3A_114 = arith.constant 0 : i32
    %dma_start3A_115 = tpu.memref_slice %arg2[%dma_start3A_108, %dma_start3A_113, %dma_start3A_114] : memref<13x100000x64xf32, #tpu.memory_space<hbm>> -> memref<1x100000x64xf32, #tpu.memory_space<hbm>>
    %dma_start3A_116 = tpu.memref_squeeze %dma_start3A_115 : memref<1x100000x64xf32, #tpu.memory_space<hbm>> -> memref<100000x64xf32, #tpu.memory_space<hbm>>
    %dma_start3A_117 = arith.constant 0 : i32
    %dma_start3A_118 = arith.constant 0 : i32
    %dma_start3A_119 = tpu.memref_slice %dma_start3A_116[%dma_start3A_117, %dma_start3A_118] : memref<100000x64xf32, #tpu.memory_space<hbm>> -> memref<100000x64xf32, #tpu.memory_space<hbm>>
    tpu.enqueue_indirect_dma source(%dma_start3A_119 : memref<100000x64xf32, #tpu.memory_space<hbm>>) target(%arg11 : memref<128x64xf32, #tpu.memory_space<vmem>>) offsets(%dma_start3A_112 : memref<128xi32, #tpu.memory_space<vmem>>) semaphore(%arg15 : memref<!tpu.dma_semaphore, #tpu.memory_space<semaphore_mem>>)
    %dma_wait3A_120 = arith.constant 3 : i32
    %dma_wait3A_121 = arith.constant 0 : i32
    %dma_wait3A_122 = arith.constant 384 : i32
    %dma_wait3A_123 = tpu.memref_slice %arg8[%dma_wait3A_121, %dma_wait3A_122] : memref<1x1664xi32, #tpu.memory_space<vmem>> -> memref<1x128xi32, #tpu.memory_space<vmem>>
    %dma_wait3A_124 = tpu.memref_squeeze %dma_wait3A_123 : memref<1x128xi32, #tpu.memory_space<vmem>> -> memref<128xi32, #tpu.memory_space<vmem>>
    %dma_wait3A_125 = arith.constant 0 : i32
    %dma_wait3A_126 = arith.constant 0 : i32
    %dma_wait3A_127 = tpu.memref_slice %arg2[%dma_wait3A_120, %dma_wait3A_125, %dma_wait3A_126] : memref<13x100000x64xf32, #tpu.memory_space<hbm>> -> memref<1x100000x64xf32, #tpu.memory_space<hbm>>
    %dma_wait3A_128 = tpu.memref_squeeze %dma_wait3A_127 : memref<1x100000x64xf32, #tpu.memory_space<hbm>> -> memref<100000x64xf32, #tpu.memory_space<hbm>>
    %dma_wait3A_129 = arith.constant 0 : i32
    %dma_wait3A_130 = arith.constant 0 : i32
    %dma_wait3A_131 = tpu.memref_slice %dma_wait3A_128[%dma_wait3A_129, %dma_wait3A_130] : memref<100000x64xf32, #tpu.memory_space<hbm>> -> memref<100000x64xf32, #tpu.memory_space<hbm>>
    tpu.wait_indirect_dma semaphore(%arg15 : memref<!tpu.dma_semaphore, #tpu.memory_space<semaphore_mem>>) src(%dma_wait3A_131 : memref<100000x64xf32, #tpu.memory_space<hbm>>) dst(%arg11 : memref<128x64xf32, #tpu.memory_space<vmem>>)
    %dma_start3A_132 = arith.constant 3 : i32
    %dma_start3A_133 = arith.constant 0 : i32
    %dma_start3A_134 = tpu.memref_slice %arg6[%dma_start3A_132, %mul3A_2, %dma_start3A_133] : memref<13x4096x64xf32, #tpu.memory_space<hbm>> -> memref<1x128x64xf32, #tpu.memory_space<hbm>>
    %dma_start3A_135 = tpu.memref_squeeze %dma_start3A_134 : memref<1x128x64xf32, #tpu.memory_space<hbm>> -> memref<128x64xf32, #tpu.memory_space<hbm>>
    %dma_start3A_136 = arith.constant 0 : i32
    %dma_start3A_137 = tpu.memref_slice %arg6[%dma_start3A_132, %mul3A_2, %dma_start3A_136] : memref<13x4096x64xf32, #tpu.memory_space<hbm>> -> memref<1x128x64xf32, #tpu.memory_space<hbm>>
    %dma_start3A_138 = tpu.memref_squeeze %dma_start3A_137 : memref<1x128x64xf32, #tpu.memory_space<hbm>> -> memref<128x64xf32, #tpu.memory_space<hbm>>
    tpu.enqueue_dma source(%arg11 : memref<128x64xf32, #tpu.memory_space<vmem>>) target(%dma_start3A_138 : memref<128x64xf32, #tpu.memory_space<hbm>>) target_semaphore(%arg15 : memref<!tpu.dma_semaphore, #tpu.memory_space<semaphore_mem>>)
    %dma_wait3A_139 = arith.constant 2 : i32
    %dma_wait3A_140 = arith.constant 0 : i32
    %dma_wait3A_141 = tpu.memref_slice %arg6[%dma_wait3A_139, %mul3A_2, %dma_wait3A_140] : memref<13x4096x64xf32, #tpu.memory_space<hbm>> -> memref<1x128x64xf32, #tpu.memory_space<hbm>>
    %dma_wait3A_142 = tpu.memref_squeeze %dma_wait3A_141 : memref<1x128x64xf32, #tpu.memory_space<hbm>> -> memref<128x64xf32, #tpu.memory_space<hbm>>
    %dma_wait3A_143 = arith.constant 0 : i32
    %dma_wait3A_144 = tpu.memref_slice %arg6[%dma_wait3A_139, %mul3A_2, %dma_wait3A_143] : memref<13x4096x64xf32, #tpu.memory_space<hbm>> -> memref<1x128x64xf32, #tpu.memory_space<hbm>>
    %dma_wait3A_145 = tpu.memref_squeeze %dma_wait3A_144 : memref<1x128x64xf32, #tpu.memory_space<hbm>> -> memref<128x64xf32, #tpu.memory_space<hbm>>
    tpu.wait_dma2 semaphore(%arg14 : memref<!tpu.dma_semaphore, #tpu.memory_space<semaphore_mem>>) src(%arg10 : memref<128x64xf32, #tpu.memory_space<vmem>>) dst(%dma_wait3A_145 : memref<128x64xf32, #tpu.memory_space<hbm>>)
    %dma_start3A_146 = arith.constant 4 : i32
    %dma_start3A_147 = arith.constant 0 : i32
    %dma_start3A_148 = arith.constant 512 : i32
    %dma_start3A_149 = tpu.memref_slice %arg8[%dma_start3A_147, %dma_start3A_148] : memref<1x1664xi32, #tpu.memory_space<vmem>> -> memref<1x128xi32, #tpu.memory_space<vmem>>
    %dma_start3A_150 = tpu.memref_squeeze %dma_start3A_149 : memref<1x128xi32, #tpu.memory_space<vmem>> -> memref<128xi32, #tpu.memory_space<vmem>>
    %dma_start3A_151 = arith.constant 0 : i32
    %dma_start3A_152 = arith.constant 0 : i32
    %dma_start3A_153 = tpu.memref_slice %arg2[%dma_start3A_146, %dma_start3A_151, %dma_start3A_152] : memref<13x100000x64xf32, #tpu.memory_space<hbm>> -> memref<1x100000x64xf32, #tpu.memory_space<hbm>>
    %dma_start3A_154 = tpu.memref_squeeze %dma_start3A_153 : memref<1x100000x64xf32, #tpu.memory_space<hbm>> -> memref<100000x64xf32, #tpu.memory_space<hbm>>
    %dma_start3A_155 = arith.constant 0 : i32
    %dma_start3A_156 = arith.constant 0 : i32
    %dma_start3A_157 = tpu.memref_slice %dma_start3A_154[%dma_start3A_155, %dma_start3A_156] : memref<100000x64xf32, #tpu.memory_space<hbm>> -> memref<100000x64xf32, #tpu.memory_space<hbm>>
    tpu.enqueue_indirect_dma source(%dma_start3A_157 : memref<100000x64xf32, #tpu.memory_space<hbm>>) target(%arg10 : memref<128x64xf32, #tpu.memory_space<vmem>>) offsets(%dma_start3A_150 : memref<128xi32, #tpu.memory_space<vmem>>) semaphore(%arg14 : memref<!tpu.dma_semaphore, #tpu.memory_space<semaphore_mem>>)
    %dma_wait3A_158 = arith.constant 4 : i32
    %dma_wait3A_159 = arith.constant 0 : i32
    %dma_wait3A_160 = arith.constant 512 : i32
    %dma_wait3A_161 = tpu.memref_slice %arg8[%dma_wait3A_159, %dma_wait3A_160] : memref<1x1664xi32, #tpu.memory_space<vmem>> -> memref<1x128xi32, #tpu.memory_space<vmem>>
    %dma_wait3A_162 = tpu.memref_squeeze %dma_wait3A_161 : memref<1x128xi32, #tpu.memory_space<vmem>> -> memref<128xi32, #tpu.memory_space<vmem>>
    %dma_wait3A_163 = arith.constant 0 : i32
    %dma_wait3A_164 = arith.constant 0 : i32
    %dma_wait3A_165 = tpu.memref_slice %arg2[%dma_wait3A_158, %dma_wait3A_163, %dma_wait3A_164] : memref<13x100000x64xf32, #tpu.memory_space<hbm>> -> memref<1x100000x64xf32, #tpu.memory_space<hbm>>
    %dma_wait3A_166 = tpu.memref_squeeze %dma_wait3A_165 : memref<1x100000x64xf32, #tpu.memory_space<hbm>> -> memref<100000x64xf32, #tpu.memory_space<hbm>>
    %dma_wait3A_167 = arith.constant 0 : i32
    %dma_wait3A_168 = arith.constant 0 : i32
    %dma_wait3A_169 = tpu.memref_slice %dma_wait3A_166[%dma_wait3A_167, %dma_wait3A_168] : memref<100000x64xf32, #tpu.memory_space<hbm>> -> memref<100000x64xf32, #tpu.memory_space<hbm>>
    tpu.wait_indirect_dma semaphore(%arg14 : memref<!tpu.dma_semaphore, #tpu.memory_space<semaphore_mem>>) src(%dma_wait3A_169 : memref<100000x64xf32, #tpu.memory_space<hbm>>) dst(%arg10 : memref<128x64xf32, #tpu.memory_space<vmem>>)
    %dma_start3A_170 = arith.constant 4 : i32
    %dma_start3A_171 = arith.constant 0 : i32
    %dma_start3A_172 = tpu.memref_slice %arg6[%dma_start3A_170, %mul3A_2, %dma_start3A_171] : memref<13x4096x64xf32, #tpu.memory_space<hbm>> -> memref<1x128x64xf32, #tpu.memory_space<hbm>>
    %dma_start3A_173 = tpu.memref_squeeze %dma_start3A_172 : memref<1x128x64xf32, #tpu.memory_space<hbm>> -> memref<128x64xf32, #tpu.memory_space<hbm>>
    %dma_start3A_174 = arith.constant 0 : i32
    %dma_start3A_175 = tpu.memref_slice %arg6[%dma_start3A_170, %mul3A_2, %dma_start3A_174] : memref<13x4096x64xf32, #tpu.memory_space<hbm>> -> memref<1x128x64xf32, #tpu.memory_space<hbm>>
    %dma_start3A_176 = tpu.memref_squeeze %dma_start3A_175 : memref<1x128x64xf32, #tpu.memory_space<hbm>> -> memref<128x64xf32, #tpu.memory_space<hbm>>
    tpu.enqueue_dma source(%arg10 : memref<128x64xf32, #tpu.memory_space<vmem>>) target(%dma_start3A_176 : memref<128x64xf32, #tpu.memory_space<hbm>>) target_semaphore(%arg14 : memref<!tpu.dma_semaphore, #tpu.memory_space<semaphore_mem>>)
    %dma_wait3A_177 = arith.constant 3 : i32
    %dma_wait3A_178 = arith.constant 0 : i32
    %dma_wait3A_179 = tpu.memref_slice %arg6[%dma_wait3A_177, %mul3A_2, %dma_wait3A_178] : memref<13x4096x64xf32, #tpu.memory_space<hbm>> -> memref<1x128x64xf32, #tpu.memory_space<hbm>>
    %dma_wait3A_180 = tpu.memref_squeeze %dma_wait3A_179 : memref<1x128x64xf32, #tpu.memory_space<hbm>> -> memref<128x64xf32, #tpu.memory_space<hbm>>
    %dma_wait3A_181 = arith.constant 0 : i32
    %dma_wait3A_182 = tpu.memref_slice %arg6[%dma_wait3A_177, %mul3A_2, %dma_wait3A_181] : memref<13x4096x64xf32, #tpu.memory_space<hbm>> -> memref<1x128x64xf32, #tpu.memory_space<hbm>>
    %dma_wait3A_183 = tpu.memref_squeeze %dma_wait3A_182 : memref<1x128x64xf32, #tpu.memory_space<hbm>> -> memref<128x64xf32, #tpu.memory_space<hbm>>
    tpu.wait_dma2 semaphore(%arg15 : memref<!tpu.dma_semaphore, #tpu.memory_space<semaphore_mem>>) src(%arg11 : memref<128x64xf32, #tpu.memory_space<vmem>>) dst(%dma_wait3A_183 : memref<128x64xf32, #tpu.memory_space<hbm>>)
    %dma_start3A_184 = arith.constant 5 : i32
    %dma_start3A_185 = arith.constant 0 : i32
    %dma_start3A_186 = arith.constant 640 : i32
    %dma_start3A_187 = tpu.memref_slice %arg8[%dma_start3A_185, %dma_start3A_186] : memref<1x1664xi32, #tpu.memory_space<vmem>> -> memref<1x128xi32, #tpu.memory_space<vmem>>
    %dma_start3A_188 = tpu.memref_squeeze %dma_start3A_187 : memref<1x128xi32, #tpu.memory_space<vmem>> -> memref<128xi32, #tpu.memory_space<vmem>>
    %dma_start3A_189 = arith.constant 0 : i32
    %dma_start3A_190 = arith.constant 0 : i32
    %dma_start3A_191 = tpu.memref_slice %arg2[%dma_start3A_184, %dma_start3A_189, %dma_start3A_190] : memref<13x100000x64xf32, #tpu.memory_space<hbm>> -> memref<1x100000x64xf32, #tpu.memory_space<hbm>>
    %dma_start3A_192 = tpu.memref_squeeze %dma_start3A_191 : memref<1x100000x64xf32, #tpu.memory_space<hbm>> -> memref<100000x64xf32, #tpu.memory_space<hbm>>
    %dma_start3A_193 = arith.constant 0 : i32
    %dma_start3A_194 = arith.constant 0 : i32
    %dma_start3A_195 = tpu.memref_slice %dma_start3A_192[%dma_start3A_193, %dma_start3A_194] : memref<100000x64xf32, #tpu.memory_space<hbm>> -> memref<100000x64xf32, #tpu.memory_space<hbm>>
    tpu.enqueue_indirect_dma source(%dma_start3A_195 : memref<100000x64xf32, #tpu.memory_space<hbm>>) target(%arg11 : memref<128x64xf32, #tpu.memory_space<vmem>>) offsets(%dma_start3A_188 : memref<128xi32, #tpu.memory_space<vmem>>) semaphore(%arg15 : memref<!tpu.dma_semaphore, #tpu.memory_space<semaphore_mem>>)
    %dma_wait3A_196 = arith.constant 5 : i32
    %dma_wait3A_197 = arith.constant 0 : i32
    %dma_wait3A_198 = arith.constant 640 : i32
    %dma_wait3A_199 = tpu.memref_slice %arg8[%dma_wait3A_197, %dma_wait3A_198] : memref<1x1664xi32, #tpu.memory_space<vmem>> -> memref<1x128xi32, #tpu.memory_space<vmem>>
    %dma_wait3A_200 = tpu.memref_squeeze %dma_wait3A_199 : memref<1x128xi32, #tpu.memory_space<vmem>> -> memref<128xi32, #tpu.memory_space<vmem>>
    %dma_wait3A_201 = arith.constant 0 : i32
    %dma_wait3A_202 = arith.constant 0 : i32
    %dma_wait3A_203 = tpu.memref_slice %arg2[%dma_wait3A_196, %dma_wait3A_201, %dma_wait3A_202] : memref<13x100000x64xf32, #tpu.memory_space<hbm>> -> memref<1x100000x64xf32, #tpu.memory_space<hbm>>
    %dma_wait3A_204 = tpu.memref_squeeze %dma_wait3A_203 : memref<1x100000x64xf32, #tpu.memory_space<hbm>> -> memref<100000x64xf32, #tpu.memory_space<hbm>>
    %dma_wait3A_205 = arith.constant 0 : i32
    %dma_wait3A_206 = arith.constant 0 : i32
    %dma_wait3A_207 = tpu.memref_slice %dma_wait3A_204[%dma_wait3A_205, %dma_wait3A_206] : memref<100000x64xf32, #tpu.memory_space<hbm>> -> memref<100000x64xf32, #tpu.memory_space<hbm>>
    tpu.wait_indirect_dma semaphore(%arg15 : memref<!tpu.dma_semaphore, #tpu.memory_space<semaphore_mem>>) src(%dma_wait3A_207 : memref<100000x64xf32, #tpu.memory_space<hbm>>) dst(%arg11 : memref<128x64xf32, #tpu.memory_space<vmem>>)
    %dma_start3A_208 = arith.constant 5 : i32
    %dma_start3A_209 = arith.constant 0 : i32
    %dma_start3A_210 = tpu.memref_slice %arg6[%dma_start3A_208, %mul3A_2, %dma_start3A_209] : memref<13x4096x64xf32, #tpu.memory_space<hbm>> -> memref<1x128x64xf32, #tpu.memory_space<hbm>>
    %dma_start3A_211 = tpu.memref_squeeze %dma_start3A_210 : memref<1x128x64xf32, #tpu.memory_space<hbm>> -> memref<128x64xf32, #tpu.memory_space<hbm>>
    %dma_start3A_212 = arith.constant 0 : i32
    %dma_start3A_213 = tpu.memref_slice %arg6[%dma_start3A_208, %mul3A_2, %dma_start3A_212] : memref<13x4096x64xf32, #tpu.memory_space<hbm>> -> memref<1x128x64xf32, #tpu.memory_space<hbm>>
    %dma_start3A_214 = tpu.memref_squeeze %dma_start3A_213 : memref<1x128x64xf32, #tpu.memory_space<hbm>> -> memref<128x64xf32, #tpu.memory_space<hbm>>
    tpu.enqueue_dma source(%arg11 : memref<128x64xf32, #tpu.memory_space<vmem>>) target(%dma_start3A_214 : memref<128x64xf32, #tpu.memory_space<hbm>>) target_semaphore(%arg15 : memref<!tpu.dma_semaphore, #tpu.memory_space<semaphore_mem>>)
    %dma_wait3A_215 = arith.constant 4 : i32
    %dma_wait3A_216 = arith.constant 0 : i32
    %dma_wait3A_217 = tpu.memref_slice %arg6[%dma_wait3A_215, %mul3A_2, %dma_wait3A_216] : memref<13x4096x64xf32, #tpu.memory_space<hbm>> -> memref<1x128x64xf32, #tpu.memory_space<hbm>>
    %dma_wait3A_218 = tpu.memref_squeeze %dma_wait3A_217 : memref<1x128x64xf32, #tpu.memory_space<hbm>> -> memref<128x64xf32, #tpu.memory_space<hbm>>
    %dma_wait3A_219 = arith.constant 0 : i32
    %dma_wait3A_220 = tpu.memref_slice %arg6[%dma_wait3A_215, %mul3A_2, %dma_wait3A_219] : memref<13x4096x64xf32, #tpu.memory_space<hbm>> -> memref<1x128x64xf32, #tpu.memory_space<hbm>>
    %dma_wait3A_221 = tpu.memref_squeeze %dma_wait3A_220 : memref<1x128x64xf32, #tpu.memory_space<hbm>> -> memref<128x64xf32, #tpu.memory_space<hbm>>
    tpu.wait_dma2 semaphore(%arg14 : memref<!tpu.dma_semaphore, #tpu.memory_space<semaphore_mem>>) src(%arg10 : memref<128x64xf32, #tpu.memory_space<vmem>>) dst(%dma_wait3A_221 : memref<128x64xf32, #tpu.memory_space<hbm>>)
    %dma_start3A_222 = arith.constant 6 : i32
    %dma_start3A_223 = arith.constant 0 : i32
    %dma_start3A_224 = arith.constant 768 : i32
    %dma_start3A_225 = tpu.memref_slice %arg8[%dma_start3A_223, %dma_start3A_224] : memref<1x1664xi32, #tpu.memory_space<vmem>> -> memref<1x128xi32, #tpu.memory_space<vmem>>
    %dma_start3A_226 = tpu.memref_squeeze %dma_start3A_225 : memref<1x128xi32, #tpu.memory_space<vmem>> -> memref<128xi32, #tpu.memory_space<vmem>>
    %dma_start3A_227 = arith.constant 0 : i32
    %dma_start3A_228 = arith.constant 0 : i32
    %dma_start3A_229 = tpu.memref_slice %arg2[%dma_start3A_222, %dma_start3A_227, %dma_start3A_228] : memref<13x100000x64xf32, #tpu.memory_space<hbm>> -> memref<1x100000x64xf32, #tpu.memory_space<hbm>>
    %dma_start3A_230 = tpu.memref_squeeze %dma_start3A_229 : memref<1x100000x64xf32, #tpu.memory_space<hbm>> -> memref<100000x64xf32, #tpu.memory_space<hbm>>
    %dma_start3A_231 = arith.constant 0 : i32
    %dma_start3A_232 = arith.constant 0 : i32
    %dma_start3A_233 = tpu.memref_slice %dma_start3A_230[%dma_start3A_231, %dma_start3A_232] : memref<100000x64xf32, #tpu.memory_space<hbm>> -> memref<100000x64xf32, #tpu.memory_space<hbm>>
    tpu.enqueue_indirect_dma source(%dma_start3A_233 : memref<100000x64xf32, #tpu.memory_space<hbm>>) target(%arg10 : memref<128x64xf32, #tpu.memory_space<vmem>>) offsets(%dma_start3A_226 : memref<128xi32, #tpu.memory_space<vmem>>) semaphore(%arg14 : memref<!tpu.dma_semaphore, #tpu.memory_space<semaphore_mem>>)
    %dma_wait3A_234 = arith.constant 6 : i32
    %dma_wait3A_235 = arith.constant 0 : i32
    %dma_wait3A_236 = arith.constant 768 : i32
    %dma_wait3A_237 = tpu.memref_slice %arg8[%dma_wait3A_235, %dma_wait3A_236] : memref<1x1664xi32, #tpu.memory_space<vmem>> -> memref<1x128xi32, #tpu.memory_space<vmem>>
    %dma_wait3A_238 = tpu.memref_squeeze %dma_wait3A_237 : memref<1x128xi32, #tpu.memory_space<vmem>> -> memref<128xi32, #tpu.memory_space<vmem>>
    %dma_wait3A_239 = arith.constant 0 : i32
    %dma_wait3A_240 = arith.constant 0 : i32
    %dma_wait3A_241 = tpu.memref_slice %arg2[%dma_wait3A_234, %dma_wait3A_239, %dma_wait3A_240] : memref<13x100000x64xf32, #tpu.memory_space<hbm>> -> memref<1x100000x64xf32, #tpu.memory_space<hbm>>
    %dma_wait3A_242 = tpu.memref_squeeze %dma_wait3A_241 : memref<1x100000x64xf32, #tpu.memory_space<hbm>> -> memref<100000x64xf32, #tpu.memory_space<hbm>>
    %dma_wait3A_243 = arith.constant 0 : i32
    %dma_wait3A_244 = arith.constant 0 : i32
    %dma_wait3A_245 = tpu.memref_slice %dma_wait3A_242[%dma_wait3A_243, %dma_wait3A_244] : memref<100000x64xf32, #tpu.memory_space<hbm>> -> memref<100000x64xf32, #tpu.memory_space<hbm>>
    tpu.wait_indirect_dma semaphore(%arg14 : memref<!tpu.dma_semaphore, #tpu.memory_space<semaphore_mem>>) src(%dma_wait3A_245 : memref<100000x64xf32, #tpu.memory_space<hbm>>) dst(%arg10 : memref<128x64xf32, #tpu.memory_space<vmem>>)
    %dma_start3A_246 = arith.constant 6 : i32
    %dma_start3A_247 = arith.constant 0 : i32
    %dma_start3A_248 = tpu.memref_slice %arg6[%dma_start3A_246, %mul3A_2, %dma_start3A_247] : memref<13x4096x64xf32, #tpu.memory_space<hbm>> -> memref<1x128x64xf32, #tpu.memory_space<hbm>>
    %dma_start3A_249 = tpu.memref_squeeze %dma_start3A_248 : memref<1x128x64xf32, #tpu.memory_space<hbm>> -> memref<128x64xf32, #tpu.memory_space<hbm>>
    %dma_start3A_250 = arith.constant 0 : i32
    %dma_start3A_251 = tpu.memref_slice %arg6[%dma_start3A_246, %mul3A_2, %dma_start3A_250] : memref<13x4096x64xf32, #tpu.memory_space<hbm>> -> memref<1x128x64xf32, #tpu.memory_space<hbm>>
    %dma_start3A_252 = tpu.memref_squeeze %dma_start3A_251 : memref<1x128x64xf32, #tpu.memory_space<hbm>> -> memref<128x64xf32, #tpu.memory_space<hbm>>
    tpu.enqueue_dma source(%arg10 : memref<128x64xf32, #tpu.memory_space<vmem>>) target(%dma_start3A_252 : memref<128x64xf32, #tpu.memory_space<hbm>>) target_semaphore(%arg14 : memref<!tpu.dma_semaphore, #tpu.memory_space<semaphore_mem>>)
    %dma_wait3A_253 = arith.constant 5 : i32
    %dma_wait3A_254 = arith.constant 0 : i32
    %dma_wait3A_255 = tpu.memref_slice %arg6[%dma_wait3A_253, %mul3A_2, %dma_wait3A_254] : memref<13x4096x64xf32, #tpu.memory_space<hbm>> -> memref<1x128x64xf32, #tpu.memory_space<hbm>>
    %dma_wait3A_256 = tpu.memref_squeeze %dma_wait3A_255 : memref<1x128x64xf32, #tpu.memory_space<hbm>> -> memref<128x64xf32, #tpu.memory_space<hbm>>
    %dma_wait3A_257 = arith.constant 0 : i32
    %dma_wait3A_258 = tpu.memref_slice %arg6[%dma_wait3A_253, %mul3A_2, %dma_wait3A_257] : memref<13x4096x64xf32, #tpu.memory_space<hbm>> -> memref<1x128x64xf32, #tpu.memory_space<hbm>>
    %dma_wait3A_259 = tpu.memref_squeeze %dma_wait3A_258 : memref<1x128x64xf32, #tpu.memory_space<hbm>> -> memref<128x64xf32, #tpu.memory_space<hbm>>
    tpu.wait_dma2 semaphore(%arg15 : memref<!tpu.dma_semaphore, #tpu.memory_space<semaphore_mem>>) src(%arg11 : memref<128x64xf32, #tpu.memory_space<vmem>>) dst(%dma_wait3A_259 : memref<128x64xf32, #tpu.memory_space<hbm>>)
    %dma_start3A_260 = arith.constant 7 : i32
    %dma_start3A_261 = arith.constant 0 : i32
    %dma_start3A_262 = arith.constant 896 : i32
    %dma_start3A_263 = tpu.memref_slice %arg8[%dma_start3A_261, %dma_start3A_262] : memref<1x1664xi32, #tpu.memory_space<vmem>> -> memref<1x128xi32, #tpu.memory_space<vmem>>
    %dma_start3A_264 = tpu.memref_squeeze %dma_start3A_263 : memref<1x128xi32, #tpu.memory_space<vmem>> -> memref<128xi32, #tpu.memory_space<vmem>>
    %dma_start3A_265 = arith.constant 0 : i32
    %dma_start3A_266 = arith.constant 0 : i32
    %dma_start3A_267 = tpu.memref_slice %arg2[%dma_start3A_260, %dma_start3A_265, %dma_start3A_266] : memref<13x100000x64xf32, #tpu.memory_space<hbm>> -> memref<1x100000x64xf32, #tpu.memory_space<hbm>>
    %dma_start3A_268 = tpu.memref_squeeze %dma_start3A_267 : memref<1x100000x64xf32, #tpu.memory_space<hbm>> -> memref<100000x64xf32, #tpu.memory_space<hbm>>
    %dma_start3A_269 = arith.constant 0 : i32
    %dma_start3A_270 = arith.constant 0 : i32
    %dma_start3A_271 = tpu.memref_slice %dma_start3A_268[%dma_start3A_269, %dma_start3A_270] : memref<100000x64xf32, #tpu.memory_space<hbm>> -> memref<100000x64xf32, #tpu.memory_space<hbm>>
    tpu.enqueue_indirect_dma source(%dma_start3A_271 : memref<100000x64xf32, #tpu.memory_space<hbm>>) target(%arg11 : memref<128x64xf32, #tpu.memory_space<vmem>>) offsets(%dma_start3A_264 : memref<128xi32, #tpu.memory_space<vmem>>) semaphore(%arg15 : memref<!tpu.dma_semaphore, #tpu.memory_space<semaphore_mem>>)
    %dma_wait3A_272 = arith.constant 7 : i32
    %dma_wait3A_273 = arith.constant 0 : i32
    %dma_wait3A_274 = arith.constant 896 : i32
    %dma_wait3A_275 = tpu.memref_slice %arg8[%dma_wait3A_273, %dma_wait3A_274] : memref<1x1664xi32, #tpu.memory_space<vmem>> -> memref<1x128xi32, #tpu.memory_space<vmem>>
    %dma_wait3A_276 = tpu.memref_squeeze %dma_wait3A_275 : memref<1x128xi32, #tpu.memory_space<vmem>> -> memref<128xi32, #tpu.memory_space<vmem>>
    %dma_wait3A_277 = arith.constant 0 : i32
    %dma_wait3A_278 = arith.constant 0 : i32
    %dma_wait3A_279 = tpu.memref_slice %arg2[%dma_wait3A_272, %dma_wait3A_277, %dma_wait3A_278] : memref<13x100000x64xf32, #tpu.memory_space<hbm>> -> memref<1x100000x64xf32, #tpu.memory_space<hbm>>
    %dma_wait3A_280 = tpu.memref_squeeze %dma_wait3A_279 : memref<1x100000x64xf32, #tpu.memory_space<hbm>> -> memref<100000x64xf32, #tpu.memory_space<hbm>>
    %dma_wait3A_281 = arith.constant 0 : i32
    %dma_wait3A_282 = arith.constant 0 : i32
    %dma_wait3A_283 = tpu.memref_slice %dma_wait3A_280[%dma_wait3A_281, %dma_wait3A_282] : memref<100000x64xf32, #tpu.memory_space<hbm>> -> memref<100000x64xf32, #tpu.memory_space<hbm>>
    tpu.wait_indirect_dma semaphore(%arg15 : memref<!tpu.dma_semaphore, #tpu.memory_space<semaphore_mem>>) src(%dma_wait3A_283 : memref<100000x64xf32, #tpu.memory_space<hbm>>) dst(%arg11 : memref<128x64xf32, #tpu.memory_space<vmem>>)
    %dma_start3A_284 = arith.constant 7 : i32
    %dma_start3A_285 = arith.constant 0 : i32
    %dma_start3A_286 = tpu.memref_slice %arg6[%dma_start3A_284, %mul3A_2, %dma_start3A_285] : memref<13x4096x64xf32, #tpu.memory_space<hbm>> -> memref<1x128x64xf32, #tpu.memory_space<hbm>>
    %dma_start3A_287 = tpu.memref_squeeze %dma_start3A_286 : memref<1x128x64xf32, #tpu.memory_space<hbm>> -> memref<128x64xf32, #tpu.memory_space<hbm>>
    %dma_start3A_288 = arith.constant 0 : i32
    %dma_start3A_289 = tpu.memref_slice %arg6[%dma_start3A_284, %mul3A_2, %dma_start3A_288] : memref<13x4096x64xf32, #tpu.memory_space<hbm>> -> memref<1x128x64xf32, #tpu.memory_space<hbm>>
    %dma_start3A_290 = tpu.memref_squeeze %dma_start3A_289 : memref<1x128x64xf32, #tpu.memory_space<hbm>> -> memref<128x64xf32, #tpu.memory_space<hbm>>
    tpu.enqueue_dma source(%arg11 : memref<128x64xf32, #tpu.memory_space<vmem>>) target(%dma_start3A_290 : memref<128x64xf32, #tpu.memory_space<hbm>>) target_semaphore(%arg15 : memref<!tpu.dma_semaphore, #tpu.memory_space<semaphore_mem>>)
    %dma_wait3A_291 = arith.constant 6 : i32
    %dma_wait3A_292 = arith.constant 0 : i32
    %dma_wait3A_293 = tpu.memref_slice %arg6[%dma_wait3A_291, %mul3A_2, %dma_wait3A_292] : memref<13x4096x64xf32, #tpu.memory_space<hbm>> -> memref<1x128x64xf32, #tpu.memory_space<hbm>>
    %dma_wait3A_294 = tpu.memref_squeeze %dma_wait3A_293 : memref<1x128x64xf32, #tpu.memory_space<hbm>> -> memref<128x64xf32, #tpu.memory_space<hbm>>
    %dma_wait3A_295 = arith.constant 0 : i32
    %dma_wait3A_296 = tpu.memref_slice %arg6[%dma_wait3A_291, %mul3A_2, %dma_wait3A_295] : memref<13x4096x64xf32, #tpu.memory_space<hbm>> -> memref<1x128x64xf32, #tpu.memory_space<hbm>>
    %dma_wait3A_297 = tpu.memref_squeeze %dma_wait3A_296 : memref<1x128x64xf32, #tpu.memory_space<hbm>> -> memref<128x64xf32, #tpu.memory_space<hbm>>
    tpu.wait_dma2 semaphore(%arg14 : memref<!tpu.dma_semaphore, #tpu.memory_space<semaphore_mem>>) src(%arg10 : memref<128x64xf32, #tpu.memory_space<vmem>>) dst(%dma_wait3A_297 : memref<128x64xf32, #tpu.memory_space<hbm>>)
    %dma_start3A_298 = arith.constant 8 : i32
    %dma_start3A_299 = arith.constant 0 : i32
    %dma_start3A_300 = arith.constant 1024 : i32
    %dma_start3A_301 = tpu.memref_slice %arg8[%dma_start3A_299, %dma_start3A_300] : memref<1x1664xi32, #tpu.memory_space<vmem>> -> memref<1x128xi32, #tpu.memory_space<vmem>>
    %dma_start3A_302 = tpu.memref_squeeze %dma_start3A_301 : memref<1x128xi32, #tpu.memory_space<vmem>> -> memref<128xi32, #tpu.memory_space<vmem>>
    %dma_start3A_303 = arith.constant 0 : i32
    %dma_start3A_304 = arith.constant 0 : i32
    %dma_start3A_305 = tpu.memref_slice %arg2[%dma_start3A_298, %dma_start3A_303, %dma_start3A_304] : memref<13x100000x64xf32, #tpu.memory_space<hbm>> -> memref<1x100000x64xf32, #tpu.memory_space<hbm>>
    %dma_start3A_306 = tpu.memref_squeeze %dma_start3A_305 : memref<1x100000x64xf32, #tpu.memory_space<hbm>> -> memref<100000x64xf32, #tpu.memory_space<hbm>>
    %dma_start3A_307 = arith.constant 0 : i32
    %dma_start3A_308 = arith.constant 0 : i32
    %dma_start3A_309 = tpu.memref_slice %dma_start3A_306[%dma_start3A_307, %dma_start3A_308] : memref<100000x64xf32, #tpu.memory_space<hbm>> -> memref<100000x64xf32, #tpu.memory_space<hbm>>
    tpu.enqueue_indirect_dma source(%dma_start3A_309 : memref<100000x64xf32, #tpu.memory_space<hbm>>) target(%arg10 : memref<128x64xf32, #tpu.memory_space<vmem>>) offsets(%dma_start3A_302 : memref<128xi32, #tpu.memory_space<vmem>>) semaphore(%arg14 : memref<!tpu.dma_semaphore, #tpu.memory_space<semaphore_mem>>)
    %dma_wait3A_310 = arith.constant 8 : i32
    %dma_wait3A_311 = arith.constant 0 : i32
    %dma_wait3A_312 = arith.constant 1024 : i32
    %dma_wait3A_313 = tpu.memref_slice %arg8[%dma_wait3A_311, %dma_wait3A_312] : memref<1x1664xi32, #tpu.memory_space<vmem>> -> memref<1x128xi32, #tpu.memory_space<vmem>>
    %dma_wait3A_314 = tpu.memref_squeeze %dma_wait3A_313 : memref<1x128xi32, #tpu.memory_space<vmem>> -> memref<128xi32, #tpu.memory_space<vmem>>
    %dma_wait3A_315 = arith.constant 0 : i32
    %dma_wait3A_316 = arith.constant 0 : i32
    %dma_wait3A_317 = tpu.memref_slice %arg2[%dma_wait3A_310, %dma_wait3A_315, %dma_wait3A_316] : memref<13x100000x64xf32, #tpu.memory_space<hbm>> -> memref<1x100000x64xf32, #tpu.memory_space<hbm>>
    %dma_wait3A_318 = tpu.memref_squeeze %dma_wait3A_317 : memref<1x100000x64xf32, #tpu.memory_space<hbm>> -> memref<100000x64xf32, #tpu.memory_space<hbm>>
    %dma_wait3A_319 = arith.constant 0 : i32
    %dma_wait3A_320 = arith.constant 0 : i32
    %dma_wait3A_321 = tpu.memref_slice %dma_wait3A_318[%dma_wait3A_319, %dma_wait3A_320] : memref<100000x64xf32, #tpu.memory_space<hbm>> -> memref<100000x64xf32, #tpu.memory_space<hbm>>
    tpu.wait_indirect_dma semaphore(%arg14 : memref<!tpu.dma_semaphore, #tpu.memory_space<semaphore_mem>>) src(%dma_wait3A_321 : memref<100000x64xf32, #tpu.memory_space<hbm>>) dst(%arg10 : memref<128x64xf32, #tpu.memory_space<vmem>>)
    %dma_start3A_322 = arith.constant 8 : i32
    %dma_start3A_323 = arith.constant 0 : i32
    %dma_start3A_324 = tpu.memref_slice %arg6[%dma_start3A_322, %mul3A_2, %dma_start3A_323] : memref<13x4096x64xf32, #tpu.memory_space<hbm>> -> memref<1x128x64xf32, #tpu.memory_space<hbm>>
    %dma_start3A_325 = tpu.memref_squeeze %dma_start3A_324 : memref<1x128x64xf32, #tpu.memory_space<hbm>> -> memref<128x64xf32, #tpu.memory_space<hbm>>
    %dma_start3A_326 = arith.constant 0 : i32
    %dma_start3A_327 = tpu.memref_slice %arg6[%dma_start3A_322, %mul3A_2, %dma_start3A_326] : memref<13x4096x64xf32, #tpu.memory_space<hbm>> -> memref<1x128x64xf32, #tpu.memory_space<hbm>>
    %dma_start3A_328 = tpu.memref_squeeze %dma_start3A_327 : memref<1x128x64xf32, #tpu.memory_space<hbm>> -> memref<128x64xf32, #tpu.memory_space<hbm>>
    tpu.enqueue_dma source(%arg10 : memref<128x64xf32, #tpu.memory_space<vmem>>) target(%dma_start3A_328 : memref<128x64xf32, #tpu.memory_space<hbm>>) target_semaphore(%arg14 : memref<!tpu.dma_semaphore, #tpu.memory_space<semaphore_mem>>)
    %dma_wait3A_329 = arith.constant 7 : i32
    %dma_wait3A_330 = arith.constant 0 : i32
    %dma_wait3A_331 = tpu.memref_slice %arg6[%dma_wait3A_329, %mul3A_2, %dma_wait3A_330] : memref<13x4096x64xf32, #tpu.memory_space<hbm>> -> memref<1x128x64xf32, #tpu.memory_space<hbm>>
    %dma_wait3A_332 = tpu.memref_squeeze %dma_wait3A_331 : memref<1x128x64xf32, #tpu.memory_space<hbm>> -> memref<128x64xf32, #tpu.memory_space<hbm>>
    %dma_wait3A_333 = arith.constant 0 : i32
    %dma_wait3A_334 = tpu.memref_slice %arg6[%dma_wait3A_329, %mul3A_2, %dma_wait3A_333] : memref<13x4096x64xf32, #tpu.memory_space<hbm>> -> memref<1x128x64xf32, #tpu.memory_space<hbm>>
    %dma_wait3A_335 = tpu.memref_squeeze %dma_wait3A_334 : memref<1x128x64xf32, #tpu.memory_space<hbm>> -> memref<128x64xf32, #tpu.memory_space<hbm>>
    tpu.wait_dma2 semaphore(%arg15 : memref<!tpu.dma_semaphore, #tpu.memory_space<semaphore_mem>>) src(%arg11 : memref<128x64xf32, #tpu.memory_space<vmem>>) dst(%dma_wait3A_335 : memref<128x64xf32, #tpu.memory_space<hbm>>)
    %dma_start3A_336 = arith.constant 9 : i32
    %dma_start3A_337 = arith.constant 0 : i32
    %dma_start3A_338 = arith.constant 1152 : i32
    %dma_start3A_339 = tpu.memref_slice %arg8[%dma_start3A_337, %dma_start3A_338] : memref<1x1664xi32, #tpu.memory_space<vmem>> -> memref<1x128xi32, #tpu.memory_space<vmem>>
    %dma_start3A_340 = tpu.memref_squeeze %dma_start3A_339 : memref<1x128xi32, #tpu.memory_space<vmem>> -> memref<128xi32, #tpu.memory_space<vmem>>
    %dma_start3A_341 = arith.constant 0 : i32
    %dma_start3A_342 = arith.constant 0 : i32
    %dma_start3A_343 = tpu.memref_slice %arg2[%dma_start3A_336, %dma_start3A_341, %dma_start3A_342] : memref<13x100000x64xf32, #tpu.memory_space<hbm>> -> memref<1x100000x64xf32, #tpu.memory_space<hbm>>
    %dma_start3A_344 = tpu.memref_squeeze %dma_start3A_343 : memref<1x100000x64xf32, #tpu.memory_space<hbm>> -> memref<100000x64xf32, #tpu.memory_space<hbm>>
    %dma_start3A_345 = arith.constant 0 : i32
    %dma_start3A_346 = arith.constant 0 : i32
    %dma_start3A_347 = tpu.memref_slice %dma_start3A_344[%dma_start3A_345, %dma_start3A_346] : memref<100000x64xf32, #tpu.memory_space<hbm>> -> memref<100000x64xf32, #tpu.memory_space<hbm>>
    tpu.enqueue_indirect_dma source(%dma_start3A_347 : memref<100000x64xf32, #tpu.memory_space<hbm>>) target(%arg11 : memref<128x64xf32, #tpu.memory_space<vmem>>) offsets(%dma_start3A_340 : memref<128xi32, #tpu.memory_space<vmem>>) semaphore(%arg15 : memref<!tpu.dma_semaphore, #tpu.memory_space<semaphore_mem>>)
    %dma_wait3A_348 = arith.constant 9 : i32
    %dma_wait3A_349 = arith.constant 0 : i32
    %dma_wait3A_350 = arith.constant 1152 : i32
    %dma_wait3A_351 = tpu.memref_slice %arg8[%dma_wait3A_349, %dma_wait3A_350] : memref<1x1664xi32, #tpu.memory_space<vmem>> -> memref<1x128xi32, #tpu.memory_space<vmem>>
    %dma_wait3A_352 = tpu.memref_squeeze %dma_wait3A_351 : memref<1x128xi32, #tpu.memory_space<vmem>> -> memref<128xi32, #tpu.memory_space<vmem>>
    %dma_wait3A_353 = arith.constant 0 : i32
    %dma_wait3A_354 = arith.constant 0 : i32
    %dma_wait3A_355 = tpu.memref_slice %arg2[%dma_wait3A_348, %dma_wait3A_353, %dma_wait3A_354] : memref<13x100000x64xf32, #tpu.memory_space<hbm>> -> memref<1x100000x64xf32, #tpu.memory_space<hbm>>
    %dma_wait3A_356 = tpu.memref_squeeze %dma_wait3A_355 : memref<1x100000x64xf32, #tpu.memory_space<hbm>> -> memref<100000x64xf32, #tpu.memory_space<hbm>>
    %dma_wait3A_357 = arith.constant 0 : i32
    %dma_wait3A_358 = arith.constant 0 : i32
    %dma_wait3A_359 = tpu.memref_slice %dma_wait3A_356[%dma_wait3A_357, %dma_wait3A_358] : memref<100000x64xf32, #tpu.memory_space<hbm>> -> memref<100000x64xf32, #tpu.memory_space<hbm>>
    tpu.wait_indirect_dma semaphore(%arg15 : memref<!tpu.dma_semaphore, #tpu.memory_space<semaphore_mem>>) src(%dma_wait3A_359 : memref<100000x64xf32, #tpu.memory_space<hbm>>) dst(%arg11 : memref<128x64xf32, #tpu.memory_space<vmem>>)
    %dma_start3A_360 = arith.constant 9 : i32
    %dma_start3A_361 = arith.constant 0 : i32
    %dma_start3A_362 = tpu.memref_slice %arg6[%dma_start3A_360, %mul3A_2, %dma_start3A_361] : memref<13x4096x64xf32, #tpu.memory_space<hbm>> -> memref<1x128x64xf32, #tpu.memory_space<hbm>>
    %dma_start3A_363 = tpu.memref_squeeze %dma_start3A_362 : memref<1x128x64xf32, #tpu.memory_space<hbm>> -> memref<128x64xf32, #tpu.memory_space<hbm>>
    %dma_start3A_364 = arith.constant 0 : i32
    %dma_start3A_365 = tpu.memref_slice %arg6[%dma_start3A_360, %mul3A_2, %dma_start3A_364] : memref<13x4096x64xf32, #tpu.memory_space<hbm>> -> memref<1x128x64xf32, #tpu.memory_space<hbm>>
    %dma_start3A_366 = tpu.memref_squeeze %dma_start3A_365 : memref<1x128x64xf32, #tpu.memory_space<hbm>> -> memref<128x64xf32, #tpu.memory_space<hbm>>
    tpu.enqueue_dma source(%arg11 : memref<128x64xf32, #tpu.memory_space<vmem>>) target(%dma_start3A_366 : memref<128x64xf32, #tpu.memory_space<hbm>>) target_semaphore(%arg15 : memref<!tpu.dma_semaphore, #tpu.memory_space<semaphore_mem>>)
    %dma_wait3A_367 = arith.constant 8 : i32
    %dma_wait3A_368 = arith.constant 0 : i32
    %dma_wait3A_369 = tpu.memref_slice %arg6[%dma_wait3A_367, %mul3A_2, %dma_wait3A_368] : memref<13x4096x64xf32, #tpu.memory_space<hbm>> -> memref<1x128x64xf32, #tpu.memory_space<hbm>>
    %dma_wait3A_370 = tpu.memref_squeeze %dma_wait3A_369 : memref<1x128x64xf32, #tpu.memory_space<hbm>> -> memref<128x64xf32, #tpu.memory_space<hbm>>
    %dma_wait3A_371 = arith.constant 0 : i32
    %dma_wait3A_372 = tpu.memref_slice %arg6[%dma_wait3A_367, %mul3A_2, %dma_wait3A_371] : memref<13x4096x64xf32, #tpu.memory_space<hbm>> -> memref<1x128x64xf32, #tpu.memory_space<hbm>>
    %dma_wait3A_373 = tpu.memref_squeeze %dma_wait3A_372 : memref<1x128x64xf32, #tpu.memory_space<hbm>> -> memref<128x64xf32, #tpu.memory_space<hbm>>
    tpu.wait_dma2 semaphore(%arg14 : memref<!tpu.dma_semaphore, #tpu.memory_space<semaphore_mem>>) src(%arg10 : memref<128x64xf32, #tpu.memory_space<vmem>>) dst(%dma_wait3A_373 : memref<128x64xf32, #tpu.memory_space<hbm>>)
    %dma_start3A_374 = arith.constant 10 : i32
    %dma_start3A_375 = arith.constant 0 : i32
    %dma_start3A_376 = arith.constant 1280 : i32
    %dma_start3A_377 = tpu.memref_slice %arg8[%dma_start3A_375, %dma_start3A_376] : memref<1x1664xi32, #tpu.memory_space<vmem>> -> memref<1x128xi32, #tpu.memory_space<vmem>>
    %dma_start3A_378 = tpu.memref_squeeze %dma_start3A_377 : memref<1x128xi32, #tpu.memory_space<vmem>> -> memref<128xi32, #tpu.memory_space<vmem>>
    %dma_start3A_379 = arith.constant 0 : i32
    %dma_start3A_380 = arith.constant 0 : i32
    %dma_start3A_381 = tpu.memref_slice %arg2[%dma_start3A_374, %dma_start3A_379, %dma_start3A_380] : memref<13x100000x64xf32, #tpu.memory_space<hbm>> -> memref<1x100000x64xf32, #tpu.memory_space<hbm>>
    %dma_start3A_382 = tpu.memref_squeeze %dma_start3A_381 : memref<1x100000x64xf32, #tpu.memory_space<hbm>> -> memref<100000x64xf32, #tpu.memory_space<hbm>>
    %dma_start3A_383 = arith.constant 0 : i32
    %dma_start3A_384 = arith.constant 0 : i32
    %dma_start3A_385 = tpu.memref_slice %dma_start3A_382[%dma_start3A_383, %dma_start3A_384] : memref<100000x64xf32, #tpu.memory_space<hbm>> -> memref<100000x64xf32, #tpu.memory_space<hbm>>
    tpu.enqueue_indirect_dma source(%dma_start3A_385 : memref<100000x64xf32, #tpu.memory_space<hbm>>) target(%arg10 : memref<128x64xf32, #tpu.memory_space<vmem>>) offsets(%dma_start3A_378 : memref<128xi32, #tpu.memory_space<vmem>>) semaphore(%arg14 : memref<!tpu.dma_semaphore, #tpu.memory_space<semaphore_mem>>)
    %dma_wait3A_386 = arith.constant 10 : i32
    %dma_wait3A_387 = arith.constant 0 : i32
    %dma_wait3A_388 = arith.constant 1280 : i32
    %dma_wait3A_389 = tpu.memref_slice %arg8[%dma_wait3A_387, %dma_wait3A_388] : memref<1x1664xi32, #tpu.memory_space<vmem>> -> memref<1x128xi32, #tpu.memory_space<vmem>>
    %dma_wait3A_390 = tpu.memref_squeeze %dma_wait3A_389 : memref<1x128xi32, #tpu.memory_space<vmem>> -> memref<128xi32, #tpu.memory_space<vmem>>
    %dma_wait3A_391 = arith.constant 0 : i32
    %dma_wait3A_392 = arith.constant 0 : i32
    %dma_wait3A_393 = tpu.memref_slice %arg2[%dma_wait3A_386, %dma_wait3A_391, %dma_wait3A_392] : memref<13x100000x64xf32, #tpu.memory_space<hbm>> -> memref<1x100000x64xf32, #tpu.memory_space<hbm>>
    %dma_wait3A_394 = tpu.memref_squeeze %dma_wait3A_393 : memref<1x100000x64xf32, #tpu.memory_space<hbm>> -> memref<100000x64xf32, #tpu.memory_space<hbm>>
    %dma_wait3A_395 = arith.constant 0 : i32
    %dma_wait3A_396 = arith.constant 0 : i32
    %dma_wait3A_397 = tpu.memref_slice %dma_wait3A_394[%dma_wait3A_395, %dma_wait3A_396] : memref<100000x64xf32, #tpu.memory_space<hbm>> -> memref<100000x64xf32, #tpu.memory_space<hbm>>
    tpu.wait_indirect_dma semaphore(%arg14 : memref<!tpu.dma_semaphore, #tpu.memory_space<semaphore_mem>>) src(%dma_wait3A_397 : memref<100000x64xf32, #tpu.memory_space<hbm>>) dst(%arg10 : memref<128x64xf32, #tpu.memory_space<vmem>>)
    %dma_start3A_398 = arith.constant 10 : i32
    %dma_start3A_399 = arith.constant 0 : i32
    %dma_start3A_400 = tpu.memref_slice %arg6[%dma_start3A_398, %mul3A_2, %dma_start3A_399] : memref<13x4096x64xf32, #tpu.memory_space<hbm>> -> memref<1x128x64xf32, #tpu.memory_space<hbm>>
    %dma_start3A_401 = tpu.memref_squeeze %dma_start3A_400 : memref<1x128x64xf32, #tpu.memory_space<hbm>> -> memref<128x64xf32, #tpu.memory_space<hbm>>
    %dma_start3A_402 = arith.constant 0 : i32
    %dma_start3A_403 = tpu.memref_slice %arg6[%dma_start3A_398, %mul3A_2, %dma_start3A_402] : memref<13x4096x64xf32, #tpu.memory_space<hbm>> -> memref<1x128x64xf32, #tpu.memory_space<hbm>>
    %dma_start3A_404 = tpu.memref_squeeze %dma_start3A_403 : memref<1x128x64xf32, #tpu.memory_space<hbm>> -> memref<128x64xf32, #tpu.memory_space<hbm>>
    tpu.enqueue_dma source(%arg10 : memref<128x64xf32, #tpu.memory_space<vmem>>) target(%dma_start3A_404 : memref<128x64xf32, #tpu.memory_space<hbm>>) target_semaphore(%arg14 : memref<!tpu.dma_semaphore, #tpu.memory_space<semaphore_mem>>)
    %dma_wait3A_405 = arith.constant 9 : i32
    %dma_wait3A_406 = arith.constant 0 : i32
    %dma_wait3A_407 = tpu.memref_slice %arg6[%dma_wait3A_405, %mul3A_2, %dma_wait3A_406] : memref<13x4096x64xf32, #tpu.memory_space<hbm>> -> memref<1x128x64xf32, #tpu.memory_space<hbm>>
    %dma_wait3A_408 = tpu.memref_squeeze %dma_wait3A_407 : memref<1x128x64xf32, #tpu.memory_space<hbm>> -> memref<128x64xf32, #tpu.memory_space<hbm>>
    %dma_wait3A_409 = arith.constant 0 : i32
    %dma_wait3A_410 = tpu.memref_slice %arg6[%dma_wait3A_405, %mul3A_2, %dma_wait3A_409] : memref<13x4096x64xf32, #tpu.memory_space<hbm>> -> memref<1x128x64xf32, #tpu.memory_space<hbm>>
    %dma_wait3A_411 = tpu.memref_squeeze %dma_wait3A_410 : memref<1x128x64xf32, #tpu.memory_space<hbm>> -> memref<128x64xf32, #tpu.memory_space<hbm>>
    tpu.wait_dma2 semaphore(%arg15 : memref<!tpu.dma_semaphore, #tpu.memory_space<semaphore_mem>>) src(%arg11 : memref<128x64xf32, #tpu.memory_space<vmem>>) dst(%dma_wait3A_411 : memref<128x64xf32, #tpu.memory_space<hbm>>)
    %dma_start3A_412 = arith.constant 11 : i32
    %dma_start3A_413 = arith.constant 0 : i32
    %dma_start3A_414 = arith.constant 1408 : i32
    %dma_start3A_415 = tpu.memref_slice %arg8[%dma_start3A_413, %dma_start3A_414] : memref<1x1664xi32, #tpu.memory_space<vmem>> -> memref<1x128xi32, #tpu.memory_space<vmem>>
    %dma_start3A_416 = tpu.memref_squeeze %dma_start3A_415 : memref<1x128xi32, #tpu.memory_space<vmem>> -> memref<128xi32, #tpu.memory_space<vmem>>
    %dma_start3A_417 = arith.constant 0 : i32
    %dma_start3A_418 = arith.constant 0 : i32
    %dma_start3A_419 = tpu.memref_slice %arg2[%dma_start3A_412, %dma_start3A_417, %dma_start3A_418] : memref<13x100000x64xf32, #tpu.memory_space<hbm>> -> memref<1x100000x64xf32, #tpu.memory_space<hbm>>
    %dma_start3A_420 = tpu.memref_squeeze %dma_start3A_419 : memref<1x100000x64xf32, #tpu.memory_space<hbm>> -> memref<100000x64xf32, #tpu.memory_space<hbm>>
    %dma_start3A_421 = arith.constant 0 : i32
    %dma_start3A_422 = arith.constant 0 : i32
    %dma_start3A_423 = tpu.memref_slice %dma_start3A_420[%dma_start3A_421, %dma_start3A_422] : memref<100000x64xf32, #tpu.memory_space<hbm>> -> memref<100000x64xf32, #tpu.memory_space<hbm>>
    tpu.enqueue_indirect_dma source(%dma_start3A_423 : memref<100000x64xf32, #tpu.memory_space<hbm>>) target(%arg11 : memref<128x64xf32, #tpu.memory_space<vmem>>) offsets(%dma_start3A_416 : memref<128xi32, #tpu.memory_space<vmem>>) semaphore(%arg15 : memref<!tpu.dma_semaphore, #tpu.memory_space<semaphore_mem>>)
    %dma_wait3A_424 = arith.constant 11 : i32
    %dma_wait3A_425 = arith.constant 0 : i32
    %dma_wait3A_426 = arith.constant 1408 : i32
    %dma_wait3A_427 = tpu.memref_slice %arg8[%dma_wait3A_425, %dma_wait3A_426] : memref<1x1664xi32, #tpu.memory_space<vmem>> -> memref<1x128xi32, #tpu.memory_space<vmem>>
    %dma_wait3A_428 = tpu.memref_squeeze %dma_wait3A_427 : memref<1x128xi32, #tpu.memory_space<vmem>> -> memref<128xi32, #tpu.memory_space<vmem>>
    %dma_wait3A_429 = arith.constant 0 : i32
    %dma_wait3A_430 = arith.constant 0 : i32
    %dma_wait3A_431 = tpu.memref_slice %arg2[%dma_wait3A_424, %dma_wait3A_429, %dma_wait3A_430] : memref<13x100000x64xf32, #tpu.memory_space<hbm>> -> memref<1x100000x64xf32, #tpu.memory_space<hbm>>
    %dma_wait3A_432 = tpu.memref_squeeze %dma_wait3A_431 : memref<1x100000x64xf32, #tpu.memory_space<hbm>> -> memref<100000x64xf32, #tpu.memory_space<hbm>>
    %dma_wait3A_433 = arith.constant 0 : i32
    %dma_wait3A_434 = arith.constant 0 : i32
    %dma_wait3A_435 = tpu.memref_slice %dma_wait3A_432[%dma_wait3A_433, %dma_wait3A_434] : memref<100000x64xf32, #tpu.memory_space<hbm>> -> memref<100000x64xf32, #tpu.memory_space<hbm>>
    tpu.wait_indirect_dma semaphore(%arg15 : memref<!tpu.dma_semaphore, #tpu.memory_space<semaphore_mem>>) src(%dma_wait3A_435 : memref<100000x64xf32, #tpu.memory_space<hbm>>) dst(%arg11 : memref<128x64xf32, #tpu.memory_space<vmem>>)
    %dma_start3A_436 = arith.constant 11 : i32
    %dma_start3A_437 = arith.constant 0 : i32
    %dma_start3A_438 = tpu.memref_slice %arg6[%dma_start3A_436, %mul3A_2, %dma_start3A_437] : memref<13x4096x64xf32, #tpu.memory_space<hbm>> -> memref<1x128x64xf32, #tpu.memory_space<hbm>>
    %dma_start3A_439 = tpu.memref_squeeze %dma_start3A_438 : memref<1x128x64xf32, #tpu.memory_space<hbm>> -> memref<128x64xf32, #tpu.memory_space<hbm>>
    %dma_start3A_440 = arith.constant 0 : i32
    %dma_start3A_441 = tpu.memref_slice %arg6[%dma_start3A_436, %mul3A_2, %dma_start3A_440] : memref<13x4096x64xf32, #tpu.memory_space<hbm>> -> memref<1x128x64xf32, #tpu.memory_space<hbm>>
    %dma_start3A_442 = tpu.memref_squeeze %dma_start3A_441 : memref<1x128x64xf32, #tpu.memory_space<hbm>> -> memref<128x64xf32, #tpu.memory_space<hbm>>
    tpu.enqueue_dma source(%arg11 : memref<128x64xf32, #tpu.memory_space<vmem>>) target(%dma_start3A_442 : memref<128x64xf32, #tpu.memory_space<hbm>>) target_semaphore(%arg15 : memref<!tpu.dma_semaphore, #tpu.memory_space<semaphore_mem>>)
    %dma_wait3A_443 = arith.constant 10 : i32
    %dma_wait3A_444 = arith.constant 0 : i32
    %dma_wait3A_445 = tpu.memref_slice %arg6[%dma_wait3A_443, %mul3A_2, %dma_wait3A_444] : memref<13x4096x64xf32, #tpu.memory_space<hbm>> -> memref<1x128x64xf32, #tpu.memory_space<hbm>>
    %dma_wait3A_446 = tpu.memref_squeeze %dma_wait3A_445 : memref<1x128x64xf32, #tpu.memory_space<hbm>> -> memref<128x64xf32, #tpu.memory_space<hbm>>
    %dma_wait3A_447 = arith.constant 0 : i32
    %dma_wait3A_448 = tpu.memref_slice %arg6[%dma_wait3A_443, %mul3A_2, %dma_wait3A_447] : memref<13x4096x64xf32, #tpu.memory_space<hbm>> -> memref<1x128x64xf32, #tpu.memory_space<hbm>>
    %dma_wait3A_449 = tpu.memref_squeeze %dma_wait3A_448 : memref<1x128x64xf32, #tpu.memory_space<hbm>> -> memref<128x64xf32, #tpu.memory_space<hbm>>
    tpu.wait_dma2 semaphore(%arg14 : memref<!tpu.dma_semaphore, #tpu.memory_space<semaphore_mem>>) src(%arg10 : memref<128x64xf32, #tpu.memory_space<vmem>>) dst(%dma_wait3A_449 : memref<128x64xf32, #tpu.memory_space<hbm>>)
    %dma_start3A_450 = arith.constant 12 : i32
    %dma_start3A_451 = arith.constant 0 : i32
    %dma_start3A_452 = arith.constant 1536 : i32
    %dma_start3A_453 = tpu.memref_slice %arg8[%dma_start3A_451, %dma_start3A_452] : memref<1x1664xi32, #tpu.memory_space<vmem>> -> memref<1x128xi32, #tpu.memory_space<vmem>>
    %dma_start3A_454 = tpu.memref_squeeze %dma_start3A_453 : memref<1x128xi32, #tpu.memory_space<vmem>> -> memref<128xi32, #tpu.memory_space<vmem>>
    %dma_start3A_455 = arith.constant 0 : i32
    %dma_start3A_456 = arith.constant 0 : i32
    %dma_start3A_457 = tpu.memref_slice %arg2[%dma_start3A_450, %dma_start3A_455, %dma_start3A_456] : memref<13x100000x64xf32, #tpu.memory_space<hbm>> -> memref<1x100000x64xf32, #tpu.memory_space<hbm>>
    %dma_start3A_458 = tpu.memref_squeeze %dma_start3A_457 : memref<1x100000x64xf32, #tpu.memory_space<hbm>> -> memref<100000x64xf32, #tpu.memory_space<hbm>>
    %dma_start3A_459 = arith.constant 0 : i32
    %dma_start3A_460 = arith.constant 0 : i32
    %dma_start3A_461 = tpu.memref_slice %dma_start3A_458[%dma_start3A_459, %dma_start3A_460] : memref<100000x64xf32, #tpu.memory_space<hbm>> -> memref<100000x64xf32, #tpu.memory_space<hbm>>
    tpu.enqueue_indirect_dma source(%dma_start3A_461 : memref<100000x64xf32, #tpu.memory_space<hbm>>) target(%arg10 : memref<128x64xf32, #tpu.memory_space<vmem>>) offsets(%dma_start3A_454 : memref<128xi32, #tpu.memory_space<vmem>>) semaphore(%arg14 : memref<!tpu.dma_semaphore, #tpu.memory_space<semaphore_mem>>)
    %dma_wait3A_462 = arith.constant 12 : i32
    %dma_wait3A_463 = arith.constant 0 : i32
    %dma_wait3A_464 = arith.constant 1536 : i32
    %dma_wait3A_465 = tpu.memref_slice %arg8[%dma_wait3A_463, %dma_wait3A_464] : memref<1x1664xi32, #tpu.memory_space<vmem>> -> memref<1x128xi32, #tpu.memory_space<vmem>>
    %dma_wait3A_466 = tpu.memref_squeeze %dma_wait3A_465 : memref<1x128xi32, #tpu.memory_space<vmem>> -> memref<128xi32, #tpu.memory_space<vmem>>
    %dma_wait3A_467 = arith.constant 0 : i32
    %dma_wait3A_468 = arith.constant 0 : i32
    %dma_wait3A_469 = tpu.memref_slice %arg2[%dma_wait3A_462, %dma_wait3A_467, %dma_wait3A_468] : memref<13x100000x64xf32, #tpu.memory_space<hbm>> -> memref<1x100000x64xf32, #tpu.memory_space<hbm>>
    %dma_wait3A_470 = tpu.memref_squeeze %dma_wait3A_469 : memref<1x100000x64xf32, #tpu.memory_space<hbm>> -> memref<100000x64xf32, #tpu.memory_space<hbm>>
    %dma_wait3A_471 = arith.constant 0 : i32
    %dma_wait3A_472 = arith.constant 0 : i32
    %dma_wait3A_473 = tpu.memref_slice %dma_wait3A_470[%dma_wait3A_471, %dma_wait3A_472] : memref<100000x64xf32, #tpu.memory_space<hbm>> -> memref<100000x64xf32, #tpu.memory_space<hbm>>
    tpu.wait_indirect_dma semaphore(%arg14 : memref<!tpu.dma_semaphore, #tpu.memory_space<semaphore_mem>>) src(%dma_wait3A_473 : memref<100000x64xf32, #tpu.memory_space<hbm>>) dst(%arg10 : memref<128x64xf32, #tpu.memory_space<vmem>>)
    %dma_start3A_474 = arith.constant 12 : i32
    %dma_start3A_475 = arith.constant 0 : i32
    %dma_start3A_476 = tpu.memref_slice %arg6[%dma_start3A_474, %mul3A_2, %dma_start3A_475] : memref<13x4096x64xf32, #tpu.memory_space<hbm>> -> memref<1x128x64xf32, #tpu.memory_space<hbm>>
    %dma_start3A_477 = tpu.memref_squeeze %dma_start3A_476 : memref<1x128x64xf32, #tpu.memory_space<hbm>> -> memref<128x64xf32, #tpu.memory_space<hbm>>
    %dma_start3A_478 = arith.constant 0 : i32
    %dma_start3A_479 = tpu.memref_slice %arg6[%dma_start3A_474, %mul3A_2, %dma_start3A_478] : memref<13x4096x64xf32, #tpu.memory_space<hbm>> -> memref<1x128x64xf32, #tpu.memory_space<hbm>>
    %dma_start3A_480 = tpu.memref_squeeze %dma_start3A_479 : memref<1x128x64xf32, #tpu.memory_space<hbm>> -> memref<128x64xf32, #tpu.memory_space<hbm>>
    tpu.enqueue_dma source(%arg10 : memref<128x64xf32, #tpu.memory_space<vmem>>) target(%dma_start3A_480 : memref<128x64xf32, #tpu.memory_space<hbm>>) target_semaphore(%arg14 : memref<!tpu.dma_semaphore, #tpu.memory_space<semaphore_mem>>)
    %dma_wait3A_481 = arith.constant 12 : i32
    %dma_wait3A_482 = arith.constant 0 : i32
    %dma_wait3A_483 = tpu.memref_slice %arg6[%dma_wait3A_481, %mul3A_2, %dma_wait3A_482] : memref<13x4096x64xf32, #tpu.memory_space<hbm>> -> memref<1x128x64xf32, #tpu.memory_space<hbm>>
    %dma_wait3A_484 = tpu.memref_squeeze %dma_wait3A_483 : memref<1x128x64xf32, #tpu.memory_space<hbm>> -> memref<128x64xf32, #tpu.memory_space<hbm>>
    %dma_wait3A_485 = arith.constant 0 : i32
    %dma_wait3A_486 = tpu.memref_slice %arg6[%dma_wait3A_481, %mul3A_2, %dma_wait3A_485] : memref<13x4096x64xf32, #tpu.memory_space<hbm>> -> memref<1x128x64xf32, #tpu.memory_space<hbm>>
    %dma_wait3A_487 = tpu.memref_squeeze %dma_wait3A_486 : memref<1x128x64xf32, #tpu.memory_space<hbm>> -> memref<128x64xf32, #tpu.memory_space<hbm>>
    tpu.wait_dma2 semaphore(%arg14 : memref<!tpu.dma_semaphore, #tpu.memory_space<semaphore_mem>>) src(%arg10 : memref<128x64xf32, #tpu.memory_space<vmem>>) dst(%dma_wait3A_487 : memref<128x64xf32, #tpu.memory_space<hbm>>)
    %dma_wait3A_488 = arith.constant 11 : i32
    %dma_wait3A_489 = arith.constant 0 : i32
    %dma_wait3A_490 = tpu.memref_slice %arg6[%dma_wait3A_488, %mul3A_2, %dma_wait3A_489] : memref<13x4096x64xf32, #tpu.memory_space<hbm>> -> memref<1x128x64xf32, #tpu.memory_space<hbm>>
    %dma_wait3A_491 = tpu.memref_squeeze %dma_wait3A_490 : memref<1x128x64xf32, #tpu.memory_space<hbm>> -> memref<128x64xf32, #tpu.memory_space<hbm>>
    %dma_wait3A_492 = arith.constant 0 : i32
    %dma_wait3A_493 = tpu.memref_slice %arg6[%dma_wait3A_488, %mul3A_2, %dma_wait3A_492] : memref<13x4096x64xf32, #tpu.memory_space<hbm>> -> memref<1x128x64xf32, #tpu.memory_space<hbm>>
    %dma_wait3A_494 = tpu.memref_squeeze %dma_wait3A_493 : memref<1x128x64xf32, #tpu.memory_space<hbm>> -> memref<128x64xf32, #tpu.memory_space<hbm>>
    tpu.wait_dma2 semaphore(%arg15 : memref<!tpu.dma_semaphore, #tpu.memory_space<semaphore_mem>>) src(%arg11 : memref<128x64xf32, #tpu.memory_space<vmem>>) dst(%dma_wait3A_494 : memref<128x64xf32, #tpu.memory_space<hbm>>)
    %dma_start3A_495 = arith.constant 0 : i32
    %dma_start3A_496 = arith.constant 0 : i32
    %dma_start3A_497 = arith.constant 0 : i32
    %dma_start3A_498 = tpu.memref_slice %arg9[%dma_start3A_496, %dma_start3A_497] : memref<1x1664xi32, #tpu.memory_space<vmem>> -> memref<1x128xi32, #tpu.memory_space<vmem>>
    %dma_start3A_499 = tpu.memref_squeeze %dma_start3A_498 : memref<1x128xi32, #tpu.memory_space<vmem>> -> memref<128xi32, #tpu.memory_space<vmem>>
    %dma_start3A_500 = arith.constant 0 : i32
    %dma_start3A_501 = arith.constant 0 : i32
    %dma_start3A_502 = tpu.memref_slice %arg4[%dma_start3A_495, %dma_start3A_500, %dma_start3A_501] : memref<13x1000000x32xf32, #tpu.memory_space<hbm>> -> memref<1x1000000x32xf32, #tpu.memory_space<hbm>>
    %dma_start3A_503 = tpu.memref_squeeze %dma_start3A_502 : memref<1x1000000x32xf32, #tpu.memory_space<hbm>> -> memref<1000000x32xf32, #tpu.memory_space<hbm>>
    %dma_start3A_504 = arith.constant 0 : i32
    %dma_start3A_505 = arith.constant 0 : i32
    %dma_start3A_506 = tpu.memref_slice %dma_start3A_503[%dma_start3A_504, %dma_start3A_505] : memref<1000000x32xf32, #tpu.memory_space<hbm>> -> memref<1000000x32xf32, #tpu.memory_space<hbm>>
    tpu.enqueue_indirect_dma source(%dma_start3A_506 : memref<1000000x32xf32, #tpu.memory_space<hbm>>) target(%arg12 : memref<128x32xf32, #tpu.memory_space<vmem>>) offsets(%dma_start3A_499 : memref<128xi32, #tpu.memory_space<vmem>>) semaphore(%arg14 : memref<!tpu.dma_semaphore, #tpu.memory_space<semaphore_mem>>)
    %dma_wait3A_507 = arith.constant 0 : i32
    %dma_wait3A_508 = arith.constant 0 : i32
    %dma_wait3A_509 = arith.constant 0 : i32
    %dma_wait3A_510 = tpu.memref_slice %arg9[%dma_wait3A_508, %dma_wait3A_509] : memref<1x1664xi32, #tpu.memory_space<vmem>> -> memref<1x128xi32, #tpu.memory_space<vmem>>
    %dma_wait3A_511 = tpu.memref_squeeze %dma_wait3A_510 : memref<1x128xi32, #tpu.memory_space<vmem>> -> memref<128xi32, #tpu.memory_space<vmem>>
    %dma_wait3A_512 = arith.constant 0 : i32
    %dma_wait3A_513 = arith.constant 0 : i32
    %dma_wait3A_514 = tpu.memref_slice %arg4[%dma_wait3A_507, %dma_wait3A_512, %dma_wait3A_513] : memref<13x1000000x32xf32, #tpu.memory_space<hbm>> -> memref<1x1000000x32xf32, #tpu.memory_space<hbm>>
    %dma_wait3A_515 = tpu.memref_squeeze %dma_wait3A_514 : memref<1x1000000x32xf32, #tpu.memory_space<hbm>> -> memref<1000000x32xf32, #tpu.memory_space<hbm>>
    %dma_wait3A_516 = arith.constant 0 : i32
    %dma_wait3A_517 = arith.constant 0 : i32
    %dma_wait3A_518 = tpu.memref_slice %dma_wait3A_515[%dma_wait3A_516, %dma_wait3A_517] : memref<1000000x32xf32, #tpu.memory_space<hbm>> -> memref<1000000x32xf32, #tpu.memory_space<hbm>>
    tpu.wait_indirect_dma semaphore(%arg14 : memref<!tpu.dma_semaphore, #tpu.memory_space<semaphore_mem>>) src(%dma_wait3A_518 : memref<1000000x32xf32, #tpu.memory_space<hbm>>) dst(%arg12 : memref<128x32xf32, #tpu.memory_space<vmem>>)
    %dma_start3A_519 = arith.constant 0 : i32
    %dma_start3A_520 = arith.constant 0 : i32
    %dma_start3A_521 = tpu.memref_slice %arg7[%dma_start3A_519, %mul3A_2, %dma_start3A_520] : memref<13x4096x32xf32, #tpu.memory_space<hbm>> -> memref<1x128x32xf32, #tpu.memory_space<hbm>>
    %dma_start3A_522 = tpu.memref_squeeze %dma_start3A_521 : memref<1x128x32xf32, #tpu.memory_space<hbm>> -> memref<128x32xf32, #tpu.memory_space<hbm>>
    %dma_start3A_523 = arith.constant 0 : i32
    %dma_start3A_524 = tpu.memref_slice %arg7[%dma_start3A_519, %mul3A_2, %dma_start3A_523] : memref<13x4096x32xf32, #tpu.memory_space<hbm>> -> memref<1x128x32xf32, #tpu.memory_space<hbm>>
    %dma_start3A_525 = tpu.memref_squeeze %dma_start3A_524 : memref<1x128x32xf32, #tpu.memory_space<hbm>> -> memref<128x32xf32, #tpu.memory_space<hbm>>
    tpu.enqueue_dma source(%arg12 : memref<128x32xf32, #tpu.memory_space<vmem>>) target(%dma_start3A_525 : memref<128x32xf32, #tpu.memory_space<hbm>>) target_semaphore(%arg14 : memref<!tpu.dma_semaphore, #tpu.memory_space<semaphore_mem>>)
    %dma_start3A_526 = arith.constant 1 : i32
    %dma_start3A_527 = arith.constant 0 : i32
    %dma_start3A_528 = arith.constant 128 : i32
    %dma_start3A_529 = tpu.memref_slice %arg9[%dma_start3A_527, %dma_start3A_528] : memref<1x1664xi32, #tpu.memory_space<vmem>> -> memref<1x128xi32, #tpu.memory_space<vmem>>
    %dma_start3A_530 = tpu.memref_squeeze %dma_start3A_529 : memref<1x128xi32, #tpu.memory_space<vmem>> -> memref<128xi32, #tpu.memory_space<vmem>>
    %dma_start3A_531 = arith.constant 0 : i32
    %dma_start3A_532 = arith.constant 0 : i32
    %dma_start3A_533 = tpu.memref_slice %arg4[%dma_start3A_526, %dma_start3A_531, %dma_start3A_532] : memref<13x1000000x32xf32, #tpu.memory_space<hbm>> -> memref<1x1000000x32xf32, #tpu.memory_space<hbm>>
    %dma_start3A_534 = tpu.memref_squeeze %dma_start3A_533 : memref<1x1000000x32xf32, #tpu.memory_space<hbm>> -> memref<1000000x32xf32, #tpu.memory_space<hbm>>
    %dma_start3A_535 = arith.constant 0 : i32
    %dma_start3A_536 = arith.constant 0 : i32
    %dma_start3A_537 = tpu.memref_slice %dma_start3A_534[%dma_start3A_535, %dma_start3A_536] : memref<1000000x32xf32, #tpu.memory_space<hbm>> -> memref<1000000x32xf32, #tpu.memory_space<hbm>>
    tpu.enqueue_indirect_dma source(%dma_start3A_537 : memref<1000000x32xf32, #tpu.memory_space<hbm>>) target(%arg13 : memref<128x32xf32, #tpu.memory_space<vmem>>) offsets(%dma_start3A_530 : memref<128xi32, #tpu.memory_space<vmem>>) semaphore(%arg15 : memref<!tpu.dma_semaphore, #tpu.memory_space<semaphore_mem>>)
    %dma_wait3A_538 = arith.constant 1 : i32
    %dma_wait3A_539 = arith.constant 0 : i32
    %dma_wait3A_540 = arith.constant 128 : i32
    %dma_wait3A_541 = tpu.memref_slice %arg9[%dma_wait3A_539, %dma_wait3A_540] : memref<1x1664xi32, #tpu.memory_space<vmem>> -> memref<1x128xi32, #tpu.memory_space<vmem>>
    %dma_wait3A_542 = tpu.memref_squeeze %dma_wait3A_541 : memref<1x128xi32, #tpu.memory_space<vmem>> -> memref<128xi32, #tpu.memory_space<vmem>>
    %dma_wait3A_543 = arith.constant 0 : i32
    %dma_wait3A_544 = arith.constant 0 : i32
    %dma_wait3A_545 = tpu.memref_slice %arg4[%dma_wait3A_538, %dma_wait3A_543, %dma_wait3A_544] : memref<13x1000000x32xf32, #tpu.memory_space<hbm>> -> memref<1x1000000x32xf32, #tpu.memory_space<hbm>>
    %dma_wait3A_546 = tpu.memref_squeeze %dma_wait3A_545 : memref<1x1000000x32xf32, #tpu.memory_space<hbm>> -> memref<1000000x32xf32, #tpu.memory_space<hbm>>
    %dma_wait3A_547 = arith.constant 0 : i32
    %dma_wait3A_548 = arith.constant 0 : i32
    %dma_wait3A_549 = tpu.memref_slice %dma_wait3A_546[%dma_wait3A_547, %dma_wait3A_548] : memref<1000000x32xf32, #tpu.memory_space<hbm>> -> memref<1000000x32xf32, #tpu.memory_space<hbm>>
    tpu.wait_indirect_dma semaphore(%arg15 : memref<!tpu.dma_semaphore, #tpu.memory_space<semaphore_mem>>) src(%dma_wait3A_549 : memref<1000000x32xf32, #tpu.memory_space<hbm>>) dst(%arg13 : memref<128x32xf32, #tpu.memory_space<vmem>>)
    %dma_start3A_550 = arith.constant 1 : i32
    %dma_start3A_551 = arith.constant 0 : i32
    %dma_start3A_552 = tpu.memref_slice %arg7[%dma_start3A_550, %mul3A_2, %dma_start3A_551] : memref<13x4096x32xf32, #tpu.memory_space<hbm>> -> memref<1x128x32xf32, #tpu.memory_space<hbm>>
    %dma_start3A_553 = tpu.memref_squeeze %dma_start3A_552 : memref<1x128x32xf32, #tpu.memory_space<hbm>> -> memref<128x32xf32, #tpu.memory_space<hbm>>
    %dma_start3A_554 = arith.constant 0 : i32
    %dma_start3A_555 = tpu.memref_slice %arg7[%dma_start3A_550, %mul3A_2, %dma_start3A_554] : memref<13x4096x32xf32, #tpu.memory_space<hbm>> -> memref<1x128x32xf32, #tpu.memory_space<hbm>>
    %dma_start3A_556 = tpu.memref_squeeze %dma_start3A_555 : memref<1x128x32xf32, #tpu.memory_space<hbm>> -> memref<128x32xf32, #tpu.memory_space<hbm>>
    tpu.enqueue_dma source(%arg13 : memref<128x32xf32, #tpu.memory_space<vmem>>) target(%dma_start3A_556 : memref<128x32xf32, #tpu.memory_space<hbm>>) target_semaphore(%arg15 : memref<!tpu.dma_semaphore, #tpu.memory_space<semaphore_mem>>)
    %dma_wait3A_557 = arith.constant 0 : i32
    %dma_wait3A_558 = arith.constant 0 : i32
    %dma_wait3A_559 = tpu.memref_slice %arg7[%dma_wait3A_557, %mul3A_2, %dma_wait3A_558] : memref<13x4096x32xf32, #tpu.memory_space<hbm>> -> memref<1x128x32xf32, #tpu.memory_space<hbm>>
    %dma_wait3A_560 = tpu.memref_squeeze %dma_wait3A_559 : memref<1x128x32xf32, #tpu.memory_space<hbm>> -> memref<128x32xf32, #tpu.memory_space<hbm>>
    %dma_wait3A_561 = arith.constant 0 : i32
    %dma_wait3A_562 = tpu.memref_slice %arg7[%dma_wait3A_557, %mul3A_2, %dma_wait3A_561] : memref<13x4096x32xf32, #tpu.memory_space<hbm>> -> memref<1x128x32xf32, #tpu.memory_space<hbm>>
    %dma_wait3A_563 = tpu.memref_squeeze %dma_wait3A_562 : memref<1x128x32xf32, #tpu.memory_space<hbm>> -> memref<128x32xf32, #tpu.memory_space<hbm>>
    tpu.wait_dma2 semaphore(%arg14 : memref<!tpu.dma_semaphore, #tpu.memory_space<semaphore_mem>>) src(%arg12 : memref<128x32xf32, #tpu.memory_space<vmem>>) dst(%dma_wait3A_563 : memref<128x32xf32, #tpu.memory_space<hbm>>)
    %dma_start3A_564 = arith.constant 2 : i32
    %dma_start3A_565 = arith.constant 0 : i32
    %dma_start3A_566 = arith.constant 256 : i32
    %dma_start3A_567 = tpu.memref_slice %arg9[%dma_start3A_565, %dma_start3A_566] : memref<1x1664xi32, #tpu.memory_space<vmem>> -> memref<1x128xi32, #tpu.memory_space<vmem>>
    %dma_start3A_568 = tpu.memref_squeeze %dma_start3A_567 : memref<1x128xi32, #tpu.memory_space<vmem>> -> memref<128xi32, #tpu.memory_space<vmem>>
    %dma_start3A_569 = arith.constant 0 : i32
    %dma_start3A_570 = arith.constant 0 : i32
    %dma_start3A_571 = tpu.memref_slice %arg4[%dma_start3A_564, %dma_start3A_569, %dma_start3A_570] : memref<13x1000000x32xf32, #tpu.memory_space<hbm>> -> memref<1x1000000x32xf32, #tpu.memory_space<hbm>>
    %dma_start3A_572 = tpu.memref_squeeze %dma_start3A_571 : memref<1x1000000x32xf32, #tpu.memory_space<hbm>> -> memref<1000000x32xf32, #tpu.memory_space<hbm>>
    %dma_start3A_573 = arith.constant 0 : i32
    %dma_start3A_574 = arith.constant 0 : i32
    %dma_start3A_575 = tpu.memref_slice %dma_start3A_572[%dma_start3A_573, %dma_start3A_574] : memref<1000000x32xf32, #tpu.memory_space<hbm>> -> memref<1000000x32xf32, #tpu.memory_space<hbm>>
    tpu.enqueue_indirect_dma source(%dma_start3A_575 : memref<1000000x32xf32, #tpu.memory_space<hbm>>) target(%arg12 : memref<128x32xf32, #tpu.memory_space<vmem>>) offsets(%dma_start3A_568 : memref<128xi32, #tpu.memory_space<vmem>>) semaphore(%arg14 : memref<!tpu.dma_semaphore, #tpu.memory_space<semaphore_mem>>)
    %dma_wait3A_576 = arith.constant 2 : i32
    %dma_wait3A_577 = arith.constant 0 : i32
    %dma_wait3A_578 = arith.constant 256 : i32
    %dma_wait3A_579 = tpu.memref_slice %arg9[%dma_wait3A_577, %dma_wait3A_578] : memref<1x1664xi32, #tpu.memory_space<vmem>> -> memref<1x128xi32, #tpu.memory_space<vmem>>
    %dma_wait3A_580 = tpu.memref_squeeze %dma_wait3A_579 : memref<1x128xi32, #tpu.memory_space<vmem>> -> memref<128xi32, #tpu.memory_space<vmem>>
    %dma_wait3A_581 = arith.constant 0 : i32
    %dma_wait3A_582 = arith.constant 0 : i32
    %dma_wait3A_583 = tpu.memref_slice %arg4[%dma_wait3A_576, %dma_wait3A_581, %dma_wait3A_582] : memref<13x1000000x32xf32, #tpu.memory_space<hbm>> -> memref<1x1000000x32xf32, #tpu.memory_space<hbm>>
    %dma_wait3A_584 = tpu.memref_squeeze %dma_wait3A_583 : memref<1x1000000x32xf32, #tpu.memory_space<hbm>> -> memref<1000000x32xf32, #tpu.memory_space<hbm>>
    %dma_wait3A_585 = arith.constant 0 : i32
    %dma_wait3A_586 = arith.constant 0 : i32
    %dma_wait3A_587 = tpu.memref_slice %dma_wait3A_584[%dma_wait3A_585, %dma_wait3A_586] : memref<1000000x32xf32, #tpu.memory_space<hbm>> -> memref<1000000x32xf32, #tpu.memory_space<hbm>>
    tpu.wait_indirect_dma semaphore(%arg14 : memref<!tpu.dma_semaphore, #tpu.memory_space<semaphore_mem>>) src(%dma_wait3A_587 : memref<1000000x32xf32, #tpu.memory_space<hbm>>) dst(%arg12 : memref<128x32xf32, #tpu.memory_space<vmem>>)
    %dma_start3A_588 = arith.constant 2 : i32
    %dma_start3A_589 = arith.constant 0 : i32
    %dma_start3A_590 = tpu.memref_slice %arg7[%dma_start3A_588, %mul3A_2, %dma_start3A_589] : memref<13x4096x32xf32, #tpu.memory_space<hbm>> -> memref<1x128x32xf32, #tpu.memory_space<hbm>>
    %dma_start3A_591 = tpu.memref_squeeze %dma_start3A_590 : memref<1x128x32xf32, #tpu.memory_space<hbm>> -> memref<128x32xf32, #tpu.memory_space<hbm>>
    %dma_start3A_592 = arith.constant 0 : i32
    %dma_start3A_593 = tpu.memref_slice %arg7[%dma_start3A_588, %mul3A_2, %dma_start3A_592] : memref<13x4096x32xf32, #tpu.memory_space<hbm>> -> memref<1x128x32xf32, #tpu.memory_space<hbm>>
    %dma_start3A_594 = tpu.memref_squeeze %dma_start3A_593 : memref<1x128x32xf32, #tpu.memory_space<hbm>> -> memref<128x32xf32, #tpu.memory_space<hbm>>
    tpu.enqueue_dma source(%arg12 : memref<128x32xf32, #tpu.memory_space<vmem>>) target(%dma_start3A_594 : memref<128x32xf32, #tpu.memory_space<hbm>>) target_semaphore(%arg14 : memref<!tpu.dma_semaphore, #tpu.memory_space<semaphore_mem>>)
    %dma_wait3A_595 = arith.constant 1 : i32
    %dma_wait3A_596 = arith.constant 0 : i32
    %dma_wait3A_597 = tpu.memref_slice %arg7[%dma_wait3A_595, %mul3A_2, %dma_wait3A_596] : memref<13x4096x32xf32, #tpu.memory_space<hbm>> -> memref<1x128x32xf32, #tpu.memory_space<hbm>>
    %dma_wait3A_598 = tpu.memref_squeeze %dma_wait3A_597 : memref<1x128x32xf32, #tpu.memory_space<hbm>> -> memref<128x32xf32, #tpu.memory_space<hbm>>
    %dma_wait3A_599 = arith.constant 0 : i32
    %dma_wait3A_600 = tpu.memref_slice %arg7[%dma_wait3A_595, %mul3A_2, %dma_wait3A_599] : memref<13x4096x32xf32, #tpu.memory_space<hbm>> -> memref<1x128x32xf32, #tpu.memory_space<hbm>>
    %dma_wait3A_601 = tpu.memref_squeeze %dma_wait3A_600 : memref<1x128x32xf32, #tpu.memory_space<hbm>> -> memref<128x32xf32, #tpu.memory_space<hbm>>
    tpu.wait_dma2 semaphore(%arg15 : memref<!tpu.dma_semaphore, #tpu.memory_space<semaphore_mem>>) src(%arg13 : memref<128x32xf32, #tpu.memory_space<vmem>>) dst(%dma_wait3A_601 : memref<128x32xf32, #tpu.memory_space<hbm>>)
    %dma_start3A_602 = arith.constant 3 : i32
    %dma_start3A_603 = arith.constant 0 : i32
    %dma_start3A_604 = arith.constant 384 : i32
    %dma_start3A_605 = tpu.memref_slice %arg9[%dma_start3A_603, %dma_start3A_604] : memref<1x1664xi32, #tpu.memory_space<vmem>> -> memref<1x128xi32, #tpu.memory_space<vmem>>
    %dma_start3A_606 = tpu.memref_squeeze %dma_start3A_605 : memref<1x128xi32, #tpu.memory_space<vmem>> -> memref<128xi32, #tpu.memory_space<vmem>>
    %dma_start3A_607 = arith.constant 0 : i32
    %dma_start3A_608 = arith.constant 0 : i32
    %dma_start3A_609 = tpu.memref_slice %arg4[%dma_start3A_602, %dma_start3A_607, %dma_start3A_608] : memref<13x1000000x32xf32, #tpu.memory_space<hbm>> -> memref<1x1000000x32xf32, #tpu.memory_space<hbm>>
    %dma_start3A_610 = tpu.memref_squeeze %dma_start3A_609 : memref<1x1000000x32xf32, #tpu.memory_space<hbm>> -> memref<1000000x32xf32, #tpu.memory_space<hbm>>
    %dma_start3A_611 = arith.constant 0 : i32
    %dma_start3A_612 = arith.constant 0 : i32
    %dma_start3A_613 = tpu.memref_slice %dma_start3A_610[%dma_start3A_611, %dma_start3A_612] : memref<1000000x32xf32, #tpu.memory_space<hbm>> -> memref<1000000x32xf32, #tpu.memory_space<hbm>>
    tpu.enqueue_indirect_dma source(%dma_start3A_613 : memref<1000000x32xf32, #tpu.memory_space<hbm>>) target(%arg13 : memref<128x32xf32, #tpu.memory_space<vmem>>) offsets(%dma_start3A_606 : memref<128xi32, #tpu.memory_space<vmem>>) semaphore(%arg15 : memref<!tpu.dma_semaphore, #tpu.memory_space<semaphore_mem>>)
    %dma_wait3A_614 = arith.constant 3 : i32
    %dma_wait3A_615 = arith.constant 0 : i32
    %dma_wait3A_616 = arith.constant 384 : i32
    %dma_wait3A_617 = tpu.memref_slice %arg9[%dma_wait3A_615, %dma_wait3A_616] : memref<1x1664xi32, #tpu.memory_space<vmem>> -> memref<1x128xi32, #tpu.memory_space<vmem>>
    %dma_wait3A_618 = tpu.memref_squeeze %dma_wait3A_617 : memref<1x128xi32, #tpu.memory_space<vmem>> -> memref<128xi32, #tpu.memory_space<vmem>>
    %dma_wait3A_619 = arith.constant 0 : i32
    %dma_wait3A_620 = arith.constant 0 : i32
    %dma_wait3A_621 = tpu.memref_slice %arg4[%dma_wait3A_614, %dma_wait3A_619, %dma_wait3A_620] : memref<13x1000000x32xf32, #tpu.memory_space<hbm>> -> memref<1x1000000x32xf32, #tpu.memory_space<hbm>>
    %dma_wait3A_622 = tpu.memref_squeeze %dma_wait3A_621 : memref<1x1000000x32xf32, #tpu.memory_space<hbm>> -> memref<1000000x32xf32, #tpu.memory_space<hbm>>
    %dma_wait3A_623 = arith.constant 0 : i32
    %dma_wait3A_624 = arith.constant 0 : i32
    %dma_wait3A_625 = tpu.memref_slice %dma_wait3A_622[%dma_wait3A_623, %dma_wait3A_624] : memref<1000000x32xf32, #tpu.memory_space<hbm>> -> memref<1000000x32xf32, #tpu.memory_space<hbm>>
    tpu.wait_indirect_dma semaphore(%arg15 : memref<!tpu.dma_semaphore, #tpu.memory_space<semaphore_mem>>) src(%dma_wait3A_625 : memref<1000000x32xf32, #tpu.memory_space<hbm>>) dst(%arg13 : memref<128x32xf32, #tpu.memory_space<vmem>>)
    %dma_start3A_626 = arith.constant 3 : i32
    %dma_start3A_627 = arith.constant 0 : i32
    %dma_start3A_628 = tpu.memref_slice %arg7[%dma_start3A_626, %mul3A_2, %dma_start3A_627] : memref<13x4096x32xf32, #tpu.memory_space<hbm>> -> memref<1x128x32xf32, #tpu.memory_space<hbm>>
    %dma_start3A_629 = tpu.memref_squeeze %dma_start3A_628 : memref<1x128x32xf32, #tpu.memory_space<hbm>> -> memref<128x32xf32, #tpu.memory_space<hbm>>
    %dma_start3A_630 = arith.constant 0 : i32
    %dma_start3A_631 = tpu.memref_slice %arg7[%dma_start3A_626, %mul3A_2, %dma_start3A_630] : memref<13x4096x32xf32, #tpu.memory_space<hbm>> -> memref<1x128x32xf32, #tpu.memory_space<hbm>>
    %dma_start3A_632 = tpu.memref_squeeze %dma_start3A_631 : memref<1x128x32xf32, #tpu.memory_space<hbm>> -> memref<128x32xf32, #tpu.memory_space<hbm>>
    tpu.enqueue_dma source(%arg13 : memref<128x32xf32, #tpu.memory_space<vmem>>) target(%dma_start3A_632 : memref<128x32xf32, #tpu.memory_space<hbm>>) target_semaphore(%arg15 : memref<!tpu.dma_semaphore, #tpu.memory_space<semaphore_mem>>)
    %dma_wait3A_633 = arith.constant 2 : i32
    %dma_wait3A_634 = arith.constant 0 : i32
    %dma_wait3A_635 = tpu.memref_slice %arg7[%dma_wait3A_633, %mul3A_2, %dma_wait3A_634] : memref<13x4096x32xf32, #tpu.memory_space<hbm>> -> memref<1x128x32xf32, #tpu.memory_space<hbm>>
    %dma_wait3A_636 = tpu.memref_squeeze %dma_wait3A_635 : memref<1x128x32xf32, #tpu.memory_space<hbm>> -> memref<128x32xf32, #tpu.memory_space<hbm>>
    %dma_wait3A_637 = arith.constant 0 : i32
    %dma_wait3A_638 = tpu.memref_slice %arg7[%dma_wait3A_633, %mul3A_2, %dma_wait3A_637] : memref<13x4096x32xf32, #tpu.memory_space<hbm>> -> memref<1x128x32xf32, #tpu.memory_space<hbm>>
    %dma_wait3A_639 = tpu.memref_squeeze %dma_wait3A_638 : memref<1x128x32xf32, #tpu.memory_space<hbm>> -> memref<128x32xf32, #tpu.memory_space<hbm>>
    tpu.wait_dma2 semaphore(%arg14 : memref<!tpu.dma_semaphore, #tpu.memory_space<semaphore_mem>>) src(%arg12 : memref<128x32xf32, #tpu.memory_space<vmem>>) dst(%dma_wait3A_639 : memref<128x32xf32, #tpu.memory_space<hbm>>)
    %dma_start3A_640 = arith.constant 4 : i32
    %dma_start3A_641 = arith.constant 0 : i32
    %dma_start3A_642 = arith.constant 512 : i32
    %dma_start3A_643 = tpu.memref_slice %arg9[%dma_start3A_641, %dma_start3A_642] : memref<1x1664xi32, #tpu.memory_space<vmem>> -> memref<1x128xi32, #tpu.memory_space<vmem>>
    %dma_start3A_644 = tpu.memref_squeeze %dma_start3A_643 : memref<1x128xi32, #tpu.memory_space<vmem>> -> memref<128xi32, #tpu.memory_space<vmem>>
    %dma_start3A_645 = arith.constant 0 : i32
    %dma_start3A_646 = arith.constant 0 : i32
    %dma_start3A_647 = tpu.memref_slice %arg4[%dma_start3A_640, %dma_start3A_645, %dma_start3A_646] : memref<13x1000000x32xf32, #tpu.memory_space<hbm>> -> memref<1x1000000x32xf32, #tpu.memory_space<hbm>>
    %dma_start3A_648 = tpu.memref_squeeze %dma_start3A_647 : memref<1x1000000x32xf32, #tpu.memory_space<hbm>> -> memref<1000000x32xf32, #tpu.memory_space<hbm>>
    %dma_start3A_649 = arith.constant 0 : i32
    %dma_start3A_650 = arith.constant 0 : i32
    %dma_start3A_651 = tpu.memref_slice %dma_start3A_648[%dma_start3A_649, %dma_start3A_650] : memref<1000000x32xf32, #tpu.memory_space<hbm>> -> memref<1000000x32xf32, #tpu.memory_space<hbm>>
    tpu.enqueue_indirect_dma source(%dma_start3A_651 : memref<1000000x32xf32, #tpu.memory_space<hbm>>) target(%arg12 : memref<128x32xf32, #tpu.memory_space<vmem>>) offsets(%dma_start3A_644 : memref<128xi32, #tpu.memory_space<vmem>>) semaphore(%arg14 : memref<!tpu.dma_semaphore, #tpu.memory_space<semaphore_mem>>)
    %dma_wait3A_652 = arith.constant 4 : i32
    %dma_wait3A_653 = arith.constant 0 : i32
    %dma_wait3A_654 = arith.constant 512 : i32
    %dma_wait3A_655 = tpu.memref_slice %arg9[%dma_wait3A_653, %dma_wait3A_654] : memref<1x1664xi32, #tpu.memory_space<vmem>> -> memref<1x128xi32, #tpu.memory_space<vmem>>
    %dma_wait3A_656 = tpu.memref_squeeze %dma_wait3A_655 : memref<1x128xi32, #tpu.memory_space<vmem>> -> memref<128xi32, #tpu.memory_space<vmem>>
    %dma_wait3A_657 = arith.constant 0 : i32
    %dma_wait3A_658 = arith.constant 0 : i32
    %dma_wait3A_659 = tpu.memref_slice %arg4[%dma_wait3A_652, %dma_wait3A_657, %dma_wait3A_658] : memref<13x1000000x32xf32, #tpu.memory_space<hbm>> -> memref<1x1000000x32xf32, #tpu.memory_space<hbm>>
    %dma_wait3A_660 = tpu.memref_squeeze %dma_wait3A_659 : memref<1x1000000x32xf32, #tpu.memory_space<hbm>> -> memref<1000000x32xf32, #tpu.memory_space<hbm>>
    %dma_wait3A_661 = arith.constant 0 : i32
    %dma_wait3A_662 = arith.constant 0 : i32
    %dma_wait3A_663 = tpu.memref_slice %dma_wait3A_660[%dma_wait3A_661, %dma_wait3A_662] : memref<1000000x32xf32, #tpu.memory_space<hbm>> -> memref<1000000x32xf32, #tpu.memory_space<hbm>>
    tpu.wait_indirect_dma semaphore(%arg14 : memref<!tpu.dma_semaphore, #tpu.memory_space<semaphore_mem>>) src(%dma_wait3A_663 : memref<1000000x32xf32, #tpu.memory_space<hbm>>) dst(%arg12 : memref<128x32xf32, #tpu.memory_space<vmem>>)
    %dma_start3A_664 = arith.constant 4 : i32
    %dma_start3A_665 = arith.constant 0 : i32
    %dma_start3A_666 = tpu.memref_slice %arg7[%dma_start3A_664, %mul3A_2, %dma_start3A_665] : memref<13x4096x32xf32, #tpu.memory_space<hbm>> -> memref<1x128x32xf32, #tpu.memory_space<hbm>>
    %dma_start3A_667 = tpu.memref_squeeze %dma_start3A_666 : memref<1x128x32xf32, #tpu.memory_space<hbm>> -> memref<128x32xf32, #tpu.memory_space<hbm>>
    %dma_start3A_668 = arith.constant 0 : i32
    %dma_start3A_669 = tpu.memref_slice %arg7[%dma_start3A_664, %mul3A_2, %dma_start3A_668] : memref<13x4096x32xf32, #tpu.memory_space<hbm>> -> memref<1x128x32xf32, #tpu.memory_space<hbm>>
    %dma_start3A_670 = tpu.memref_squeeze %dma_start3A_669 : memref<1x128x32xf32, #tpu.memory_space<hbm>> -> memref<128x32xf32, #tpu.memory_space<hbm>>
    tpu.enqueue_dma source(%arg12 : memref<128x32xf32, #tpu.memory_space<vmem>>) target(%dma_start3A_670 : memref<128x32xf32, #tpu.memory_space<hbm>>) target_semaphore(%arg14 : memref<!tpu.dma_semaphore, #tpu.memory_space<semaphore_mem>>)
    %dma_wait3A_671 = arith.constant 3 : i32
    %dma_wait3A_672 = arith.constant 0 : i32
    %dma_wait3A_673 = tpu.memref_slice %arg7[%dma_wait3A_671, %mul3A_2, %dma_wait3A_672] : memref<13x4096x32xf32, #tpu.memory_space<hbm>> -> memref<1x128x32xf32, #tpu.memory_space<hbm>>
    %dma_wait3A_674 = tpu.memref_squeeze %dma_wait3A_673 : memref<1x128x32xf32, #tpu.memory_space<hbm>> -> memref<128x32xf32, #tpu.memory_space<hbm>>
    %dma_wait3A_675 = arith.constant 0 : i32
    %dma_wait3A_676 = tpu.memref_slice %arg7[%dma_wait3A_671, %mul3A_2, %dma_wait3A_675] : memref<13x4096x32xf32, #tpu.memory_space<hbm>> -> memref<1x128x32xf32, #tpu.memory_space<hbm>>
    %dma_wait3A_677 = tpu.memref_squeeze %dma_wait3A_676 : memref<1x128x32xf32, #tpu.memory_space<hbm>> -> memref<128x32xf32, #tpu.memory_space<hbm>>
    tpu.wait_dma2 semaphore(%arg15 : memref<!tpu.dma_semaphore, #tpu.memory_space<semaphore_mem>>) src(%arg13 : memref<128x32xf32, #tpu.memory_space<vmem>>) dst(%dma_wait3A_677 : memref<128x32xf32, #tpu.memory_space<hbm>>)
    %dma_start3A_678 = arith.constant 5 : i32
    %dma_start3A_679 = arith.constant 0 : i32
    %dma_start3A_680 = arith.constant 640 : i32
    %dma_start3A_681 = tpu.memref_slice %arg9[%dma_start3A_679, %dma_start3A_680] : memref<1x1664xi32, #tpu.memory_space<vmem>> -> memref<1x128xi32, #tpu.memory_space<vmem>>
    %dma_start3A_682 = tpu.memref_squeeze %dma_start3A_681 : memref<1x128xi32, #tpu.memory_space<vmem>> -> memref<128xi32, #tpu.memory_space<vmem>>
    %dma_start3A_683 = arith.constant 0 : i32
    %dma_start3A_684 = arith.constant 0 : i32
    %dma_start3A_685 = tpu.memref_slice %arg4[%dma_start3A_678, %dma_start3A_683, %dma_start3A_684] : memref<13x1000000x32xf32, #tpu.memory_space<hbm>> -> memref<1x1000000x32xf32, #tpu.memory_space<hbm>>
    %dma_start3A_686 = tpu.memref_squeeze %dma_start3A_685 : memref<1x1000000x32xf32, #tpu.memory_space<hbm>> -> memref<1000000x32xf32, #tpu.memory_space<hbm>>
    %dma_start3A_687 = arith.constant 0 : i32
    %dma_start3A_688 = arith.constant 0 : i32
    %dma_start3A_689 = tpu.memref_slice %dma_start3A_686[%dma_start3A_687, %dma_start3A_688] : memref<1000000x32xf32, #tpu.memory_space<hbm>> -> memref<1000000x32xf32, #tpu.memory_space<hbm>>
    tpu.enqueue_indirect_dma source(%dma_start3A_689 : memref<1000000x32xf32, #tpu.memory_space<hbm>>) target(%arg13 : memref<128x32xf32, #tpu.memory_space<vmem>>) offsets(%dma_start3A_682 : memref<128xi32, #tpu.memory_space<vmem>>) semaphore(%arg15 : memref<!tpu.dma_semaphore, #tpu.memory_space<semaphore_mem>>)
    %dma_wait3A_690 = arith.constant 5 : i32
    %dma_wait3A_691 = arith.constant 0 : i32
    %dma_wait3A_692 = arith.constant 640 : i32
    %dma_wait3A_693 = tpu.memref_slice %arg9[%dma_wait3A_691, %dma_wait3A_692] : memref<1x1664xi32, #tpu.memory_space<vmem>> -> memref<1x128xi32, #tpu.memory_space<vmem>>
    %dma_wait3A_694 = tpu.memref_squeeze %dma_wait3A_693 : memref<1x128xi32, #tpu.memory_space<vmem>> -> memref<128xi32, #tpu.memory_space<vmem>>
    %dma_wait3A_695 = arith.constant 0 : i32
    %dma_wait3A_696 = arith.constant 0 : i32
    %dma_wait3A_697 = tpu.memref_slice %arg4[%dma_wait3A_690, %dma_wait3A_695, %dma_wait3A_696] : memref<13x1000000x32xf32, #tpu.memory_space<hbm>> -> memref<1x1000000x32xf32, #tpu.memory_space<hbm>>
    %dma_wait3A_698 = tpu.memref_squeeze %dma_wait3A_697 : memref<1x1000000x32xf32, #tpu.memory_space<hbm>> -> memref<1000000x32xf32, #tpu.memory_space<hbm>>
    %dma_wait3A_699 = arith.constant 0 : i32
    %dma_wait3A_700 = arith.constant 0 : i32
    %dma_wait3A_701 = tpu.memref_slice %dma_wait3A_698[%dma_wait3A_699, %dma_wait3A_700] : memref<1000000x32xf32, #tpu.memory_space<hbm>> -> memref<1000000x32xf32, #tpu.memory_space<hbm>>
    tpu.wait_indirect_dma semaphore(%arg15 : memref<!tpu.dma_semaphore, #tpu.memory_space<semaphore_mem>>) src(%dma_wait3A_701 : memref<1000000x32xf32, #tpu.memory_space<hbm>>) dst(%arg13 : memref<128x32xf32, #tpu.memory_space<vmem>>)
    %dma_start3A_702 = arith.constant 5 : i32
    %dma_start3A_703 = arith.constant 0 : i32
    %dma_start3A_704 = tpu.memref_slice %arg7[%dma_start3A_702, %mul3A_2, %dma_start3A_703] : memref<13x4096x32xf32, #tpu.memory_space<hbm>> -> memref<1x128x32xf32, #tpu.memory_space<hbm>>
    %dma_start3A_705 = tpu.memref_squeeze %dma_start3A_704 : memref<1x128x32xf32, #tpu.memory_space<hbm>> -> memref<128x32xf32, #tpu.memory_space<hbm>>
    %dma_start3A_706 = arith.constant 0 : i32
    %dma_start3A_707 = tpu.memref_slice %arg7[%dma_start3A_702, %mul3A_2, %dma_start3A_706] : memref<13x4096x32xf32, #tpu.memory_space<hbm>> -> memref<1x128x32xf32, #tpu.memory_space<hbm>>
    %dma_start3A_708 = tpu.memref_squeeze %dma_start3A_707 : memref<1x128x32xf32, #tpu.memory_space<hbm>> -> memref<128x32xf32, #tpu.memory_space<hbm>>
    tpu.enqueue_dma source(%arg13 : memref<128x32xf32, #tpu.memory_space<vmem>>) target(%dma_start3A_708 : memref<128x32xf32, #tpu.memory_space<hbm>>) target_semaphore(%arg15 : memref<!tpu.dma_semaphore, #tpu.memory_space<semaphore_mem>>)
    %dma_wait3A_709 = arith.constant 4 : i32
    %dma_wait3A_710 = arith.constant 0 : i32
    %dma_wait3A_711 = tpu.memref_slice %arg7[%dma_wait3A_709, %mul3A_2, %dma_wait3A_710] : memref<13x4096x32xf32, #tpu.memory_space<hbm>> -> memref<1x128x32xf32, #tpu.memory_space<hbm>>
    %dma_wait3A_712 = tpu.memref_squeeze %dma_wait3A_711 : memref<1x128x32xf32, #tpu.memory_space<hbm>> -> memref<128x32xf32, #tpu.memory_space<hbm>>
    %dma_wait3A_713 = arith.constant 0 : i32
    %dma_wait3A_714 = tpu.memref_slice %arg7[%dma_wait3A_709, %mul3A_2, %dma_wait3A_713] : memref<13x4096x32xf32, #tpu.memory_space<hbm>> -> memref<1x128x32xf32, #tpu.memory_space<hbm>>
    %dma_wait3A_715 = tpu.memref_squeeze %dma_wait3A_714 : memref<1x128x32xf32, #tpu.memory_space<hbm>> -> memref<128x32xf32, #tpu.memory_space<hbm>>
    tpu.wait_dma2 semaphore(%arg14 : memref<!tpu.dma_semaphore, #tpu.memory_space<semaphore_mem>>) src(%arg12 : memref<128x32xf32, #tpu.memory_space<vmem>>) dst(%dma_wait3A_715 : memref<128x32xf32, #tpu.memory_space<hbm>>)
    %dma_start3A_716 = arith.constant 6 : i32
    %dma_start3A_717 = arith.constant 0 : i32
    %dma_start3A_718 = arith.constant 768 : i32
    %dma_start3A_719 = tpu.memref_slice %arg9[%dma_start3A_717, %dma_start3A_718] : memref<1x1664xi32, #tpu.memory_space<vmem>> -> memref<1x128xi32, #tpu.memory_space<vmem>>
    %dma_start3A_720 = tpu.memref_squeeze %dma_start3A_719 : memref<1x128xi32, #tpu.memory_space<vmem>> -> memref<128xi32, #tpu.memory_space<vmem>>
    %dma_start3A_721 = arith.constant 0 : i32
    %dma_start3A_722 = arith.constant 0 : i32
    %dma_start3A_723 = tpu.memref_slice %arg4[%dma_start3A_716, %dma_start3A_721, %dma_start3A_722] : memref<13x1000000x32xf32, #tpu.memory_space<hbm>> -> memref<1x1000000x32xf32, #tpu.memory_space<hbm>>
    %dma_start3A_724 = tpu.memref_squeeze %dma_start3A_723 : memref<1x1000000x32xf32, #tpu.memory_space<hbm>> -> memref<1000000x32xf32, #tpu.memory_space<hbm>>
    %dma_start3A_725 = arith.constant 0 : i32
    %dma_start3A_726 = arith.constant 0 : i32
    %dma_start3A_727 = tpu.memref_slice %dma_start3A_724[%dma_start3A_725, %dma_start3A_726] : memref<1000000x32xf32, #tpu.memory_space<hbm>> -> memref<1000000x32xf32, #tpu.memory_space<hbm>>
    tpu.enqueue_indirect_dma source(%dma_start3A_727 : memref<1000000x32xf32, #tpu.memory_space<hbm>>) target(%arg12 : memref<128x32xf32, #tpu.memory_space<vmem>>) offsets(%dma_start3A_720 : memref<128xi32, #tpu.memory_space<vmem>>) semaphore(%arg14 : memref<!tpu.dma_semaphore, #tpu.memory_space<semaphore_mem>>)
    %dma_wait3A_728 = arith.constant 6 : i32
    %dma_wait3A_729 = arith.constant 0 : i32
    %dma_wait3A_730 = arith.constant 768 : i32
    %dma_wait3A_731 = tpu.memref_slice %arg9[%dma_wait3A_729, %dma_wait3A_730] : memref<1x1664xi32, #tpu.memory_space<vmem>> -> memref<1x128xi32, #tpu.memory_space<vmem>>
    %dma_wait3A_732 = tpu.memref_squeeze %dma_wait3A_731 : memref<1x128xi32, #tpu.memory_space<vmem>> -> memref<128xi32, #tpu.memory_space<vmem>>
    %dma_wait3A_733 = arith.constant 0 : i32
    %dma_wait3A_734 = arith.constant 0 : i32
    %dma_wait3A_735 = tpu.memref_slice %arg4[%dma_wait3A_728, %dma_wait3A_733, %dma_wait3A_734] : memref<13x1000000x32xf32, #tpu.memory_space<hbm>> -> memref<1x1000000x32xf32, #tpu.memory_space<hbm>>
    %dma_wait3A_736 = tpu.memref_squeeze %dma_wait3A_735 : memref<1x1000000x32xf32, #tpu.memory_space<hbm>> -> memref<1000000x32xf32, #tpu.memory_space<hbm>>
    %dma_wait3A_737 = arith.constant 0 : i32
    %dma_wait3A_738 = arith.constant 0 : i32
    %dma_wait3A_739 = tpu.memref_slice %dma_wait3A_736[%dma_wait3A_737, %dma_wait3A_738] : memref<1000000x32xf32, #tpu.memory_space<hbm>> -> memref<1000000x32xf32, #tpu.memory_space<hbm>>
    tpu.wait_indirect_dma semaphore(%arg14 : memref<!tpu.dma_semaphore, #tpu.memory_space<semaphore_mem>>) src(%dma_wait3A_739 : memref<1000000x32xf32, #tpu.memory_space<hbm>>) dst(%arg12 : memref<128x32xf32, #tpu.memory_space<vmem>>)
    %dma_start3A_740 = arith.constant 6 : i32
    %dma_start3A_741 = arith.constant 0 : i32
    %dma_start3A_742 = tpu.memref_slice %arg7[%dma_start3A_740, %mul3A_2, %dma_start3A_741] : memref<13x4096x32xf32, #tpu.memory_space<hbm>> -> memref<1x128x32xf32, #tpu.memory_space<hbm>>
    %dma_start3A_743 = tpu.memref_squeeze %dma_start3A_742 : memref<1x128x32xf32, #tpu.memory_space<hbm>> -> memref<128x32xf32, #tpu.memory_space<hbm>>
    %dma_start3A_744 = arith.constant 0 : i32
    %dma_start3A_745 = tpu.memref_slice %arg7[%dma_start3A_740, %mul3A_2, %dma_start3A_744] : memref<13x4096x32xf32, #tpu.memory_space<hbm>> -> memref<1x128x32xf32, #tpu.memory_space<hbm>>
    %dma_start3A_746 = tpu.memref_squeeze %dma_start3A_745 : memref<1x128x32xf32, #tpu.memory_space<hbm>> -> memref<128x32xf32, #tpu.memory_space<hbm>>
    tpu.enqueue_dma source(%arg12 : memref<128x32xf32, #tpu.memory_space<vmem>>) target(%dma_start3A_746 : memref<128x32xf32, #tpu.memory_space<hbm>>) target_semaphore(%arg14 : memref<!tpu.dma_semaphore, #tpu.memory_space<semaphore_mem>>)
    %dma_wait3A_747 = arith.constant 5 : i32
    %dma_wait3A_748 = arith.constant 0 : i32
    %dma_wait3A_749 = tpu.memref_slice %arg7[%dma_wait3A_747, %mul3A_2, %dma_wait3A_748] : memref<13x4096x32xf32, #tpu.memory_space<hbm>> -> memref<1x128x32xf32, #tpu.memory_space<hbm>>
    %dma_wait3A_750 = tpu.memref_squeeze %dma_wait3A_749 : memref<1x128x32xf32, #tpu.memory_space<hbm>> -> memref<128x32xf32, #tpu.memory_space<hbm>>
    %dma_wait3A_751 = arith.constant 0 : i32
    %dma_wait3A_752 = tpu.memref_slice %arg7[%dma_wait3A_747, %mul3A_2, %dma_wait3A_751] : memref<13x4096x32xf32, #tpu.memory_space<hbm>> -> memref<1x128x32xf32, #tpu.memory_space<hbm>>
    %dma_wait3A_753 = tpu.memref_squeeze %dma_wait3A_752 : memref<1x128x32xf32, #tpu.memory_space<hbm>> -> memref<128x32xf32, #tpu.memory_space<hbm>>
    tpu.wait_dma2 semaphore(%arg15 : memref<!tpu.dma_semaphore, #tpu.memory_space<semaphore_mem>>) src(%arg13 : memref<128x32xf32, #tpu.memory_space<vmem>>) dst(%dma_wait3A_753 : memref<128x32xf32, #tpu.memory_space<hbm>>)
    %dma_start3A_754 = arith.constant 7 : i32
    %dma_start3A_755 = arith.constant 0 : i32
    %dma_start3A_756 = arith.constant 896 : i32
    %dma_start3A_757 = tpu.memref_slice %arg9[%dma_start3A_755, %dma_start3A_756] : memref<1x1664xi32, #tpu.memory_space<vmem>> -> memref<1x128xi32, #tpu.memory_space<vmem>>
    %dma_start3A_758 = tpu.memref_squeeze %dma_start3A_757 : memref<1x128xi32, #tpu.memory_space<vmem>> -> memref<128xi32, #tpu.memory_space<vmem>>
    %dma_start3A_759 = arith.constant 0 : i32
    %dma_start3A_760 = arith.constant 0 : i32
    %dma_start3A_761 = tpu.memref_slice %arg4[%dma_start3A_754, %dma_start3A_759, %dma_start3A_760] : memref<13x1000000x32xf32, #tpu.memory_space<hbm>> -> memref<1x1000000x32xf32, #tpu.memory_space<hbm>>
    %dma_start3A_762 = tpu.memref_squeeze %dma_start3A_761 : memref<1x1000000x32xf32, #tpu.memory_space<hbm>> -> memref<1000000x32xf32, #tpu.memory_space<hbm>>
    %dma_start3A_763 = arith.constant 0 : i32
    %dma_start3A_764 = arith.constant 0 : i32
    %dma_start3A_765 = tpu.memref_slice %dma_start3A_762[%dma_start3A_763, %dma_start3A_764] : memref<1000000x32xf32, #tpu.memory_space<hbm>> -> memref<1000000x32xf32, #tpu.memory_space<hbm>>
    tpu.enqueue_indirect_dma source(%dma_start3A_765 : memref<1000000x32xf32, #tpu.memory_space<hbm>>) target(%arg13 : memref<128x32xf32, #tpu.memory_space<vmem>>) offsets(%dma_start3A_758 : memref<128xi32, #tpu.memory_space<vmem>>) semaphore(%arg15 : memref<!tpu.dma_semaphore, #tpu.memory_space<semaphore_mem>>)
    %dma_wait3A_766 = arith.constant 7 : i32
    %dma_wait3A_767 = arith.constant 0 : i32
    %dma_wait3A_768 = arith.constant 896 : i32
    %dma_wait3A_769 = tpu.memref_slice %arg9[%dma_wait3A_767, %dma_wait3A_768] : memref<1x1664xi32, #tpu.memory_space<vmem>> -> memref<1x128xi32, #tpu.memory_space<vmem>>
    %dma_wait3A_770 = tpu.memref_squeeze %dma_wait3A_769 : memref<1x128xi32, #tpu.memory_space<vmem>> -> memref<128xi32, #tpu.memory_space<vmem>>
    %dma_wait3A_771 = arith.constant 0 : i32
    %dma_wait3A_772 = arith.constant 0 : i32
    %dma_wait3A_773 = tpu.memref_slice %arg4[%dma_wait3A_766, %dma_wait3A_771, %dma_wait3A_772] : memref<13x1000000x32xf32, #tpu.memory_space<hbm>> -> memref<1x1000000x32xf32, #tpu.memory_space<hbm>>
    %dma_wait3A_774 = tpu.memref_squeeze %dma_wait3A_773 : memref<1x1000000x32xf32, #tpu.memory_space<hbm>> -> memref<1000000x32xf32, #tpu.memory_space<hbm>>
    %dma_wait3A_775 = arith.constant 0 : i32
    %dma_wait3A_776 = arith.constant 0 : i32
    %dma_wait3A_777 = tpu.memref_slice %dma_wait3A_774[%dma_wait3A_775, %dma_wait3A_776] : memref<1000000x32xf32, #tpu.memory_space<hbm>> -> memref<1000000x32xf32, #tpu.memory_space<hbm>>
    tpu.wait_indirect_dma semaphore(%arg15 : memref<!tpu.dma_semaphore, #tpu.memory_space<semaphore_mem>>) src(%dma_wait3A_777 : memref<1000000x32xf32, #tpu.memory_space<hbm>>) dst(%arg13 : memref<128x32xf32, #tpu.memory_space<vmem>>)
    %dma_start3A_778 = arith.constant 7 : i32
    %dma_start3A_779 = arith.constant 0 : i32
    %dma_start3A_780 = tpu.memref_slice %arg7[%dma_start3A_778, %mul3A_2, %dma_start3A_779] : memref<13x4096x32xf32, #tpu.memory_space<hbm>> -> memref<1x128x32xf32, #tpu.memory_space<hbm>>
    %dma_start3A_781 = tpu.memref_squeeze %dma_start3A_780 : memref<1x128x32xf32, #tpu.memory_space<hbm>> -> memref<128x32xf32, #tpu.memory_space<hbm>>
    %dma_start3A_782 = arith.constant 0 : i32
    %dma_start3A_783 = tpu.memref_slice %arg7[%dma_start3A_778, %mul3A_2, %dma_start3A_782] : memref<13x4096x32xf32, #tpu.memory_space<hbm>> -> memref<1x128x32xf32, #tpu.memory_space<hbm>>
    %dma_start3A_784 = tpu.memref_squeeze %dma_start3A_783 : memref<1x128x32xf32, #tpu.memory_space<hbm>> -> memref<128x32xf32, #tpu.memory_space<hbm>>
    tpu.enqueue_dma source(%arg13 : memref<128x32xf32, #tpu.memory_space<vmem>>) target(%dma_start3A_784 : memref<128x32xf32, #tpu.memory_space<hbm>>) target_semaphore(%arg15 : memref<!tpu.dma_semaphore, #tpu.memory_space<semaphore_mem>>)
    %dma_wait3A_785 = arith.constant 6 : i32
    %dma_wait3A_786 = arith.constant 0 : i32
    %dma_wait3A_787 = tpu.memref_slice %arg7[%dma_wait3A_785, %mul3A_2, %dma_wait3A_786] : memref<13x4096x32xf32, #tpu.memory_space<hbm>> -> memref<1x128x32xf32, #tpu.memory_space<hbm>>
    %dma_wait3A_788 = tpu.memref_squeeze %dma_wait3A_787 : memref<1x128x32xf32, #tpu.memory_space<hbm>> -> memref<128x32xf32, #tpu.memory_space<hbm>>
    %dma_wait3A_789 = arith.constant 0 : i32
    %dma_wait3A_790 = tpu.memref_slice %arg7[%dma_wait3A_785, %mul3A_2, %dma_wait3A_789] : memref<13x4096x32xf32, #tpu.memory_space<hbm>> -> memref<1x128x32xf32, #tpu.memory_space<hbm>>
    %dma_wait3A_791 = tpu.memref_squeeze %dma_wait3A_790 : memref<1x128x32xf32, #tpu.memory_space<hbm>> -> memref<128x32xf32, #tpu.memory_space<hbm>>
    tpu.wait_dma2 semaphore(%arg14 : memref<!tpu.dma_semaphore, #tpu.memory_space<semaphore_mem>>) src(%arg12 : memref<128x32xf32, #tpu.memory_space<vmem>>) dst(%dma_wait3A_791 : memref<128x32xf32, #tpu.memory_space<hbm>>)
    %dma_start3A_792 = arith.constant 8 : i32
    %dma_start3A_793 = arith.constant 0 : i32
    %dma_start3A_794 = arith.constant 1024 : i32
    %dma_start3A_795 = tpu.memref_slice %arg9[%dma_start3A_793, %dma_start3A_794] : memref<1x1664xi32, #tpu.memory_space<vmem>> -> memref<1x128xi32, #tpu.memory_space<vmem>>
    %dma_start3A_796 = tpu.memref_squeeze %dma_start3A_795 : memref<1x128xi32, #tpu.memory_space<vmem>> -> memref<128xi32, #tpu.memory_space<vmem>>
    %dma_start3A_797 = arith.constant 0 : i32
    %dma_start3A_798 = arith.constant 0 : i32
    %dma_start3A_799 = tpu.memref_slice %arg4[%dma_start3A_792, %dma_start3A_797, %dma_start3A_798] : memref<13x1000000x32xf32, #tpu.memory_space<hbm>> -> memref<1x1000000x32xf32, #tpu.memory_space<hbm>>
    %dma_start3A_800 = tpu.memref_squeeze %dma_start3A_799 : memref<1x1000000x32xf32, #tpu.memory_space<hbm>> -> memref<1000000x32xf32, #tpu.memory_space<hbm>>
    %dma_start3A_801 = arith.constant 0 : i32
    %dma_start3A_802 = arith.constant 0 : i32
    %dma_start3A_803 = tpu.memref_slice %dma_start3A_800[%dma_start3A_801, %dma_start3A_802] : memref<1000000x32xf32, #tpu.memory_space<hbm>> -> memref<1000000x32xf32, #tpu.memory_space<hbm>>
    tpu.enqueue_indirect_dma source(%dma_start3A_803 : memref<1000000x32xf32, #tpu.memory_space<hbm>>) target(%arg12 : memref<128x32xf32, #tpu.memory_space<vmem>>) offsets(%dma_start3A_796 : memref<128xi32, #tpu.memory_space<vmem>>) semaphore(%arg14 : memref<!tpu.dma_semaphore, #tpu.memory_space<semaphore_mem>>)
    %dma_wait3A_804 = arith.constant 8 : i32
    %dma_wait3A_805 = arith.constant 0 : i32
    %dma_wait3A_806 = arith.constant 1024 : i32
    %dma_wait3A_807 = tpu.memref_slice %arg9[%dma_wait3A_805, %dma_wait3A_806] : memref<1x1664xi32, #tpu.memory_space<vmem>> -> memref<1x128xi32, #tpu.memory_space<vmem>>
    %dma_wait3A_808 = tpu.memref_squeeze %dma_wait3A_807 : memref<1x128xi32, #tpu.memory_space<vmem>> -> memref<128xi32, #tpu.memory_space<vmem>>
    %dma_wait3A_809 = arith.constant 0 : i32
    %dma_wait3A_810 = arith.constant 0 : i32
    %dma_wait3A_811 = tpu.memref_slice %arg4[%dma_wait3A_804, %dma_wait3A_809, %dma_wait3A_810] : memref<13x1000000x32xf32, #tpu.memory_space<hbm>> -> memref<1x1000000x32xf32, #tpu.memory_space<hbm>>
    %dma_wait3A_812 = tpu.memref_squeeze %dma_wait3A_811 : memref<1x1000000x32xf32, #tpu.memory_space<hbm>> -> memref<1000000x32xf32, #tpu.memory_space<hbm>>
    %dma_wait3A_813 = arith.constant 0 : i32
    %dma_wait3A_814 = arith.constant 0 : i32
    %dma_wait3A_815 = tpu.memref_slice %dma_wait3A_812[%dma_wait3A_813, %dma_wait3A_814] : memref<1000000x32xf32, #tpu.memory_space<hbm>> -> memref<1000000x32xf32, #tpu.memory_space<hbm>>
    tpu.wait_indirect_dma semaphore(%arg14 : memref<!tpu.dma_semaphore, #tpu.memory_space<semaphore_mem>>) src(%dma_wait3A_815 : memref<1000000x32xf32, #tpu.memory_space<hbm>>) dst(%arg12 : memref<128x32xf32, #tpu.memory_space<vmem>>)
    %dma_start3A_816 = arith.constant 8 : i32
    %dma_start3A_817 = arith.constant 0 : i32
    %dma_start3A_818 = tpu.memref_slice %arg7[%dma_start3A_816, %mul3A_2, %dma_start3A_817] : memref<13x4096x32xf32, #tpu.memory_space<hbm>> -> memref<1x128x32xf32, #tpu.memory_space<hbm>>
    %dma_start3A_819 = tpu.memref_squeeze %dma_start3A_818 : memref<1x128x32xf32, #tpu.memory_space<hbm>> -> memref<128x32xf32, #tpu.memory_space<hbm>>
    %dma_start3A_820 = arith.constant 0 : i32
    %dma_start3A_821 = tpu.memref_slice %arg7[%dma_start3A_816, %mul3A_2, %dma_start3A_820] : memref<13x4096x32xf32, #tpu.memory_space<hbm>> -> memref<1x128x32xf32, #tpu.memory_space<hbm>>
    %dma_start3A_822 = tpu.memref_squeeze %dma_start3A_821 : memref<1x128x32xf32, #tpu.memory_space<hbm>> -> memref<128x32xf32, #tpu.memory_space<hbm>>
    tpu.enqueue_dma source(%arg12 : memref<128x32xf32, #tpu.memory_space<vmem>>) target(%dma_start3A_822 : memref<128x32xf32, #tpu.memory_space<hbm>>) target_semaphore(%arg14 : memref<!tpu.dma_semaphore, #tpu.memory_space<semaphore_mem>>)
    %dma_wait3A_823 = arith.constant 7 : i32
    %dma_wait3A_824 = arith.constant 0 : i32
    %dma_wait3A_825 = tpu.memref_slice %arg7[%dma_wait3A_823, %mul3A_2, %dma_wait3A_824] : memref<13x4096x32xf32, #tpu.memory_space<hbm>> -> memref<1x128x32xf32, #tpu.memory_space<hbm>>
    %dma_wait3A_826 = tpu.memref_squeeze %dma_wait3A_825 : memref<1x128x32xf32, #tpu.memory_space<hbm>> -> memref<128x32xf32, #tpu.memory_space<hbm>>
    %dma_wait3A_827 = arith.constant 0 : i32
    %dma_wait3A_828 = tpu.memref_slice %arg7[%dma_wait3A_823, %mul3A_2, %dma_wait3A_827] : memref<13x4096x32xf32, #tpu.memory_space<hbm>> -> memref<1x128x32xf32, #tpu.memory_space<hbm>>
    %dma_wait3A_829 = tpu.memref_squeeze %dma_wait3A_828 : memref<1x128x32xf32, #tpu.memory_space<hbm>> -> memref<128x32xf32, #tpu.memory_space<hbm>>
    tpu.wait_dma2 semaphore(%arg15 : memref<!tpu.dma_semaphore, #tpu.memory_space<semaphore_mem>>) src(%arg13 : memref<128x32xf32, #tpu.memory_space<vmem>>) dst(%dma_wait3A_829 : memref<128x32xf32, #tpu.memory_space<hbm>>)
    %dma_start3A_830 = arith.constant 9 : i32
    %dma_start3A_831 = arith.constant 0 : i32
    %dma_start3A_832 = arith.constant 1152 : i32
    %dma_start3A_833 = tpu.memref_slice %arg9[%dma_start3A_831, %dma_start3A_832] : memref<1x1664xi32, #tpu.memory_space<vmem>> -> memref<1x128xi32, #tpu.memory_space<vmem>>
    %dma_start3A_834 = tpu.memref_squeeze %dma_start3A_833 : memref<1x128xi32, #tpu.memory_space<vmem>> -> memref<128xi32, #tpu.memory_space<vmem>>
    %dma_start3A_835 = arith.constant 0 : i32
    %dma_start3A_836 = arith.constant 0 : i32
    %dma_start3A_837 = tpu.memref_slice %arg4[%dma_start3A_830, %dma_start3A_835, %dma_start3A_836] : memref<13x1000000x32xf32, #tpu.memory_space<hbm>> -> memref<1x1000000x32xf32, #tpu.memory_space<hbm>>
    %dma_start3A_838 = tpu.memref_squeeze %dma_start3A_837 : memref<1x1000000x32xf32, #tpu.memory_space<hbm>> -> memref<1000000x32xf32, #tpu.memory_space<hbm>>
    %dma_start3A_839 = arith.constant 0 : i32
    %dma_start3A_840 = arith.constant 0 : i32
    %dma_start3A_841 = tpu.memref_slice %dma_start3A_838[%dma_start3A_839, %dma_start3A_840] : memref<1000000x32xf32, #tpu.memory_space<hbm>> -> memref<1000000x32xf32, #tpu.memory_space<hbm>>
    tpu.enqueue_indirect_dma source(%dma_start3A_841 : memref<1000000x32xf32, #tpu.memory_space<hbm>>) target(%arg13 : memref<128x32xf32, #tpu.memory_space<vmem>>) offsets(%dma_start3A_834 : memref<128xi32, #tpu.memory_space<vmem>>) semaphore(%arg15 : memref<!tpu.dma_semaphore, #tpu.memory_space<semaphore_mem>>)
    %dma_wait3A_842 = arith.constant 9 : i32
    %dma_wait3A_843 = arith.constant 0 : i32
    %dma_wait3A_844 = arith.constant 1152 : i32
    %dma_wait3A_845 = tpu.memref_slice %arg9[%dma_wait3A_843, %dma_wait3A_844] : memref<1x1664xi32, #tpu.memory_space<vmem>> -> memref<1x128xi32, #tpu.memory_space<vmem>>
    %dma_wait3A_846 = tpu.memref_squeeze %dma_wait3A_845 : memref<1x128xi32, #tpu.memory_space<vmem>> -> memref<128xi32, #tpu.memory_space<vmem>>
    %dma_wait3A_847 = arith.constant 0 : i32
    %dma_wait3A_848 = arith.constant 0 : i32
    %dma_wait3A_849 = tpu.memref_slice %arg4[%dma_wait3A_842, %dma_wait3A_847, %dma_wait3A_848] : memref<13x1000000x32xf32, #tpu.memory_space<hbm>> -> memref<1x1000000x32xf32, #tpu.memory_space<hbm>>
    %dma_wait3A_850 = tpu.memref_squeeze %dma_wait3A_849 : memref<1x1000000x32xf32, #tpu.memory_space<hbm>> -> memref<1000000x32xf32, #tpu.memory_space<hbm>>
    %dma_wait3A_851 = arith.constant 0 : i32
    %dma_wait3A_852 = arith.constant 0 : i32
    %dma_wait3A_853 = tpu.memref_slice %dma_wait3A_850[%dma_wait3A_851, %dma_wait3A_852] : memref<1000000x32xf32, #tpu.memory_space<hbm>> -> memref<1000000x32xf32, #tpu.memory_space<hbm>>
    tpu.wait_indirect_dma semaphore(%arg15 : memref<!tpu.dma_semaphore, #tpu.memory_space<semaphore_mem>>) src(%dma_wait3A_853 : memref<1000000x32xf32, #tpu.memory_space<hbm>>) dst(%arg13 : memref<128x32xf32, #tpu.memory_space<vmem>>)
    %dma_start3A_854 = arith.constant 9 : i32
    %dma_start3A_855 = arith.constant 0 : i32
    %dma_start3A_856 = tpu.memref_slice %arg7[%dma_start3A_854, %mul3A_2, %dma_start3A_855] : memref<13x4096x32xf32, #tpu.memory_space<hbm>> -> memref<1x128x32xf32, #tpu.memory_space<hbm>>
    %dma_start3A_857 = tpu.memref_squeeze %dma_start3A_856 : memref<1x128x32xf32, #tpu.memory_space<hbm>> -> memref<128x32xf32, #tpu.memory_space<hbm>>
    %dma_start3A_858 = arith.constant 0 : i32
    %dma_start3A_859 = tpu.memref_slice %arg7[%dma_start3A_854, %mul3A_2, %dma_start3A_858] : memref<13x4096x32xf32, #tpu.memory_space<hbm>> -> memref<1x128x32xf32, #tpu.memory_space<hbm>>
    %dma_start3A_860 = tpu.memref_squeeze %dma_start3A_859 : memref<1x128x32xf32, #tpu.memory_space<hbm>> -> memref<128x32xf32, #tpu.memory_space<hbm>>
    tpu.enqueue_dma source(%arg13 : memref<128x32xf32, #tpu.memory_space<vmem>>) target(%dma_start3A_860 : memref<128x32xf32, #tpu.memory_space<hbm>>) target_semaphore(%arg15 : memref<!tpu.dma_semaphore, #tpu.memory_space<semaphore_mem>>)
    %dma_wait3A_861 = arith.constant 8 : i32
    %dma_wait3A_862 = arith.constant 0 : i32
    %dma_wait3A_863 = tpu.memref_slice %arg7[%dma_wait3A_861, %mul3A_2, %dma_wait3A_862] : memref<13x4096x32xf32, #tpu.memory_space<hbm>> -> memref<1x128x32xf32, #tpu.memory_space<hbm>>
    %dma_wait3A_864 = tpu.memref_squeeze %dma_wait3A_863 : memref<1x128x32xf32, #tpu.memory_space<hbm>> -> memref<128x32xf32, #tpu.memory_space<hbm>>
    %dma_wait3A_865 = arith.constant 0 : i32
    %dma_wait3A_866 = tpu.memref_slice %arg7[%dma_wait3A_861, %mul3A_2, %dma_wait3A_865] : memref<13x4096x32xf32, #tpu.memory_space<hbm>> -> memref<1x128x32xf32, #tpu.memory_space<hbm>>
    %dma_wait3A_867 = tpu.memref_squeeze %dma_wait3A_866 : memref<1x128x32xf32, #tpu.memory_space<hbm>> -> memref<128x32xf32, #tpu.memory_space<hbm>>
    tpu.wait_dma2 semaphore(%arg14 : memref<!tpu.dma_semaphore, #tpu.memory_space<semaphore_mem>>) src(%arg12 : memref<128x32xf32, #tpu.memory_space<vmem>>) dst(%dma_wait3A_867 : memref<128x32xf32, #tpu.memory_space<hbm>>)
    %dma_start3A_868 = arith.constant 10 : i32
    %dma_start3A_869 = arith.constant 0 : i32
    %dma_start3A_870 = arith.constant 1280 : i32
    %dma_start3A_871 = tpu.memref_slice %arg9[%dma_start3A_869, %dma_start3A_870] : memref<1x1664xi32, #tpu.memory_space<vmem>> -> memref<1x128xi32, #tpu.memory_space<vmem>>
    %dma_start3A_872 = tpu.memref_squeeze %dma_start3A_871 : memref<1x128xi32, #tpu.memory_space<vmem>> -> memref<128xi32, #tpu.memory_space<vmem>>
    %dma_start3A_873 = arith.constant 0 : i32
    %dma_start3A_874 = arith.constant 0 : i32
    %dma_start3A_875 = tpu.memref_slice %arg4[%dma_start3A_868, %dma_start3A_873, %dma_start3A_874] : memref<13x1000000x32xf32, #tpu.memory_space<hbm>> -> memref<1x1000000x32xf32, #tpu.memory_space<hbm>>
    %dma_start3A_876 = tpu.memref_squeeze %dma_start3A_875 : memref<1x1000000x32xf32, #tpu.memory_space<hbm>> -> memref<1000000x32xf32, #tpu.memory_space<hbm>>
    %dma_start3A_877 = arith.constant 0 : i32
    %dma_start3A_878 = arith.constant 0 : i32
    %dma_start3A_879 = tpu.memref_slice %dma_start3A_876[%dma_start3A_877, %dma_start3A_878] : memref<1000000x32xf32, #tpu.memory_space<hbm>> -> memref<1000000x32xf32, #tpu.memory_space<hbm>>
    tpu.enqueue_indirect_dma source(%dma_start3A_879 : memref<1000000x32xf32, #tpu.memory_space<hbm>>) target(%arg12 : memref<128x32xf32, #tpu.memory_space<vmem>>) offsets(%dma_start3A_872 : memref<128xi32, #tpu.memory_space<vmem>>) semaphore(%arg14 : memref<!tpu.dma_semaphore, #tpu.memory_space<semaphore_mem>>)
    %dma_wait3A_880 = arith.constant 10 : i32
    %dma_wait3A_881 = arith.constant 0 : i32
    %dma_wait3A_882 = arith.constant 1280 : i32
    %dma_wait3A_883 = tpu.memref_slice %arg9[%dma_wait3A_881, %dma_wait3A_882] : memref<1x1664xi32, #tpu.memory_space<vmem>> -> memref<1x128xi32, #tpu.memory_space<vmem>>
    %dma_wait3A_884 = tpu.memref_squeeze %dma_wait3A_883 : memref<1x128xi32, #tpu.memory_space<vmem>> -> memref<128xi32, #tpu.memory_space<vmem>>
    %dma_wait3A_885 = arith.constant 0 : i32
    %dma_wait3A_886 = arith.constant 0 : i32
    %dma_wait3A_887 = tpu.memref_slice %arg4[%dma_wait3A_880, %dma_wait3A_885, %dma_wait3A_886] : memref<13x1000000x32xf32, #tpu.memory_space<hbm>> -> memref<1x1000000x32xf32, #tpu.memory_space<hbm>>
    %dma_wait3A_888 = tpu.memref_squeeze %dma_wait3A_887 : memref<1x1000000x32xf32, #tpu.memory_space<hbm>> -> memref<1000000x32xf32, #tpu.memory_space<hbm>>
    %dma_wait3A_889 = arith.constant 0 : i32
    %dma_wait3A_890 = arith.constant 0 : i32
    %dma_wait3A_891 = tpu.memref_slice %dma_wait3A_888[%dma_wait3A_889, %dma_wait3A_890] : memref<1000000x32xf32, #tpu.memory_space<hbm>> -> memref<1000000x32xf32, #tpu.memory_space<hbm>>
    tpu.wait_indirect_dma semaphore(%arg14 : memref<!tpu.dma_semaphore, #tpu.memory_space<semaphore_mem>>) src(%dma_wait3A_891 : memref<1000000x32xf32, #tpu.memory_space<hbm>>) dst(%arg12 : memref<128x32xf32, #tpu.memory_space<vmem>>)
    %dma_start3A_892 = arith.constant 10 : i32
    %dma_start3A_893 = arith.constant 0 : i32
    %dma_start3A_894 = tpu.memref_slice %arg7[%dma_start3A_892, %mul3A_2, %dma_start3A_893] : memref<13x4096x32xf32, #tpu.memory_space<hbm>> -> memref<1x128x32xf32, #tpu.memory_space<hbm>>
    %dma_start3A_895 = tpu.memref_squeeze %dma_start3A_894 : memref<1x128x32xf32, #tpu.memory_space<hbm>> -> memref<128x32xf32, #tpu.memory_space<hbm>>
    %dma_start3A_896 = arith.constant 0 : i32
    %dma_start3A_897 = tpu.memref_slice %arg7[%dma_start3A_892, %mul3A_2, %dma_start3A_896] : memref<13x4096x32xf32, #tpu.memory_space<hbm>> -> memref<1x128x32xf32, #tpu.memory_space<hbm>>
    %dma_start3A_898 = tpu.memref_squeeze %dma_start3A_897 : memref<1x128x32xf32, #tpu.memory_space<hbm>> -> memref<128x32xf32, #tpu.memory_space<hbm>>
    tpu.enqueue_dma source(%arg12 : memref<128x32xf32, #tpu.memory_space<vmem>>) target(%dma_start3A_898 : memref<128x32xf32, #tpu.memory_space<hbm>>) target_semaphore(%arg14 : memref<!tpu.dma_semaphore, #tpu.memory_space<semaphore_mem>>)
    %dma_wait3A_899 = arith.constant 9 : i32
    %dma_wait3A_900 = arith.constant 0 : i32
    %dma_wait3A_901 = tpu.memref_slice %arg7[%dma_wait3A_899, %mul3A_2, %dma_wait3A_900] : memref<13x4096x32xf32, #tpu.memory_space<hbm>> -> memref<1x128x32xf32, #tpu.memory_space<hbm>>
    %dma_wait3A_902 = tpu.memref_squeeze %dma_wait3A_901 : memref<1x128x32xf32, #tpu.memory_space<hbm>> -> memref<128x32xf32, #tpu.memory_space<hbm>>
    %dma_wait3A_903 = arith.constant 0 : i32
    %dma_wait3A_904 = tpu.memref_slice %arg7[%dma_wait3A_899, %mul3A_2, %dma_wait3A_903] : memref<13x4096x32xf32, #tpu.memory_space<hbm>> -> memref<1x128x32xf32, #tpu.memory_space<hbm>>
    %dma_wait3A_905 = tpu.memref_squeeze %dma_wait3A_904 : memref<1x128x32xf32, #tpu.memory_space<hbm>> -> memref<128x32xf32, #tpu.memory_space<hbm>>
    tpu.wait_dma2 semaphore(%arg15 : memref<!tpu.dma_semaphore, #tpu.memory_space<semaphore_mem>>) src(%arg13 : memref<128x32xf32, #tpu.memory_space<vmem>>) dst(%dma_wait3A_905 : memref<128x32xf32, #tpu.memory_space<hbm>>)
    %dma_start3A_906 = arith.constant 11 : i32
    %dma_start3A_907 = arith.constant 0 : i32
    %dma_start3A_908 = arith.constant 1408 : i32
    %dma_start3A_909 = tpu.memref_slice %arg9[%dma_start3A_907, %dma_start3A_908] : memref<1x1664xi32, #tpu.memory_space<vmem>> -> memref<1x128xi32, #tpu.memory_space<vmem>>
    %dma_start3A_910 = tpu.memref_squeeze %dma_start3A_909 : memref<1x128xi32, #tpu.memory_space<vmem>> -> memref<128xi32, #tpu.memory_space<vmem>>
    %dma_start3A_911 = arith.constant 0 : i32
    %dma_start3A_912 = arith.constant 0 : i32
    %dma_start3A_913 = tpu.memref_slice %arg4[%dma_start3A_906, %dma_start3A_911, %dma_start3A_912] : memref<13x1000000x32xf32, #tpu.memory_space<hbm>> -> memref<1x1000000x32xf32, #tpu.memory_space<hbm>>
    %dma_start3A_914 = tpu.memref_squeeze %dma_start3A_913 : memref<1x1000000x32xf32, #tpu.memory_space<hbm>> -> memref<1000000x32xf32, #tpu.memory_space<hbm>>
    %dma_start3A_915 = arith.constant 0 : i32
    %dma_start3A_916 = arith.constant 0 : i32
    %dma_start3A_917 = tpu.memref_slice %dma_start3A_914[%dma_start3A_915, %dma_start3A_916] : memref<1000000x32xf32, #tpu.memory_space<hbm>> -> memref<1000000x32xf32, #tpu.memory_space<hbm>>
    tpu.enqueue_indirect_dma source(%dma_start3A_917 : memref<1000000x32xf32, #tpu.memory_space<hbm>>) target(%arg13 : memref<128x32xf32, #tpu.memory_space<vmem>>) offsets(%dma_start3A_910 : memref<128xi32, #tpu.memory_space<vmem>>) semaphore(%arg15 : memref<!tpu.dma_semaphore, #tpu.memory_space<semaphore_mem>>)
    %dma_wait3A_918 = arith.constant 11 : i32
    %dma_wait3A_919 = arith.constant 0 : i32
    %dma_wait3A_920 = arith.constant 1408 : i32
    %dma_wait3A_921 = tpu.memref_slice %arg9[%dma_wait3A_919, %dma_wait3A_920] : memref<1x1664xi32, #tpu.memory_space<vmem>> -> memref<1x128xi32, #tpu.memory_space<vmem>>
    %dma_wait3A_922 = tpu.memref_squeeze %dma_wait3A_921 : memref<1x128xi32, #tpu.memory_space<vmem>> -> memref<128xi32, #tpu.memory_space<vmem>>
    %dma_wait3A_923 = arith.constant 0 : i32
    %dma_wait3A_924 = arith.constant 0 : i32
    %dma_wait3A_925 = tpu.memref_slice %arg4[%dma_wait3A_918, %dma_wait3A_923, %dma_wait3A_924] : memref<13x1000000x32xf32, #tpu.memory_space<hbm>> -> memref<1x1000000x32xf32, #tpu.memory_space<hbm>>
    %dma_wait3A_926 = tpu.memref_squeeze %dma_wait3A_925 : memref<1x1000000x32xf32, #tpu.memory_space<hbm>> -> memref<1000000x32xf32, #tpu.memory_space<hbm>>
    %dma_wait3A_927 = arith.constant 0 : i32
    %dma_wait3A_928 = arith.constant 0 : i32
    %dma_wait3A_929 = tpu.memref_slice %dma_wait3A_926[%dma_wait3A_927, %dma_wait3A_928] : memref<1000000x32xf32, #tpu.memory_space<hbm>> -> memref<1000000x32xf32, #tpu.memory_space<hbm>>
    tpu.wait_indirect_dma semaphore(%arg15 : memref<!tpu.dma_semaphore, #tpu.memory_space<semaphore_mem>>) src(%dma_wait3A_929 : memref<1000000x32xf32, #tpu.memory_space<hbm>>) dst(%arg13 : memref<128x32xf32, #tpu.memory_space<vmem>>)
    %dma_start3A_930 = arith.constant 11 : i32
    %dma_start3A_931 = arith.constant 0 : i32
    %dma_start3A_932 = tpu.memref_slice %arg7[%dma_start3A_930, %mul3A_2, %dma_start3A_931] : memref<13x4096x32xf32, #tpu.memory_space<hbm>> -> memref<1x128x32xf32, #tpu.memory_space<hbm>>
    %dma_start3A_933 = tpu.memref_squeeze %dma_start3A_932 : memref<1x128x32xf32, #tpu.memory_space<hbm>> -> memref<128x32xf32, #tpu.memory_space<hbm>>
    %dma_start3A_934 = arith.constant 0 : i32
    %dma_start3A_935 = tpu.memref_slice %arg7[%dma_start3A_930, %mul3A_2, %dma_start3A_934] : memref<13x4096x32xf32, #tpu.memory_space<hbm>> -> memref<1x128x32xf32, #tpu.memory_space<hbm>>
    %dma_start3A_936 = tpu.memref_squeeze %dma_start3A_935 : memref<1x128x32xf32, #tpu.memory_space<hbm>> -> memref<128x32xf32, #tpu.memory_space<hbm>>
    tpu.enqueue_dma source(%arg13 : memref<128x32xf32, #tpu.memory_space<vmem>>) target(%dma_start3A_936 : memref<128x32xf32, #tpu.memory_space<hbm>>) target_semaphore(%arg15 : memref<!tpu.dma_semaphore, #tpu.memory_space<semaphore_mem>>)
    %dma_wait3A_937 = arith.constant 10 : i32
    %dma_wait3A_938 = arith.constant 0 : i32
    %dma_wait3A_939 = tpu.memref_slice %arg7[%dma_wait3A_937, %mul3A_2, %dma_wait3A_938] : memref<13x4096x32xf32, #tpu.memory_space<hbm>> -> memref<1x128x32xf32, #tpu.memory_space<hbm>>
    %dma_wait3A_940 = tpu.memref_squeeze %dma_wait3A_939 : memref<1x128x32xf32, #tpu.memory_space<hbm>> -> memref<128x32xf32, #tpu.memory_space<hbm>>
    %dma_wait3A_941 = arith.constant 0 : i32
    %dma_wait3A_942 = tpu.memref_slice %arg7[%dma_wait3A_937, %mul3A_2, %dma_wait3A_941] : memref<13x4096x32xf32, #tpu.memory_space<hbm>> -> memref<1x128x32xf32, #tpu.memory_space<hbm>>
    %dma_wait3A_943 = tpu.memref_squeeze %dma_wait3A_942 : memref<1x128x32xf32, #tpu.memory_space<hbm>> -> memref<128x32xf32, #tpu.memory_space<hbm>>
    tpu.wait_dma2 semaphore(%arg14 : memref<!tpu.dma_semaphore, #tpu.memory_space<semaphore_mem>>) src(%arg12 : memref<128x32xf32, #tpu.memory_space<vmem>>) dst(%dma_wait3A_943 : memref<128x32xf32, #tpu.memory_space<hbm>>)
    %dma_start3A_944 = arith.constant 12 : i32
    %dma_start3A_945 = arith.constant 0 : i32
    %dma_start3A_946 = arith.constant 1536 : i32
    %dma_start3A_947 = tpu.memref_slice %arg9[%dma_start3A_945, %dma_start3A_946] : memref<1x1664xi32, #tpu.memory_space<vmem>> -> memref<1x128xi32, #tpu.memory_space<vmem>>
    %dma_start3A_948 = tpu.memref_squeeze %dma_start3A_947 : memref<1x128xi32, #tpu.memory_space<vmem>> -> memref<128xi32, #tpu.memory_space<vmem>>
    %dma_start3A_949 = arith.constant 0 : i32
    %dma_start3A_950 = arith.constant 0 : i32
    %dma_start3A_951 = tpu.memref_slice %arg4[%dma_start3A_944, %dma_start3A_949, %dma_start3A_950] : memref<13x1000000x32xf32, #tpu.memory_space<hbm>> -> memref<1x1000000x32xf32, #tpu.memory_space<hbm>>
    %dma_start3A_952 = tpu.memref_squeeze %dma_start3A_951 : memref<1x1000000x32xf32, #tpu.memory_space<hbm>> -> memref<1000000x32xf32, #tpu.memory_space<hbm>>
    %dma_start3A_953 = arith.constant 0 : i32
    %dma_start3A_954 = arith.constant 0 : i32
    %dma_start3A_955 = tpu.memref_slice %dma_start3A_952[%dma_start3A_953, %dma_start3A_954] : memref<1000000x32xf32, #tpu.memory_space<hbm>> -> memref<1000000x32xf32, #tpu.memory_space<hbm>>
    tpu.enqueue_indirect_dma source(%dma_start3A_955 : memref<1000000x32xf32, #tpu.memory_space<hbm>>) target(%arg12 : memref<128x32xf32, #tpu.memory_space<vmem>>) offsets(%dma_start3A_948 : memref<128xi32, #tpu.memory_space<vmem>>) semaphore(%arg14 : memref<!tpu.dma_semaphore, #tpu.memory_space<semaphore_mem>>)
    %dma_wait3A_956 = arith.constant 12 : i32
    %dma_wait3A_957 = arith.constant 0 : i32
    %dma_wait3A_958 = arith.constant 1536 : i32
    %dma_wait3A_959 = tpu.memref_slice %arg9[%dma_wait3A_957, %dma_wait3A_958] : memref<1x1664xi32, #tpu.memory_space<vmem>> -> memref<1x128xi32, #tpu.memory_space<vmem>>
    %dma_wait3A_960 = tpu.memref_squeeze %dma_wait3A_959 : memref<1x128xi32, #tpu.memory_space<vmem>> -> memref<128xi32, #tpu.memory_space<vmem>>
    %dma_wait3A_961 = arith.constant 0 : i32
    %dma_wait3A_962 = arith.constant 0 : i32
    %dma_wait3A_963 = tpu.memref_slice %arg4[%dma_wait3A_956, %dma_wait3A_961, %dma_wait3A_962] : memref<13x1000000x32xf32, #tpu.memory_space<hbm>> -> memref<1x1000000x32xf32, #tpu.memory_space<hbm>>
    %dma_wait3A_964 = tpu.memref_squeeze %dma_wait3A_963 : memref<1x1000000x32xf32, #tpu.memory_space<hbm>> -> memref<1000000x32xf32, #tpu.memory_space<hbm>>
    %dma_wait3A_965 = arith.constant 0 : i32
    %dma_wait3A_966 = arith.constant 0 : i32
    %dma_wait3A_967 = tpu.memref_slice %dma_wait3A_964[%dma_wait3A_965, %dma_wait3A_966] : memref<1000000x32xf32, #tpu.memory_space<hbm>> -> memref<1000000x32xf32, #tpu.memory_space<hbm>>
    tpu.wait_indirect_dma semaphore(%arg14 : memref<!tpu.dma_semaphore, #tpu.memory_space<semaphore_mem>>) src(%dma_wait3A_967 : memref<1000000x32xf32, #tpu.memory_space<hbm>>) dst(%arg12 : memref<128x32xf32, #tpu.memory_space<vmem>>)
    %dma_start3A_968 = arith.constant 12 : i32
    %dma_start3A_969 = arith.constant 0 : i32
    %dma_start3A_970 = tpu.memref_slice %arg7[%dma_start3A_968, %mul3A_2, %dma_start3A_969] : memref<13x4096x32xf32, #tpu.memory_space<hbm>> -> memref<1x128x32xf32, #tpu.memory_space<hbm>>
    %dma_start3A_971 = tpu.memref_squeeze %dma_start3A_970 : memref<1x128x32xf32, #tpu.memory_space<hbm>> -> memref<128x32xf32, #tpu.memory_space<hbm>>
    %dma_start3A_972 = arith.constant 0 : i32
    %dma_start3A_973 = tpu.memref_slice %arg7[%dma_start3A_968, %mul3A_2, %dma_start3A_972] : memref<13x4096x32xf32, #tpu.memory_space<hbm>> -> memref<1x128x32xf32, #tpu.memory_space<hbm>>
    %dma_start3A_974 = tpu.memref_squeeze %dma_start3A_973 : memref<1x128x32xf32, #tpu.memory_space<hbm>> -> memref<128x32xf32, #tpu.memory_space<hbm>>
    tpu.enqueue_dma source(%arg12 : memref<128x32xf32, #tpu.memory_space<vmem>>) target(%dma_start3A_974 : memref<128x32xf32, #tpu.memory_space<hbm>>) target_semaphore(%arg14 : memref<!tpu.dma_semaphore, #tpu.memory_space<semaphore_mem>>)
    %dma_wait3A_975 = arith.constant 12 : i32
    %dma_wait3A_976 = arith.constant 0 : i32
    %dma_wait3A_977 = tpu.memref_slice %arg7[%dma_wait3A_975, %mul3A_2, %dma_wait3A_976] : memref<13x4096x32xf32, #tpu.memory_space<hbm>> -> memref<1x128x32xf32, #tpu.memory_space<hbm>>
    %dma_wait3A_978 = tpu.memref_squeeze %dma_wait3A_977 : memref<1x128x32xf32, #tpu.memory_space<hbm>> -> memref<128x32xf32, #tpu.memory_space<hbm>>
    %dma_wait3A_979 = arith.constant 0 : i32
    %dma_wait3A_980 = tpu.memref_slice %arg7[%dma_wait3A_975, %mul3A_2, %dma_wait3A_979] : memref<13x4096x32xf32, #tpu.memory_space<hbm>> -> memref<1x128x32xf32, #tpu.memory_space<hbm>>
    %dma_wait3A_981 = tpu.memref_squeeze %dma_wait3A_980 : memref<1x128x32xf32, #tpu.memory_space<hbm>> -> memref<128x32xf32, #tpu.memory_space<hbm>>
    tpu.wait_dma2 semaphore(%arg14 : memref<!tpu.dma_semaphore, #tpu.memory_space<semaphore_mem>>) src(%arg12 : memref<128x32xf32, #tpu.memory_space<vmem>>) dst(%dma_wait3A_981 : memref<128x32xf32, #tpu.memory_space<hbm>>)
    %dma_wait3A_982 = arith.constant 11 : i32
    %dma_wait3A_983 = arith.constant 0 : i32
    %dma_wait3A_984 = tpu.memref_slice %arg7[%dma_wait3A_982, %mul3A_2, %dma_wait3A_983] : memref<13x4096x32xf32, #tpu.memory_space<hbm>> -> memref<1x128x32xf32, #tpu.memory_space<hbm>>
    %dma_wait3A_985 = tpu.memref_squeeze %dma_wait3A_984 : memref<1x128x32xf32, #tpu.memory_space<hbm>> -> memref<128x32xf32, #tpu.memory_space<hbm>>
    %dma_wait3A_986 = arith.constant 0 : i32
    %dma_wait3A_987 = tpu.memref_slice %arg7[%dma_wait3A_982, %mul3A_2, %dma_wait3A_986] : memref<13x4096x32xf32, #tpu.memory_space<hbm>> -> memref<1x128x32xf32, #tpu.memory_space<hbm>>
    %dma_wait3A_988 = tpu.memref_squeeze %dma_wait3A_987 : memref<1x128x32xf32, #tpu.memory_space<hbm>> -> memref<128x32xf32, #tpu.memory_space<hbm>>
    tpu.wait_dma2 semaphore(%arg15 : memref<!tpu.dma_semaphore, #tpu.memory_space<semaphore_mem>>) src(%arg13 : memref<128x32xf32, #tpu.memory_space<vmem>>) dst(%dma_wait3A_988 : memref<128x32xf32, #tpu.memory_space<hbm>>)
    return
  }
}

module attributes {stable_mosaic.version = 14 : i64} {
  func.func @_mlp_body(%arg0: i32, %arg1: memref<512x13xf32, #tpu.memory_space<vmem>>, %arg2: memref<13x512x64xf32, #tpu.memory_space<vmem>>, %arg3: memref<13x512x32xf32, #tpu.memory_space<vmem>>, %arg4: memref<13x512xf32, #tpu.memory_space<vmem>>, %arg5: memref<1x512xf32, #tpu.memory_space<vmem>>, %arg6: memref<512x64xf32, #tpu.memory_space<vmem>>, %arg7: memref<1x64xf32, #tpu.memory_space<vmem>>, %arg8: memref<13x64x512xf32, #tpu.memory_space<vmem>>, %arg9: memref<13x32x512xf32, #tpu.memory_space<vmem>>, %arg10: memref<64x512xf32, #tpu.memory_space<vmem>>, %arg11: memref<1x512xf32, #tpu.memory_space<vmem>>, %arg12: memref<512x512xf32, #tpu.memory_space<vmem>>, %arg13: memref<1x512xf32, #tpu.memory_space<vmem>>, %arg14: memref<512x512xf32, #tpu.memory_space<vmem>>, %arg15: memref<1x512xf32, #tpu.memory_space<vmem>>, %arg16: memref<512x512xf32, #tpu.memory_space<vmem>>, %arg17: memref<1x512xf32, #tpu.memory_space<vmem>>, %arg18: memref<512x1xf32, #tpu.memory_space<vmem>>, %arg19: memref<1x1xf32, #tpu.memory_space<vmem>>, %arg20: memref<512x1xf32, #tpu.memory_space<vmem>>) attributes {dimension_semantics = [#tpu.dimension_semantics<arbitrary>], iteration_bounds = array<i64: 8>, scalar_prefetch = 0 : i64, scratch_operands = 0 : i64, tpu.core_type = #tpu.core_type<tc>, window_params = [{transform_indices = @transform_0, window_bounds = array<i64: 512, 13>}, {transform_indices = @transform_1, window_bounds = array<i64: 13, 512, 64>}, {transform_indices = @transform_2, window_bounds = array<i64: 13, 512, 32>}, {pipeline_mode = #tpu.pipeline_mode<synchronous>, transform_indices = @transform_3, window_bounds = array<i64: 13, 512>}, {pipeline_mode = #tpu.pipeline_mode<synchronous>, transform_indices = @transform_4, window_bounds = array<i64: 1, 512>}, {pipeline_mode = #tpu.pipeline_mode<synchronous>, transform_indices = @transform_5, window_bounds = array<i64: 512, 64>}, {pipeline_mode = #tpu.pipeline_mode<synchronous>, transform_indices = @transform_6, window_bounds = array<i64: 1, 64>}, {pipeline_mode = #tpu.pipeline_mode<synchronous>, transform_indices = @transform_7, window_bounds = array<i64: 13, 64, 512>}, {pipeline_mode = #tpu.pipeline_mode<synchronous>, transform_indices = @transform_8, window_bounds = array<i64: 13, 32, 512>}, {pipeline_mode = #tpu.pipeline_mode<synchronous>, transform_indices = @transform_9, window_bounds = array<i64: 64, 512>}, {pipeline_mode = #tpu.pipeline_mode<synchronous>, transform_indices = @transform_10, window_bounds = array<i64: 1, 512>}, {pipeline_mode = #tpu.pipeline_mode<synchronous>, transform_indices = @transform_11, window_bounds = array<i64: 512, 512>}, {pipeline_mode = #tpu.pipeline_mode<synchronous>, transform_indices = @transform_12, window_bounds = array<i64: 1, 512>}, {pipeline_mode = #tpu.pipeline_mode<synchronous>, transform_indices = @transform_13, window_bounds = array<i64: 512, 512>}, {pipeline_mode = #tpu.pipeline_mode<synchronous>, transform_indices = @transform_14, window_bounds = array<i64: 1, 512>}, {pipeline_mode = #tpu.pipeline_mode<synchronous>, transform_indices = @transform_15, window_bounds = array<i64: 512, 512>}, {pipeline_mode = #tpu.pipeline_mode<synchronous>, transform_indices = @transform_16, window_bounds = array<i64: 1, 512>}, {pipeline_mode = #tpu.pipeline_mode<synchronous>, transform_indices = @transform_17, window_bounds = array<i64: 512, 1>}, {pipeline_mode = #tpu.pipeline_mode<synchronous>, transform_indices = @transform_18, window_bounds = array<i64: 1, 1>}, {transform_indices = @transform_19, window_bounds = array<i64: 512, 1>}]} {
    %get3A = arith.constant 0 : index
    %get3A_0 = arith.constant 0 : index
    %get3A_1 = vector.load %arg1[%get3A, %get3A_0] : memref<512x13xf32, #tpu.memory_space<vmem>>, vector<512x13xf32>
    %get3A_2 = arith.constant 0 : index
    %get3A_3 = arith.constant 0 : index
    %get3A_4 = vector.load %arg4[%get3A_2, %get3A_3] : memref<13x512xf32, #tpu.memory_space<vmem>>, vector<13x512xf32>
    %dot_general3A = arith.constant dense<0.000000e+00> : vector<512x512xf32>
    %dot_general3A_5 = tpu.matmul %get3A_1, %get3A_4, %dot_general3A {dimension_numbers = #tpu.dot_dimension_numbers<[1], [0], [0], [1], [0, 0, 1, 1], [], []>, transpose_lhs_hint = false} : vector<512x13xf32>, vector<13x512xf32>, vector<512x512xf32> -> vector<512x512xf32>
    %get3A_6 = arith.constant 0 : index
    %get3A_7 = arith.constant 0 : index
    %get3A_8 = vector.load %arg5[%get3A_6, %get3A_7] : memref<1x512xf32, #tpu.memory_space<vmem>>, vector<1x512xf32>
    %add3A = vector.broadcast %get3A_8 : vector<1x512xf32> to vector<512x512xf32>
    %add3A_9 = arith.addf %dot_general3A_5, %add3A : vector<512x512xf32>
    %max3A = arith.constant 0.000000e+00 : f32
    %max3A_10 = vector.broadcast %max3A : f32 to vector<512x512xf32>
    %max3A_11 = arith.maximumf %add3A_9, %max3A_10 : vector<512x512xf32>
    %get3A_12 = arith.constant 0 : index
    %get3A_13 = arith.constant 0 : index
    %get3A_14 = vector.load %arg6[%get3A_12, %get3A_13] : memref<512x64xf32, #tpu.memory_space<vmem>>, vector<512x64xf32>
    %dot_general3A_15 = arith.constant dense<0.000000e+00> : vector<512x64xf32>
    %dot_general3A_16 = tpu.matmul %max3A_11, %get3A_14, %dot_general3A_15 {dimension_numbers = #tpu.dot_dimension_numbers<[1], [0], [0], [1], [0, 0, 1, 1], [], []>, transpose_lhs_hint = false} : vector<512x512xf32>, vector<512x64xf32>, vector<512x64xf32> -> vector<512x64xf32>
    %get3A_17 = arith.constant 0 : index
    %get3A_18 = arith.constant 0 : index
    %get3A_19 = vector.load %arg7[%get3A_17, %get3A_18] : memref<1x64xf32, #tpu.memory_space<vmem>>, vector<1x64xf32>
    %add3A_20 = vector.broadcast %get3A_19 : vector<1x64xf32> to vector<512x64xf32>
    %add3A_21 = arith.addf %dot_general3A_16, %add3A_20 : vector<512x64xf32>
    %get3A_22 = arith.constant 0 : index
    %get3A_23 = arith.constant 0 : index
    %get3A_24 = vector.load %arg10[%get3A_22, %get3A_23] : memref<64x512xf32, #tpu.memory_space<vmem>>, vector<64x512xf32>
    %dot_general3A_25 = arith.constant dense<0.000000e+00> : vector<512x512xf32>
    %dot_general3A_26 = tpu.matmul %add3A_21, %get3A_24, %dot_general3A_25 {dimension_numbers = #tpu.dot_dimension_numbers<[1], [0], [0], [1], [0, 0, 1, 1], [], []>, transpose_lhs_hint = false} : vector<512x64xf32>, vector<64x512xf32>, vector<512x512xf32> -> vector<512x512xf32>
    %get3A_27 = arith.constant 0 : index
    %get3A_28 = arith.constant 0 : index
    %get3A_29 = vector.load %arg11[%get3A_27, %get3A_28] : memref<1x512xf32, #tpu.memory_space<vmem>>, vector<1x512xf32>
    %add3A_30 = vector.broadcast %get3A_29 : vector<1x512xf32> to vector<512x512xf32>
    %add3A_31 = arith.addf %dot_general3A_26, %add3A_30 : vector<512x512xf32>
    %get3A_32 = arith.constant 0 : index
    %get3A_33 = arith.constant 0 : index
    %get3A_34 = arith.constant 0 : index
    %get3A_35 = vector.load %arg2[%get3A_32, %get3A_33, %get3A_34] : memref<13x512x64xf32, #tpu.memory_space<vmem>>, vector<13x512x64xf32>
    %get3A_36 = arith.constant 0 : index
    %get3A_37 = arith.constant 0 : index
    %get3A_38 = arith.constant 0 : index
    %get3A_39 = vector.load %arg3[%get3A_36, %get3A_37, %get3A_38] : memref<13x512x32xf32, #tpu.memory_space<vmem>>, vector<13x512x32xf32>
    %get3A_40 = arith.constant 0 : index
    %get3A_41 = arith.constant 0 : index
    %get3A_42 = arith.constant 0 : index
    %get3A_43 = vector.load %arg8[%get3A_40, %get3A_41, %get3A_42] : memref<13x64x512xf32, #tpu.memory_space<vmem>>, vector<13x64x512xf32>
    %get3A_44 = arith.constant 0 : index
    %get3A_45 = arith.constant 0 : index
    %get3A_46 = arith.constant 0 : index
    %get3A_47 = vector.load %arg9[%get3A_44, %get3A_45, %get3A_46] : memref<13x32x512xf32, #tpu.memory_space<vmem>>, vector<13x32x512xf32>
    %slice3A = vector.extract_strided_slice %get3A_35 {offsets = [0, 0, 0], sizes = [1, 512, 64], strides = [1, 1, 1]} : vector<13x512x64xf32> to vector<1x512x64xf32>
    %squeeze3A = vector.shape_cast %slice3A : vector<1x512x64xf32> to vector<512x64xf32>
    %slice3A_48 = vector.extract_strided_slice %get3A_43 {offsets = [0, 0, 0], sizes = [1, 64, 512], strides = [1, 1, 1]} : vector<13x64x512xf32> to vector<1x64x512xf32>
    %squeeze3A_49 = vector.shape_cast %slice3A_48 : vector<1x64x512xf32> to vector<64x512xf32>
    %dot_general3A_50 = arith.constant dense<0.000000e+00> : vector<512x512xf32>
    %dot_general3A_51 = tpu.matmul %squeeze3A, %squeeze3A_49, %dot_general3A_50 {dimension_numbers = #tpu.dot_dimension_numbers<[1], [0], [0], [1], [0, 0, 1, 1], [], []>, transpose_lhs_hint = false} : vector<512x64xf32>, vector<64x512xf32>, vector<512x512xf32> -> vector<512x512xf32>
    %add3A_52 = arith.addf %add3A_31, %dot_general3A_51 : vector<512x512xf32>
    %slice3A_53 = vector.extract_strided_slice %get3A_35 {offsets = [1, 0, 0], sizes = [1, 512, 64], strides = [1, 1, 1]} : vector<13x512x64xf32> to vector<1x512x64xf32>
    %squeeze3A_54 = vector.shape_cast %slice3A_53 : vector<1x512x64xf32> to vector<512x64xf32>
    %slice3A_55 = vector.extract_strided_slice %get3A_43 {offsets = [1, 0, 0], sizes = [1, 64, 512], strides = [1, 1, 1]} : vector<13x64x512xf32> to vector<1x64x512xf32>
    %squeeze3A_56 = vector.shape_cast %slice3A_55 : vector<1x64x512xf32> to vector<64x512xf32>
    %dot_general3A_57 = arith.constant dense<0.000000e+00> : vector<512x512xf32>
    %dot_general3A_58 = tpu.matmul %squeeze3A_54, %squeeze3A_56, %dot_general3A_57 {dimension_numbers = #tpu.dot_dimension_numbers<[1], [0], [0], [1], [0, 0, 1, 1], [], []>, transpose_lhs_hint = false} : vector<512x64xf32>, vector<64x512xf32>, vector<512x512xf32> -> vector<512x512xf32>
    %add3A_59 = arith.addf %add3A_52, %dot_general3A_58 : vector<512x512xf32>
    %slice3A_60 = vector.extract_strided_slice %get3A_35 {offsets = [2, 0, 0], sizes = [1, 512, 64], strides = [1, 1, 1]} : vector<13x512x64xf32> to vector<1x512x64xf32>
    %squeeze3A_61 = vector.shape_cast %slice3A_60 : vector<1x512x64xf32> to vector<512x64xf32>
    %slice3A_62 = vector.extract_strided_slice %get3A_43 {offsets = [2, 0, 0], sizes = [1, 64, 512], strides = [1, 1, 1]} : vector<13x64x512xf32> to vector<1x64x512xf32>
    %squeeze3A_63 = vector.shape_cast %slice3A_62 : vector<1x64x512xf32> to vector<64x512xf32>
    %dot_general3A_64 = arith.constant dense<0.000000e+00> : vector<512x512xf32>
    %dot_general3A_65 = tpu.matmul %squeeze3A_61, %squeeze3A_63, %dot_general3A_64 {dimension_numbers = #tpu.dot_dimension_numbers<[1], [0], [0], [1], [0, 0, 1, 1], [], []>, transpose_lhs_hint = false} : vector<512x64xf32>, vector<64x512xf32>, vector<512x512xf32> -> vector<512x512xf32>
    %add3A_66 = arith.addf %add3A_59, %dot_general3A_65 : vector<512x512xf32>
    %slice3A_67 = vector.extract_strided_slice %get3A_35 {offsets = [3, 0, 0], sizes = [1, 512, 64], strides = [1, 1, 1]} : vector<13x512x64xf32> to vector<1x512x64xf32>
    %squeeze3A_68 = vector.shape_cast %slice3A_67 : vector<1x512x64xf32> to vector<512x64xf32>
    %slice3A_69 = vector.extract_strided_slice %get3A_43 {offsets = [3, 0, 0], sizes = [1, 64, 512], strides = [1, 1, 1]} : vector<13x64x512xf32> to vector<1x64x512xf32>
    %squeeze3A_70 = vector.shape_cast %slice3A_69 : vector<1x64x512xf32> to vector<64x512xf32>
    %dot_general3A_71 = arith.constant dense<0.000000e+00> : vector<512x512xf32>
    %dot_general3A_72 = tpu.matmul %squeeze3A_68, %squeeze3A_70, %dot_general3A_71 {dimension_numbers = #tpu.dot_dimension_numbers<[1], [0], [0], [1], [0, 0, 1, 1], [], []>, transpose_lhs_hint = false} : vector<512x64xf32>, vector<64x512xf32>, vector<512x512xf32> -> vector<512x512xf32>
    %add3A_73 = arith.addf %add3A_66, %dot_general3A_72 : vector<512x512xf32>
    %slice3A_74 = vector.extract_strided_slice %get3A_35 {offsets = [4, 0, 0], sizes = [1, 512, 64], strides = [1, 1, 1]} : vector<13x512x64xf32> to vector<1x512x64xf32>
    %squeeze3A_75 = vector.shape_cast %slice3A_74 : vector<1x512x64xf32> to vector<512x64xf32>
    %slice3A_76 = vector.extract_strided_slice %get3A_43 {offsets = [4, 0, 0], sizes = [1, 64, 512], strides = [1, 1, 1]} : vector<13x64x512xf32> to vector<1x64x512xf32>
    %squeeze3A_77 = vector.shape_cast %slice3A_76 : vector<1x64x512xf32> to vector<64x512xf32>
    %dot_general3A_78 = arith.constant dense<0.000000e+00> : vector<512x512xf32>
    %dot_general3A_79 = tpu.matmul %squeeze3A_75, %squeeze3A_77, %dot_general3A_78 {dimension_numbers = #tpu.dot_dimension_numbers<[1], [0], [0], [1], [0, 0, 1, 1], [], []>, transpose_lhs_hint = false} : vector<512x64xf32>, vector<64x512xf32>, vector<512x512xf32> -> vector<512x512xf32>
    %add3A_80 = arith.addf %add3A_73, %dot_general3A_79 : vector<512x512xf32>
    %slice3A_81 = vector.extract_strided_slice %get3A_35 {offsets = [5, 0, 0], sizes = [1, 512, 64], strides = [1, 1, 1]} : vector<13x512x64xf32> to vector<1x512x64xf32>
    %squeeze3A_82 = vector.shape_cast %slice3A_81 : vector<1x512x64xf32> to vector<512x64xf32>
    %slice3A_83 = vector.extract_strided_slice %get3A_43 {offsets = [5, 0, 0], sizes = [1, 64, 512], strides = [1, 1, 1]} : vector<13x64x512xf32> to vector<1x64x512xf32>
    %squeeze3A_84 = vector.shape_cast %slice3A_83 : vector<1x64x512xf32> to vector<64x512xf32>
    %dot_general3A_85 = arith.constant dense<0.000000e+00> : vector<512x512xf32>
    %dot_general3A_86 = tpu.matmul %squeeze3A_82, %squeeze3A_84, %dot_general3A_85 {dimension_numbers = #tpu.dot_dimension_numbers<[1], [0], [0], [1], [0, 0, 1, 1], [], []>, transpose_lhs_hint = false} : vector<512x64xf32>, vector<64x512xf32>, vector<512x512xf32> -> vector<512x512xf32>
    %add3A_87 = arith.addf %add3A_80, %dot_general3A_86 : vector<512x512xf32>
    %slice3A_88 = vector.extract_strided_slice %get3A_35 {offsets = [6, 0, 0], sizes = [1, 512, 64], strides = [1, 1, 1]} : vector<13x512x64xf32> to vector<1x512x64xf32>
    %squeeze3A_89 = vector.shape_cast %slice3A_88 : vector<1x512x64xf32> to vector<512x64xf32>
    %slice3A_90 = vector.extract_strided_slice %get3A_43 {offsets = [6, 0, 0], sizes = [1, 64, 512], strides = [1, 1, 1]} : vector<13x64x512xf32> to vector<1x64x512xf32>
    %squeeze3A_91 = vector.shape_cast %slice3A_90 : vector<1x64x512xf32> to vector<64x512xf32>
    %dot_general3A_92 = arith.constant dense<0.000000e+00> : vector<512x512xf32>
    %dot_general3A_93 = tpu.matmul %squeeze3A_89, %squeeze3A_91, %dot_general3A_92 {dimension_numbers = #tpu.dot_dimension_numbers<[1], [0], [0], [1], [0, 0, 1, 1], [], []>, transpose_lhs_hint = false} : vector<512x64xf32>, vector<64x512xf32>, vector<512x512xf32> -> vector<512x512xf32>
    %add3A_94 = arith.addf %add3A_87, %dot_general3A_93 : vector<512x512xf32>
    %slice3A_95 = vector.extract_strided_slice %get3A_35 {offsets = [7, 0, 0], sizes = [1, 512, 64], strides = [1, 1, 1]} : vector<13x512x64xf32> to vector<1x512x64xf32>
    %squeeze3A_96 = vector.shape_cast %slice3A_95 : vector<1x512x64xf32> to vector<512x64xf32>
    %slice3A_97 = vector.extract_strided_slice %get3A_43 {offsets = [7, 0, 0], sizes = [1, 64, 512], strides = [1, 1, 1]} : vector<13x64x512xf32> to vector<1x64x512xf32>
    %squeeze3A_98 = vector.shape_cast %slice3A_97 : vector<1x64x512xf32> to vector<64x512xf32>
    %dot_general3A_99 = arith.constant dense<0.000000e+00> : vector<512x512xf32>
    %dot_general3A_100 = tpu.matmul %squeeze3A_96, %squeeze3A_98, %dot_general3A_99 {dimension_numbers = #tpu.dot_dimension_numbers<[1], [0], [0], [1], [0, 0, 1, 1], [], []>, transpose_lhs_hint = false} : vector<512x64xf32>, vector<64x512xf32>, vector<512x512xf32> -> vector<512x512xf32>
    %add3A_101 = arith.addf %add3A_94, %dot_general3A_100 : vector<512x512xf32>
    %slice3A_102 = vector.extract_strided_slice %get3A_35 {offsets = [8, 0, 0], sizes = [1, 512, 64], strides = [1, 1, 1]} : vector<13x512x64xf32> to vector<1x512x64xf32>
    %squeeze3A_103 = vector.shape_cast %slice3A_102 : vector<1x512x64xf32> to vector<512x64xf32>
    %slice3A_104 = vector.extract_strided_slice %get3A_43 {offsets = [8, 0, 0], sizes = [1, 64, 512], strides = [1, 1, 1]} : vector<13x64x512xf32> to vector<1x64x512xf32>
    %squeeze3A_105 = vector.shape_cast %slice3A_104 : vector<1x64x512xf32> to vector<64x512xf32>
    %dot_general3A_106 = arith.constant dense<0.000000e+00> : vector<512x512xf32>
    %dot_general3A_107 = tpu.matmul %squeeze3A_103, %squeeze3A_105, %dot_general3A_106 {dimension_numbers = #tpu.dot_dimension_numbers<[1], [0], [0], [1], [0, 0, 1, 1], [], []>, transpose_lhs_hint = false} : vector<512x64xf32>, vector<64x512xf32>, vector<512x512xf32> -> vector<512x512xf32>
    %add3A_108 = arith.addf %add3A_101, %dot_general3A_107 : vector<512x512xf32>
    %slice3A_109 = vector.extract_strided_slice %get3A_35 {offsets = [9, 0, 0], sizes = [1, 512, 64], strides = [1, 1, 1]} : vector<13x512x64xf32> to vector<1x512x64xf32>
    %squeeze3A_110 = vector.shape_cast %slice3A_109 : vector<1x512x64xf32> to vector<512x64xf32>
    %slice3A_111 = vector.extract_strided_slice %get3A_43 {offsets = [9, 0, 0], sizes = [1, 64, 512], strides = [1, 1, 1]} : vector<13x64x512xf32> to vector<1x64x512xf32>
    %squeeze3A_112 = vector.shape_cast %slice3A_111 : vector<1x64x512xf32> to vector<64x512xf32>
    %dot_general3A_113 = arith.constant dense<0.000000e+00> : vector<512x512xf32>
    %dot_general3A_114 = tpu.matmul %squeeze3A_110, %squeeze3A_112, %dot_general3A_113 {dimension_numbers = #tpu.dot_dimension_numbers<[1], [0], [0], [1], [0, 0, 1, 1], [], []>, transpose_lhs_hint = false} : vector<512x64xf32>, vector<64x512xf32>, vector<512x512xf32> -> vector<512x512xf32>
    %add3A_115 = arith.addf %add3A_108, %dot_general3A_114 : vector<512x512xf32>
    %slice3A_116 = vector.extract_strided_slice %get3A_35 {offsets = [10, 0, 0], sizes = [1, 512, 64], strides = [1, 1, 1]} : vector<13x512x64xf32> to vector<1x512x64xf32>
    %squeeze3A_117 = vector.shape_cast %slice3A_116 : vector<1x512x64xf32> to vector<512x64xf32>
    %slice3A_118 = vector.extract_strided_slice %get3A_43 {offsets = [10, 0, 0], sizes = [1, 64, 512], strides = [1, 1, 1]} : vector<13x64x512xf32> to vector<1x64x512xf32>
    %squeeze3A_119 = vector.shape_cast %slice3A_118 : vector<1x64x512xf32> to vector<64x512xf32>
    %dot_general3A_120 = arith.constant dense<0.000000e+00> : vector<512x512xf32>
    %dot_general3A_121 = tpu.matmul %squeeze3A_117, %squeeze3A_119, %dot_general3A_120 {dimension_numbers = #tpu.dot_dimension_numbers<[1], [0], [0], [1], [0, 0, 1, 1], [], []>, transpose_lhs_hint = false} : vector<512x64xf32>, vector<64x512xf32>, vector<512x512xf32> -> vector<512x512xf32>
    %add3A_122 = arith.addf %add3A_115, %dot_general3A_121 : vector<512x512xf32>
    %slice3A_123 = vector.extract_strided_slice %get3A_35 {offsets = [11, 0, 0], sizes = [1, 512, 64], strides = [1, 1, 1]} : vector<13x512x64xf32> to vector<1x512x64xf32>
    %squeeze3A_124 = vector.shape_cast %slice3A_123 : vector<1x512x64xf32> to vector<512x64xf32>
    %slice3A_125 = vector.extract_strided_slice %get3A_43 {offsets = [11, 0, 0], sizes = [1, 64, 512], strides = [1, 1, 1]} : vector<13x64x512xf32> to vector<1x64x512xf32>
    %squeeze3A_126 = vector.shape_cast %slice3A_125 : vector<1x64x512xf32> to vector<64x512xf32>
    %dot_general3A_127 = arith.constant dense<0.000000e+00> : vector<512x512xf32>
    %dot_general3A_128 = tpu.matmul %squeeze3A_124, %squeeze3A_126, %dot_general3A_127 {dimension_numbers = #tpu.dot_dimension_numbers<[1], [0], [0], [1], [0, 0, 1, 1], [], []>, transpose_lhs_hint = false} : vector<512x64xf32>, vector<64x512xf32>, vector<512x512xf32> -> vector<512x512xf32>
    %add3A_129 = arith.addf %add3A_122, %dot_general3A_128 : vector<512x512xf32>
    %slice3A_130 = vector.extract_strided_slice %get3A_35 {offsets = [12, 0, 0], sizes = [1, 512, 64], strides = [1, 1, 1]} : vector<13x512x64xf32> to vector<1x512x64xf32>
    %squeeze3A_131 = vector.shape_cast %slice3A_130 : vector<1x512x64xf32> to vector<512x64xf32>
    %slice3A_132 = vector.extract_strided_slice %get3A_43 {offsets = [12, 0, 0], sizes = [1, 64, 512], strides = [1, 1, 1]} : vector<13x64x512xf32> to vector<1x64x512xf32>
    %squeeze3A_133 = vector.shape_cast %slice3A_132 : vector<1x64x512xf32> to vector<64x512xf32>
    %dot_general3A_134 = arith.constant dense<0.000000e+00> : vector<512x512xf32>
    %dot_general3A_135 = tpu.matmul %squeeze3A_131, %squeeze3A_133, %dot_general3A_134 {dimension_numbers = #tpu.dot_dimension_numbers<[1], [0], [0], [1], [0, 0, 1, 1], [], []>, transpose_lhs_hint = false} : vector<512x64xf32>, vector<64x512xf32>, vector<512x512xf32> -> vector<512x512xf32>
    %add3A_136 = arith.addf %add3A_129, %dot_general3A_135 : vector<512x512xf32>
    %slice3A_137 = vector.extract_strided_slice %get3A_39 {offsets = [0, 0, 0], sizes = [1, 512, 32], strides = [1, 1, 1]} : vector<13x512x32xf32> to vector<1x512x32xf32>
    %squeeze3A_138 = vector.shape_cast %slice3A_137 : vector<1x512x32xf32> to vector<512x32xf32>
    %slice3A_139 = vector.extract_strided_slice %get3A_47 {offsets = [0, 0, 0], sizes = [1, 32, 512], strides = [1, 1, 1]} : vector<13x32x512xf32> to vector<1x32x512xf32>
    %squeeze3A_140 = vector.shape_cast %slice3A_139 : vector<1x32x512xf32> to vector<32x512xf32>
    %dot_general3A_141 = arith.constant dense<0.000000e+00> : vector<512x512xf32>
    %dot_general3A_142 = tpu.matmul %squeeze3A_138, %squeeze3A_140, %dot_general3A_141 {dimension_numbers = #tpu.dot_dimension_numbers<[1], [0], [0], [1], [0, 0, 1, 1], [], []>, transpose_lhs_hint = false} : vector<512x32xf32>, vector<32x512xf32>, vector<512x512xf32> -> vector<512x512xf32>
    %add3A_143 = arith.addf %add3A_136, %dot_general3A_142 : vector<512x512xf32>
    %slice3A_144 = vector.extract_strided_slice %get3A_39 {offsets = [1, 0, 0], sizes = [1, 512, 32], strides = [1, 1, 1]} : vector<13x512x32xf32> to vector<1x512x32xf32>
    %squeeze3A_145 = vector.shape_cast %slice3A_144 : vector<1x512x32xf32> to vector<512x32xf32>
    %slice3A_146 = vector.extract_strided_slice %get3A_47 {offsets = [1, 0, 0], sizes = [1, 32, 512], strides = [1, 1, 1]} : vector<13x32x512xf32> to vector<1x32x512xf32>
    %squeeze3A_147 = vector.shape_cast %slice3A_146 : vector<1x32x512xf32> to vector<32x512xf32>
    %dot_general3A_148 = arith.constant dense<0.000000e+00> : vector<512x512xf32>
    %dot_general3A_149 = tpu.matmul %squeeze3A_145, %squeeze3A_147, %dot_general3A_148 {dimension_numbers = #tpu.dot_dimension_numbers<[1], [0], [0], [1], [0, 0, 1, 1], [], []>, transpose_lhs_hint = false} : vector<512x32xf32>, vector<32x512xf32>, vector<512x512xf32> -> vector<512x512xf32>
    %add3A_150 = arith.addf %add3A_143, %dot_general3A_149 : vector<512x512xf32>
    %slice3A_151 = vector.extract_strided_slice %get3A_39 {offsets = [2, 0, 0], sizes = [1, 512, 32], strides = [1, 1, 1]} : vector<13x512x32xf32> to vector<1x512x32xf32>
    %squeeze3A_152 = vector.shape_cast %slice3A_151 : vector<1x512x32xf32> to vector<512x32xf32>
    %slice3A_153 = vector.extract_strided_slice %get3A_47 {offsets = [2, 0, 0], sizes = [1, 32, 512], strides = [1, 1, 1]} : vector<13x32x512xf32> to vector<1x32x512xf32>
    %squeeze3A_154 = vector.shape_cast %slice3A_153 : vector<1x32x512xf32> to vector<32x512xf32>
    %dot_general3A_155 = arith.constant dense<0.000000e+00> : vector<512x512xf32>
    %dot_general3A_156 = tpu.matmul %squeeze3A_152, %squeeze3A_154, %dot_general3A_155 {dimension_numbers = #tpu.dot_dimension_numbers<[1], [0], [0], [1], [0, 0, 1, 1], [], []>, transpose_lhs_hint = false} : vector<512x32xf32>, vector<32x512xf32>, vector<512x512xf32> -> vector<512x512xf32>
    %add3A_157 = arith.addf %add3A_150, %dot_general3A_156 : vector<512x512xf32>
    %slice3A_158 = vector.extract_strided_slice %get3A_39 {offsets = [3, 0, 0], sizes = [1, 512, 32], strides = [1, 1, 1]} : vector<13x512x32xf32> to vector<1x512x32xf32>
    %squeeze3A_159 = vector.shape_cast %slice3A_158 : vector<1x512x32xf32> to vector<512x32xf32>
    %slice3A_160 = vector.extract_strided_slice %get3A_47 {offsets = [3, 0, 0], sizes = [1, 32, 512], strides = [1, 1, 1]} : vector<13x32x512xf32> to vector<1x32x512xf32>
    %squeeze3A_161 = vector.shape_cast %slice3A_160 : vector<1x32x512xf32> to vector<32x512xf32>
    %dot_general3A_162 = arith.constant dense<0.000000e+00> : vector<512x512xf32>
    %dot_general3A_163 = tpu.matmul %squeeze3A_159, %squeeze3A_161, %dot_general3A_162 {dimension_numbers = #tpu.dot_dimension_numbers<[1], [0], [0], [1], [0, 0, 1, 1], [], []>, transpose_lhs_hint = false} : vector<512x32xf32>, vector<32x512xf32>, vector<512x512xf32> -> vector<512x512xf32>
    %add3A_164 = arith.addf %add3A_157, %dot_general3A_163 : vector<512x512xf32>
    %slice3A_165 = vector.extract_strided_slice %get3A_39 {offsets = [4, 0, 0], sizes = [1, 512, 32], strides = [1, 1, 1]} : vector<13x512x32xf32> to vector<1x512x32xf32>
    %squeeze3A_166 = vector.shape_cast %slice3A_165 : vector<1x512x32xf32> to vector<512x32xf32>
    %slice3A_167 = vector.extract_strided_slice %get3A_47 {offsets = [4, 0, 0], sizes = [1, 32, 512], strides = [1, 1, 1]} : vector<13x32x512xf32> to vector<1x32x512xf32>
    %squeeze3A_168 = vector.shape_cast %slice3A_167 : vector<1x32x512xf32> to vector<32x512xf32>
    %dot_general3A_169 = arith.constant dense<0.000000e+00> : vector<512x512xf32>
    %dot_general3A_170 = tpu.matmul %squeeze3A_166, %squeeze3A_168, %dot_general3A_169 {dimension_numbers = #tpu.dot_dimension_numbers<[1], [0], [0], [1], [0, 0, 1, 1], [], []>, transpose_lhs_hint = false} : vector<512x32xf32>, vector<32x512xf32>, vector<512x512xf32> -> vector<512x512xf32>
    %add3A_171 = arith.addf %add3A_164, %dot_general3A_170 : vector<512x512xf32>
    %slice3A_172 = vector.extract_strided_slice %get3A_39 {offsets = [5, 0, 0], sizes = [1, 512, 32], strides = [1, 1, 1]} : vector<13x512x32xf32> to vector<1x512x32xf32>
    %squeeze3A_173 = vector.shape_cast %slice3A_172 : vector<1x512x32xf32> to vector<512x32xf32>
    %slice3A_174 = vector.extract_strided_slice %get3A_47 {offsets = [5, 0, 0], sizes = [1, 32, 512], strides = [1, 1, 1]} : vector<13x32x512xf32> to vector<1x32x512xf32>
    %squeeze3A_175 = vector.shape_cast %slice3A_174 : vector<1x32x512xf32> to vector<32x512xf32>
    %dot_general3A_176 = arith.constant dense<0.000000e+00> : vector<512x512xf32>
    %dot_general3A_177 = tpu.matmul %squeeze3A_173, %squeeze3A_175, %dot_general3A_176 {dimension_numbers = #tpu.dot_dimension_numbers<[1], [0], [0], [1], [0, 0, 1, 1], [], []>, transpose_lhs_hint = false} : vector<512x32xf32>, vector<32x512xf32>, vector<512x512xf32> -> vector<512x512xf32>
    %add3A_178 = arith.addf %add3A_171, %dot_general3A_177 : vector<512x512xf32>
    %slice3A_179 = vector.extract_strided_slice %get3A_39 {offsets = [6, 0, 0], sizes = [1, 512, 32], strides = [1, 1, 1]} : vector<13x512x32xf32> to vector<1x512x32xf32>
    %squeeze3A_180 = vector.shape_cast %slice3A_179 : vector<1x512x32xf32> to vector<512x32xf32>
    %slice3A_181 = vector.extract_strided_slice %get3A_47 {offsets = [6, 0, 0], sizes = [1, 32, 512], strides = [1, 1, 1]} : vector<13x32x512xf32> to vector<1x32x512xf32>
    %squeeze3A_182 = vector.shape_cast %slice3A_181 : vector<1x32x512xf32> to vector<32x512xf32>
    %dot_general3A_183 = arith.constant dense<0.000000e+00> : vector<512x512xf32>
    %dot_general3A_184 = tpu.matmul %squeeze3A_180, %squeeze3A_182, %dot_general3A_183 {dimension_numbers = #tpu.dot_dimension_numbers<[1], [0], [0], [1], [0, 0, 1, 1], [], []>, transpose_lhs_hint = false} : vector<512x32xf32>, vector<32x512xf32>, vector<512x512xf32> -> vector<512x512xf32>
    %add3A_185 = arith.addf %add3A_178, %dot_general3A_184 : vector<512x512xf32>
    %slice3A_186 = vector.extract_strided_slice %get3A_39 {offsets = [7, 0, 0], sizes = [1, 512, 32], strides = [1, 1, 1]} : vector<13x512x32xf32> to vector<1x512x32xf32>
    %squeeze3A_187 = vector.shape_cast %slice3A_186 : vector<1x512x32xf32> to vector<512x32xf32>
    %slice3A_188 = vector.extract_strided_slice %get3A_47 {offsets = [7, 0, 0], sizes = [1, 32, 512], strides = [1, 1, 1]} : vector<13x32x512xf32> to vector<1x32x512xf32>
    %squeeze3A_189 = vector.shape_cast %slice3A_188 : vector<1x32x512xf32> to vector<32x512xf32>
    %dot_general3A_190 = arith.constant dense<0.000000e+00> : vector<512x512xf32>
    %dot_general3A_191 = tpu.matmul %squeeze3A_187, %squeeze3A_189, %dot_general3A_190 {dimension_numbers = #tpu.dot_dimension_numbers<[1], [0], [0], [1], [0, 0, 1, 1], [], []>, transpose_lhs_hint = false} : vector<512x32xf32>, vector<32x512xf32>, vector<512x512xf32> -> vector<512x512xf32>
    %add3A_192 = arith.addf %add3A_185, %dot_general3A_191 : vector<512x512xf32>
    %slice3A_193 = vector.extract_strided_slice %get3A_39 {offsets = [8, 0, 0], sizes = [1, 512, 32], strides = [1, 1, 1]} : vector<13x512x32xf32> to vector<1x512x32xf32>
    %squeeze3A_194 = vector.shape_cast %slice3A_193 : vector<1x512x32xf32> to vector<512x32xf32>
    %slice3A_195 = vector.extract_strided_slice %get3A_47 {offsets = [8, 0, 0], sizes = [1, 32, 512], strides = [1, 1, 1]} : vector<13x32x512xf32> to vector<1x32x512xf32>
    %squeeze3A_196 = vector.shape_cast %slice3A_195 : vector<1x32x512xf32> to vector<32x512xf32>
    %dot_general3A_197 = arith.constant dense<0.000000e+00> : vector<512x512xf32>
    %dot_general3A_198 = tpu.matmul %squeeze3A_194, %squeeze3A_196, %dot_general3A_197 {dimension_numbers = #tpu.dot_dimension_numbers<[1], [0], [0], [1], [0, 0, 1, 1], [], []>, transpose_lhs_hint = false} : vector<512x32xf32>, vector<32x512xf32>, vector<512x512xf32> -> vector<512x512xf32>
    %add3A_199 = arith.addf %add3A_192, %dot_general3A_198 : vector<512x512xf32>
    %slice3A_200 = vector.extract_strided_slice %get3A_39 {offsets = [9, 0, 0], sizes = [1, 512, 32], strides = [1, 1, 1]} : vector<13x512x32xf32> to vector<1x512x32xf32>
    %squeeze3A_201 = vector.shape_cast %slice3A_200 : vector<1x512x32xf32> to vector<512x32xf32>
    %slice3A_202 = vector.extract_strided_slice %get3A_47 {offsets = [9, 0, 0], sizes = [1, 32, 512], strides = [1, 1, 1]} : vector<13x32x512xf32> to vector<1x32x512xf32>
    %squeeze3A_203 = vector.shape_cast %slice3A_202 : vector<1x32x512xf32> to vector<32x512xf32>
    %dot_general3A_204 = arith.constant dense<0.000000e+00> : vector<512x512xf32>
    %dot_general3A_205 = tpu.matmul %squeeze3A_201, %squeeze3A_203, %dot_general3A_204 {dimension_numbers = #tpu.dot_dimension_numbers<[1], [0], [0], [1], [0, 0, 1, 1], [], []>, transpose_lhs_hint = false} : vector<512x32xf32>, vector<32x512xf32>, vector<512x512xf32> -> vector<512x512xf32>
    %add3A_206 = arith.addf %add3A_199, %dot_general3A_205 : vector<512x512xf32>
    %slice3A_207 = vector.extract_strided_slice %get3A_39 {offsets = [10, 0, 0], sizes = [1, 512, 32], strides = [1, 1, 1]} : vector<13x512x32xf32> to vector<1x512x32xf32>
    %squeeze3A_208 = vector.shape_cast %slice3A_207 : vector<1x512x32xf32> to vector<512x32xf32>
    %slice3A_209 = vector.extract_strided_slice %get3A_47 {offsets = [10, 0, 0], sizes = [1, 32, 512], strides = [1, 1, 1]} : vector<13x32x512xf32> to vector<1x32x512xf32>
    %squeeze3A_210 = vector.shape_cast %slice3A_209 : vector<1x32x512xf32> to vector<32x512xf32>
    %dot_general3A_211 = arith.constant dense<0.000000e+00> : vector<512x512xf32>
    %dot_general3A_212 = tpu.matmul %squeeze3A_208, %squeeze3A_210, %dot_general3A_211 {dimension_numbers = #tpu.dot_dimension_numbers<[1], [0], [0], [1], [0, 0, 1, 1], [], []>, transpose_lhs_hint = false} : vector<512x32xf32>, vector<32x512xf32>, vector<512x512xf32> -> vector<512x512xf32>
    %add3A_213 = arith.addf %add3A_206, %dot_general3A_212 : vector<512x512xf32>
    %slice3A_214 = vector.extract_strided_slice %get3A_39 {offsets = [11, 0, 0], sizes = [1, 512, 32], strides = [1, 1, 1]} : vector<13x512x32xf32> to vector<1x512x32xf32>
    %squeeze3A_215 = vector.shape_cast %slice3A_214 : vector<1x512x32xf32> to vector<512x32xf32>
    %slice3A_216 = vector.extract_strided_slice %get3A_47 {offsets = [11, 0, 0], sizes = [1, 32, 512], strides = [1, 1, 1]} : vector<13x32x512xf32> to vector<1x32x512xf32>
    %squeeze3A_217 = vector.shape_cast %slice3A_216 : vector<1x32x512xf32> to vector<32x512xf32>
    %dot_general3A_218 = arith.constant dense<0.000000e+00> : vector<512x512xf32>
    %dot_general3A_219 = tpu.matmul %squeeze3A_215, %squeeze3A_217, %dot_general3A_218 {dimension_numbers = #tpu.dot_dimension_numbers<[1], [0], [0], [1], [0, 0, 1, 1], [], []>, transpose_lhs_hint = false} : vector<512x32xf32>, vector<32x512xf32>, vector<512x512xf32> -> vector<512x512xf32>
    %add3A_220 = arith.addf %add3A_213, %dot_general3A_219 : vector<512x512xf32>
    %slice3A_221 = vector.extract_strided_slice %get3A_39 {offsets = [12, 0, 0], sizes = [1, 512, 32], strides = [1, 1, 1]} : vector<13x512x32xf32> to vector<1x512x32xf32>
    %squeeze3A_222 = vector.shape_cast %slice3A_221 : vector<1x512x32xf32> to vector<512x32xf32>
    %slice3A_223 = vector.extract_strided_slice %get3A_47 {offsets = [12, 0, 0], sizes = [1, 32, 512], strides = [1, 1, 1]} : vector<13x32x512xf32> to vector<1x32x512xf32>
    %squeeze3A_224 = vector.shape_cast %slice3A_223 : vector<1x32x512xf32> to vector<32x512xf32>
    %dot_general3A_225 = arith.constant dense<0.000000e+00> : vector<512x512xf32>
    %dot_general3A_226 = tpu.matmul %squeeze3A_222, %squeeze3A_224, %dot_general3A_225 {dimension_numbers = #tpu.dot_dimension_numbers<[1], [0], [0], [1], [0, 0, 1, 1], [], []>, transpose_lhs_hint = false} : vector<512x32xf32>, vector<32x512xf32>, vector<512x512xf32> -> vector<512x512xf32>
    %add3A_227 = arith.addf %add3A_220, %dot_general3A_226 : vector<512x512xf32>
    %max3A_228 = arith.constant 0.000000e+00 : f32
    %max3A_229 = vector.broadcast %max3A_228 : f32 to vector<512x512xf32>
    %max3A_230 = arith.maximumf %add3A_227, %max3A_229 : vector<512x512xf32>
    %get3A_231 = arith.constant 0 : index
    %get3A_232 = arith.constant 0 : index
    %get3A_233 = vector.load %arg12[%get3A_231, %get3A_232] : memref<512x512xf32, #tpu.memory_space<vmem>>, vector<512x512xf32>
    %dot_general3A_234 = arith.constant dense<0.000000e+00> : vector<512x512xf32>
    %dot_general3A_235 = tpu.matmul %max3A_230, %get3A_233, %dot_general3A_234 {dimension_numbers = #tpu.dot_dimension_numbers<[1], [0], [0], [1], [0, 0, 1, 1], [], []>, transpose_lhs_hint = false} : vector<512x512xf32>, vector<512x512xf32>, vector<512x512xf32> -> vector<512x512xf32>
    %get3A_236 = arith.constant 0 : index
    %get3A_237 = arith.constant 0 : index
    %get3A_238 = vector.load %arg13[%get3A_236, %get3A_237] : memref<1x512xf32, #tpu.memory_space<vmem>>, vector<1x512xf32>
    %add3A_239 = vector.broadcast %get3A_238 : vector<1x512xf32> to vector<512x512xf32>
    %add3A_240 = arith.addf %dot_general3A_235, %add3A_239 : vector<512x512xf32>
    %max3A_241 = arith.constant 0.000000e+00 : f32
    %max3A_242 = vector.broadcast %max3A_241 : f32 to vector<512x512xf32>
    %max3A_243 = arith.maximumf %add3A_240, %max3A_242 : vector<512x512xf32>
    %get3A_244 = arith.constant 0 : index
    %get3A_245 = arith.constant 0 : index
    %get3A_246 = vector.load %arg14[%get3A_244, %get3A_245] : memref<512x512xf32, #tpu.memory_space<vmem>>, vector<512x512xf32>
    %dot_general3A_247 = arith.constant dense<0.000000e+00> : vector<512x512xf32>
    %dot_general3A_248 = tpu.matmul %max3A_243, %get3A_246, %dot_general3A_247 {dimension_numbers = #tpu.dot_dimension_numbers<[1], [0], [0], [1], [0, 0, 1, 1], [], []>, transpose_lhs_hint = false} : vector<512x512xf32>, vector<512x512xf32>, vector<512x512xf32> -> vector<512x512xf32>
    %get3A_249 = arith.constant 0 : index
    %get3A_250 = arith.constant 0 : index
    %get3A_251 = vector.load %arg15[%get3A_249, %get3A_250] : memref<1x512xf32, #tpu.memory_space<vmem>>, vector<1x512xf32>
    %add3A_252 = vector.broadcast %get3A_251 : vector<1x512xf32> to vector<512x512xf32>
    %add3A_253 = arith.addf %dot_general3A_248, %add3A_252 : vector<512x512xf32>
    %max3A_254 = arith.constant 0.000000e+00 : f32
    %max3A_255 = vector.broadcast %max3A_254 : f32 to vector<512x512xf32>
    %max3A_256 = arith.maximumf %add3A_253, %max3A_255 : vector<512x512xf32>
    %get3A_257 = arith.constant 0 : index
    %get3A_258 = arith.constant 0 : index
    %get3A_259 = vector.load %arg16[%get3A_257, %get3A_258] : memref<512x512xf32, #tpu.memory_space<vmem>>, vector<512x512xf32>
    %dot_general3A_260 = arith.constant dense<0.000000e+00> : vector<512x512xf32>
    %dot_general3A_261 = tpu.matmul %max3A_256, %get3A_259, %dot_general3A_260 {dimension_numbers = #tpu.dot_dimension_numbers<[1], [0], [0], [1], [0, 0, 1, 1], [], []>, transpose_lhs_hint = false} : vector<512x512xf32>, vector<512x512xf32>, vector<512x512xf32> -> vector<512x512xf32>
    %get3A_262 = arith.constant 0 : index
    %get3A_263 = arith.constant 0 : index
    %get3A_264 = vector.load %arg17[%get3A_262, %get3A_263] : memref<1x512xf32, #tpu.memory_space<vmem>>, vector<1x512xf32>
    %add3A_265 = vector.broadcast %get3A_264 : vector<1x512xf32> to vector<512x512xf32>
    %add3A_266 = arith.addf %dot_general3A_261, %add3A_265 : vector<512x512xf32>
    %max3A_267 = arith.constant 0.000000e+00 : f32
    %max3A_268 = vector.broadcast %max3A_267 : f32 to vector<512x512xf32>
    %max3A_269 = arith.maximumf %add3A_266, %max3A_268 : vector<512x512xf32>
    %get3A_270 = arith.constant 0 : index
    %get3A_271 = arith.constant 0 : index
    %get3A_272 = vector.load %arg18[%get3A_270, %get3A_271] : memref<512x1xf32, #tpu.memory_space<vmem>>, vector<512x1xf32>
    %dot_general3A_273 = arith.constant dense<0.000000e+00> : vector<512x1xf32>
    %dot_general3A_274 = tpu.matmul %max3A_269, %get3A_272, %dot_general3A_273 {dimension_numbers = #tpu.dot_dimension_numbers<[1], [0], [0], [1], [0, 0, 1, 1], [], []>, transpose_lhs_hint = false} : vector<512x512xf32>, vector<512x1xf32>, vector<512x1xf32> -> vector<512x1xf32>
    %get3A_275 = arith.constant 0 : index
    %get3A_276 = arith.constant 0 : index
    %get3A_277 = vector.load %arg19[%get3A_275, %get3A_276] : memref<1x1xf32, #tpu.memory_space<vmem>>, vector<1x1xf32>
    %add3A_278 = vector.broadcast %get3A_277 : vector<1x1xf32> to vector<512x1xf32>
    %add3A_279 = arith.addf %dot_general3A_274, %add3A_278 : vector<512x1xf32>
    %swap3A = arith.constant 0 : index
    %swap3A_280 = arith.constant 0 : index
    %swap3A_281 = vector.load %arg20[%swap3A, %swap3A_280] : memref<512x1xf32, #tpu.memory_space<vmem>>, vector<512x1xf32>
    tpu.vector_store %arg20[%swap3A, %swap3A_280], %add3A_279 {strides = array<i32>} : memref<512x1xf32, #tpu.memory_space<vmem>>, vector<512x1xf32>,
    return
  }
  func.func @transform_0(%arg0: i32) -> (i32, i32) {
    %c0_i32 = arith.constant 0 : i32
    %c0_i32_0 = arith.constant 0 : i32
    return %arg0, %c0_i32 : i32, i32
  }
  func.func @transform_1(%arg0: i32) -> (i32, i32, i32) {
    %c0_i32 = arith.constant 0 : i32
    %c0_i32_0 = arith.constant 0 : i32
    %c0_i32_1 = arith.constant 0 : i32
    return %c0_i32, %arg0, %c0_i32_0 : i32, i32, i32
  }
  func.func @transform_2(%arg0: i32) -> (i32, i32, i32) {
    %c0_i32 = arith.constant 0 : i32
    %c0_i32_0 = arith.constant 0 : i32
    %c0_i32_1 = arith.constant 0 : i32
    return %c0_i32, %arg0, %c0_i32_0 : i32, i32, i32
  }
  func.func @transform_3(%arg0: i32) -> (i32, i32) {
    %c0_i32 = arith.constant 0 : i32
    %c0_i32_0 = arith.constant 0 : i32
    %c0_i32_1 = arith.constant 0 : i32
    return %c0_i32, %c0_i32_0 : i32, i32
  }
  func.func @transform_4(%arg0: i32) -> (i32, i32) {
    %c0_i32 = arith.constant 0 : i32
    %c0_i32_0 = arith.constant 0 : i32
    %c0_i32_1 = arith.constant 0 : i32
    return %c0_i32, %c0_i32_0 : i32, i32
  }
  func.func @transform_5(%arg0: i32) -> (i32, i32) {
    %c0_i32 = arith.constant 0 : i32
    %c0_i32_0 = arith.constant 0 : i32
    %c0_i32_1 = arith.constant 0 : i32
    return %c0_i32, %c0_i32_0 : i32, i32
  }
  func.func @transform_6(%arg0: i32) -> (i32, i32) {
    %c0_i32 = arith.constant 0 : i32
    %c0_i32_0 = arith.constant 0 : i32
    %c0_i32_1 = arith.constant 0 : i32
    return %c0_i32, %c0_i32_0 : i32, i32
  }
  func.func @transform_7(%arg0: i32) -> (i32, i32, i32) {
    %c0_i32 = arith.constant 0 : i32
    %c0_i32_0 = arith.constant 0 : i32
    %c0_i32_1 = arith.constant 0 : i32
    %c0_i32_2 = arith.constant 0 : i32
    return %c0_i32, %c0_i32_0, %c0_i32_1 : i32, i32, i32
  }
  func.func @transform_8(%arg0: i32) -> (i32, i32, i32) {
    %c0_i32 = arith.constant 0 : i32
    %c0_i32_0 = arith.constant 0 : i32
    %c0_i32_1 = arith.constant 0 : i32
    %c0_i32_2 = arith.constant 0 : i32
    return %c0_i32, %c0_i32_0, %c0_i32_1 : i32, i32, i32
  }
  func.func @transform_9(%arg0: i32) -> (i32, i32) {
    %c0_i32 = arith.constant 0 : i32
    %c0_i32_0 = arith.constant 0 : i32
    %c0_i32_1 = arith.constant 0 : i32
    return %c0_i32, %c0_i32_0 : i32, i32
  }
  func.func @transform_10(%arg0: i32) -> (i32, i32) {
    %c0_i32 = arith.constant 0 : i32
    %c0_i32_0 = arith.constant 0 : i32
    %c0_i32_1 = arith.constant 0 : i32
    return %c0_i32, %c0_i32_0 : i32, i32
  }
  func.func @transform_11(%arg0: i32) -> (i32, i32) {
    %c0_i32 = arith.constant 0 : i32
    %c0_i32_0 = arith.constant 0 : i32
    %c0_i32_1 = arith.constant 0 : i32
    return %c0_i32, %c0_i32_0 : i32, i32
  }
  func.func @transform_12(%arg0: i32) -> (i32, i32) {
    %c0_i32 = arith.constant 0 : i32
    %c0_i32_0 = arith.constant 0 : i32
    %c0_i32_1 = arith.constant 0 : i32
    return %c0_i32, %c0_i32_0 : i32, i32
  }
  func.func @transform_13(%arg0: i32) -> (i32, i32) {
    %c0_i32 = arith.constant 0 : i32
    %c0_i32_0 = arith.constant 0 : i32
    %c0_i32_1 = arith.constant 0 : i32
    return %c0_i32, %c0_i32_0 : i32, i32
  }
  func.func @transform_14(%arg0: i32) -> (i32, i32) {
    %c0_i32 = arith.constant 0 : i32
    %c0_i32_0 = arith.constant 0 : i32
    %c0_i32_1 = arith.constant 0 : i32
    return %c0_i32, %c0_i32_0 : i32, i32
  }
  func.func @transform_15(%arg0: i32) -> (i32, i32) {
    %c0_i32 = arith.constant 0 : i32
    %c0_i32_0 = arith.constant 0 : i32
    %c0_i32_1 = arith.constant 0 : i32
    return %c0_i32, %c0_i32_0 : i32, i32
  }
  func.func @transform_16(%arg0: i32) -> (i32, i32) {
    %c0_i32 = arith.constant 0 : i32
    %c0_i32_0 = arith.constant 0 : i32
    %c0_i32_1 = arith.constant 0 : i32
    return %c0_i32, %c0_i32_0 : i32, i32
  }
  func.func @transform_17(%arg0: i32) -> (i32, i32) {
    %c0_i32 = arith.constant 0 : i32
    %c0_i32_0 = arith.constant 0 : i32
    %c0_i32_1 = arith.constant 0 : i32
    return %c0_i32, %c0_i32_0 : i32, i32
  }
  func.func @transform_18(%arg0: i32) -> (i32, i32) {
    %c0_i32 = arith.constant 0 : i32
    %c0_i32_0 = arith.constant 0 : i32
    %c0_i32_1 = arith.constant 0 : i32
    return %c0_i32, %c0_i32_0 : i32, i32
  }
  func.func @transform_19(%arg0: i32) -> (i32, i32) {
    %c0_i32 = arith.constant 0 : i32
    %c0_i32_0 = arith.constant 0 : i32
    return %arg0, %c0_i32 : i32, i32
  }
}

</mosaic_0001>

<sc_bundles>
// kernel: kernel.4.cloned.1.call-start
scs
__scs_entry_jumppad:
0x0: {  	(pc) =	sbr.rel $0x88, $3  }
0x1: {  	(tag) =	ssettag $0x0;
	lr =	simm.s32 $0x1  }
0x2: {  	[smem:$0x3F8E] =	sst lr;
	_ =	strace $0xD0000000  }
0x3: {  	_ = 	snop  }
0x4: {  	_ = 	snop  }
0x5: {  	_ = 	snop  }
0x6: {  	_ = 	snop  }
0x7: {  	_ = 	snop  }
__scs_overlays_trampoline_lowered:
0x8: {  	[smem:$0x3F9D] =	sst s0  }
0x9: {  	[smem:$0x3F9E] =	sst s1  }
0xa: {  	[smem:$0x3F9F] =	sst s2  }
0xb: {  	[smem:$0x3FA0] =	sst s3  }
0xc: {  	[smem:$0x3FA1] =	sst s4  }
0xd: {  	[smem:$0x3FA2] =	sst s5  }
0xe: {  	[smem:$0x3FA3] =	sst s6  }
0xf: {  	[smem:$0x3FA4] =	sst s7  }
0x10: {  	[smem:$0x3FA5] =	sst s8  }
0x11: {  	[smem:$0x3FA6] =	sst s9;
	s0 =	simm.s32 @!p0 $0x0  }
0x12: {  	s1 =	sld [smem:$0x3F8C];
	s0 =	simm.s32 @p0 $0x1  }
0x13: {  	[smem:$0x3FA7] =	sst s0;
	s0 =	simm.s32 @!p1 $0x0  }
0x14: {  	s2 =	sld [smem:$0x3F8B];
	s0 =	simm.s32 @p1 $0x1  }
0x15: {  	[smem:$0x3FA8] =	sst s0;
	s0 =	simm.s32 @!p2 $0x0  }
0x16: {  	s3 =	sld [smem:$0x3FDB];
	s0 =	simm.s32 @p2 $0x1  }
0x17: {  	s4 =	simm.s32 $0x1BF5;
	[smem:$0x3FAA] =	sst s0  }
0x18: {  	s0 =	sld [smem:$0x3F8D];
	_ =	swait.ge [sflag:s4], $0x0  }
0x19: {  	s7 =	sld [smem:$0x3F8E]  }
0x1a: {  	s8 =	sadd.s32 $0xFFFFE003, lr  }
0x1b: {  	s9 =	sadd.s32 $0xFFFFFEF7, lr;
	s5 =	simm.s32 $0xFFFFFFFF;
	p2 =	slt.u32 s8, $0xFFFFF086  }
0x1c: {  	p1 =	slt.u32 s9, $0xF7A;
	s5 =	simm.s32 @!p2 $0x0  }
0x1d: {  	s5 =	simm.s32 @p1 $0x1;
	p0 =	seq.s32 s7, s2  }
0x1e: {  	s7 =	smul.u32 @!p0 $0xF7A, s2;
	p2 =	seq.s32 @!p0 s5, $0x0  }
0x1f: {  	s9 =	smul.u32 $0xF7A, s1;
	s8 =	simm.s32 @!p0 $0x1BF5;
	p2 =	por !p2, p0  }
0x20: {  	[sflag:s8] =	ssyncset.s32 @!p0 $0xFFFFF086;
	s6 =	sadd.s32 @!p0 s3, s7;
	s7 =	simm.s32 @!p0 $0x108  }
0x21: {  	s3 =	sadd.s32 s3, s9;
	s6 =	sadd.s32 @!p0 $0x88, s6;
	s7 =	simm.s32 @p2 $0x1082  }
0x22: {  	[simem:s7], [sflag:s8] =	dma.local @!p0 [hbm:s6], $0xF7A  }
0x23: {  	s9 =	sor.u32 $0xD0000000, s2;
	s6 =	simm.s32 $0x108;
	_ =	swait.ge @!p0 [sflag:s8], $0x0  }
0x24: {  	s3 =	sadd.s32 $0x88, s3;
	s6 =	simm.s32 @!p1 $0x1082;
	[sflag:s4] =	ssyncset.s32 $0xFFFFF086  }
0x25: {  	[simem:s6], [sflag:s4] =	dma.local [hbm:s3], $0xF7A  }
0x26: {  	[smem:$0x3F8E] =	sst s1;
	(tag) =	ssettag s2;
	_ =	strace s9  }
0x27: {  	s1 =	sld [smem:$0x3F9E]  }
0x28: {  	s2 =	sld [smem:$0x3F9F]  }
0x29: {  	s4 =	sld [smem:$0x3FA1]  }
0x2a: {  	p0 =	seq.s32 s5, $0x0;
	s5 =	sld [smem:$0x3FA2]  }
0x2b: {  	s6 =	sld [smem:$0x3FA3]  }
0x2c: {  	s7 =	sld [smem:$0x3FA4]  }
0x2d: {  	s3 =	simm.s32 $0x108;
	s8 =	sld [smem:$0x3FA5]  }
0x2e: {  	s3 =	simm.s32 @!p0 $0x1082;
	s9 =	sld [smem:$0x3FA6]  }
0x2f: {  	lr =	sadd.s32 s0, s3;
	s0 =	sld [smem:$0x3F9D]  }
0x30: {  	s3 =	sld [smem:$0x3FA0]  }
0x31: {  	[smem:$0x3FA9] =	sst s10  }
0x32: {  	s10 =	sld [smem:$0x3FA7];
	_ =	sdelay $0x3  }
0x33: {  	p0 =	seq.s32 s10, $0x1;
	s10 =	sld [smem:$0x3FA9];
	_ =	sdelay $0x3  }
0x34: {  	[smem:$0x3FA9] =	sst s10  }
0x35: {  	s10 =	sld [smem:$0x3FA8];
	_ =	sdelay $0x3  }
0x36: {  	p1 =	seq.s32 s10, $0x1;
	s10 =	sld [smem:$0x3FA9];
	_ =	sdelay $0x3  }
0x37: {  	[smem:$0x3FA9] =	sst s10  }
0x38: {  	s10 =	sld [smem:$0x3FAA]  }
0x39: {  	_ = 	snop;
	(pc) =	sbr.ind lr, $3  }
0x3a: {  	_ = 	snop  }
0x3b: {  	_ = 	snop  }
0x3c: {  	p2 =	seq.s32 s10, $0x1;
	s10 =	sld [smem:$0x3FA9]  }
0x3d: {  	_ =	shalt  }
0x3e: {  	_ =	shalt  }
0x3f: {  	_ =	shalt  }
0x40: {  	_ =	shalt  }
0x41: {  	_ =	shalt  }
0x42: {  	_ =	shalt  }
0x43: {  	_ =	shalt  }
0x44: {  	_ =	shalt  }
0x45: {  	_ =	shalt  }
0x46: {  	_ =	shalt  }
0x47: {  	_ =	shalt  }
0x48: {  	_ =	shalt  }
0x49: {  	_ =	shalt  }
0x4a: {  	_ =	shalt  }
0x4b: {  	_ =	shalt  }
0x4c: {  	_ =	shalt  }
0x4d: {  	_ =	shalt  }
0x4e: {  	_ =	shalt  }
0x4f: {  	_ =	shalt  }
0x50: {  	_ =	shalt  }
0x51: {  	_ =	shalt  }
0x52: {  	_ =	shalt  }
0x53: {  	_ =	shalt  }
0x54: {  	_ =	shalt  }
0x55: {  	_ =	shalt  }
0x56: {  	_ =	shalt  }
0x57: {  	_ =	shalt  }
0x58: {  	_ =	shalt  }
0x59: {  	_ =	shalt  }
0x5a: {  	_ =	shalt  }
0x5b: {  	_ =	shalt  }
0x5c: {  	_ =	shalt  }
0x5d: {  	_ =	shalt  }
0x5e: {  	_ =	shalt  }
0x5f: {  	_ =	shalt  }
0x60: {  	_ =	shalt  }
0x61: {  	_ =	shalt  }
0x62: {  	_ =	shalt  }
0x63: {  	_ =	shalt  }
0x64: {  	_ =	shalt  }
0x65: {  	_ =	shalt  }
0x66: {  	_ =	shalt  }
0x67: {  	_ =	shalt  }
0x68: {  	_ =	shalt  }
0x69: {  	_ =	shalt  }
0x6a: {  	_ =	shalt  }
0x6b: {  	_ =	shalt  }
0x6c: {  	_ =	shalt  }
0x6d: {  	_ =	shalt  }
0x6e: {  	_ =	shalt  }
0x6f: {  	_ =	shalt  }
0x70: {  	_ =	shalt  }
0x71: {  	_ =	shalt  }
0x72: {  	_ =	shalt  }
0x73: {  	_ =	shalt  }
0x74: {  	_ =	shalt  }
0x75: {  	_ =	shalt  }
0x76: {  	_ =	shalt  }
0x77: {  	_ =	shalt  }
0x78: {  	_ =	shalt  }
0x79: {  	_ =	shalt  }
0x7a: {  	_ =	shalt  }
0x7b: {  	_ =	shalt  }
0x7c: {  	_ =	shalt  }
0x7d: {  	_ =	shalt  }
0x7e: {  	_ =	shalt  }
0x7f: {  	_ =	shalt  }
0x80: {  	_ =	shalt  }
0x81: {  	_ =	shalt  }
0x82: {  	_ =	shalt  }
0x83: {  	_ =	shalt  }
0x84: {  	_ =	shalt  }
0x85: {  	_ =	shalt  }
0x86: {  	_ =	shalt  }
0x87: {  	_ =	shalt  }
.Lfunc_end0:
.L_simem_size_0:
called_computation_lowered:
.L_overlay_start_0:
0x88: {  	s2 =	sld [smem:$0x3FD9]  }
0x89: {  	s3 =	sld [smem:$0x3FFE];
	_ =	sdelay $0x1  }
0x8a: {  	s1 =	srdreg.scid  }
0x8b: {  	s0 =	sand.u32 $0x1, s1  }
0x8c: {  	s16 =	sshll.u32 s0, $0xA;
	s2 =	sadd.s32 s3, s2  }
0x8d: {  	s2 =	sadd.s32 s2, s16  }
0x8e: {  	[smem:$0x3FB5] =	sst s2  }
0x8f: {  	_ = 	snop  }
0x90: {  	(tm) =	ssettm $0x1  }
0x91: {  	s17 =	sld [smem:$0x3FFB];
	_ =	sdelay $0x3  }
0x92: {  	_ =	strace s17  }
0x93: {  	s2 =	sld [smem:$0x3FFC];
	_ =	sdelay $0x3  }
0x94: {  	_ =	strace s2  }
0x95: {  	s2 =	sld [smem:$0x3FFD];
	_ =	sdelay $0x3  }
0x96: {  	_ =	strace s2  }
0x97: {  	_ =	strace $0x8FFFFFFF  }
0x98: {  	s18 =	sld [smem:$0x3FDB];
	_ =	sdelay $0x1  }
0x99: {  	s19 =	simm.s32 $_scs_section_size  }
0x9a: {  	s4 =	simm.s32 $_size__tile_overlayer_lowered;
	s5 =	simm.s32 $_tile_overlayer_lowered  }
0x9b: {  	s22 =	simm.s32 $0x1BFF;
	s21 =	sshll.u32 s5, $0x1;
	s2 =	sadd.s32 s19, s18  }
0x9c: {  	s6 =	simm.s32 $0x0;
	s20 =	sshll.u32 s4, $0x1;
	s4 =	sadd.s32 s21, s2  }
0x9d: {  	[timem:s6], [sflag:s22] =	dma.local [hbm:s4], s20  }
0x9e: {  	_ =	swait.ge [sflag:s22], s20  }
0x9f: {  	s3 =	ssub.s32 $0x0, s20;
	[sflag:s22] =	ssyncset.done $0x0  }
0xa0: {  	[sflag:s22] =	ssyncadd.s32 s3;
	_ =	sdelay $0x1  }
0xa1: {  	s23 =	simm.s32 $0x1B8B  }
0xa2: {  	_ =	swait.ge [sflag:s23], $0x1  }
0xa3: {  	[sflag:s23] =	ssyncset.done $0x0  }
0xa4: {  	s25 =	simm.s32 $0x1B8E;
	s24 =	sld [smem:$0x3FFE];
	[sflag:s23] =	ssyncadd.s32 $0xFFFFFFFF  }
0xa5: {  	s26 =	simm.s32 $execute0_lowered;
	[smem:$0x3FD2] =	sst s25  }
0xa6: {  	s4 =	sshll.u32 s26, $0x1;
	_ =	strace $0x80000046;
	[dreg:$0x1] =	wrdreg $0xFFFFFFFF  }
0xa7: {  	s28 =	simm.s32 $_size_execute0_lowered;
	s2 =	sadd.s32 s2, s4;
	[dreg:$0x0] =	wrdreg $0x0  }
0xa8: {  	s4 =	sshll.u32 s28, $0x1;
	[dreg:$0x2] =	wrdreg s2  }
0xa9: {  	[dreg:$0x3] =	wrdreg s4  }
0xaa: {  	[dreg:$0x4] =	wrdreg $0xC0  }
0xab: {  	_ =	task [dreg:s6], $0x5FFFF  }
0xac: {  	[dreg:$0x1] =	wrdreg $0xFFFFFFFF  }
0xad: {  	[dreg:$0x0] =	wrdreg $0x60  }
0xae: {  	[dreg:$0x2] =	wrdreg s24  }
0xaf: {  	[dreg:$0x3] =	wrdreg $0x9  }
0xb0: {  	_ =	task.clear_ibuf [dreg:s6], $0x4FFFF;
	_ =	strace $0x90000046  }
0xb1: {  	s29 =	simm.s32 $0x9;
	_ =	strace $0x80000048  }
0xb2: {  	_ =	swait.ge [sflag:s29], $0x1  }
0xb3: {  	[sflag:s29] =	ssyncadd.s32 $0xFFFFFFFF  }
0xb4: {  	_ =	strace $0x90000048  }
0xb5: {  	_ =	sfence  }
0xb6: {  	s30 =	sld [smem:$0x0];
	_ =	sdelay $0x2  }
0xb7: {  	s31 =	sshll.u32 s1, $0xD;
	s1 =	sshrl.u32 s1, $0x2  }
0xb8: {  	s3 =	sand.u32 $0x4000, s31;
	s1 =	sadd.s32 s1, s30  }
0xb9: {  	s0 =	sor.u32 s3, s0;
	s1 =	sshll.u32 s1, $0x11  }
0xba: {  	s0 =	sor.u32 s1, s0  }
0xbb: {  	s0 =	sadd.s32 $0x8F2B, s0  }
0xbc: {  	[sflag:s0] =	ssyncadd.remote.s32 $0x1  }
0xbd: {  	_ =	sfence.sel $0xFFFF  }
0xbe: {  	[dreg:$0x0] =	wrdreg $0xFFFFFFFF;
	(pc) =	sbr.abs _section_cstart, $3  }
0xbf: {  	[dreg:$0x1] =	wrdreg $0xFFFFFFFF  }
0xc0: {  	_ =	task.clear_ibuf [dreg:s6], $0x2FFFF;
	_ =	strace $0x9FFFFFFF  }
0xc1: {  	(tm) =	ssettm $0x7FFFFFFF  }
tec
execute0_lowered:
.L_overlay_start_1:
0x0: {  	(tag) =	ssettag $0x1  }
0x1: {  	s3 =	rddreg [dreg:$0x0];
	s2 =	simm.s32 $0x0  }
0x2: {  	[smem:$0x7FF] =	sst s2;
	s6 =	sadd.s32 $0x13D8C00, s3  }
0x3: {  	s22 =	sadd.s32 $0xC65FE00, s3;
	_ =	strace $0x80000047;
	[dreg:$0x2] =	wrdreg s6  }
0x4: {  	s0 =	stileid.u32;
	s25 =	sadd.s32 $0x149C100, s3;
	[dreg:$0x3] =	wrdreg s22  }
0x5: {  	s4 =	sshll.u32 s0, $0x1;
	s0 =	sadd.s32 $0x155F600, s3;
	[dreg:$0x7] =	wrdreg s25  }
0x6: {  	s8 =	sadd.s32 $0x1622B00, s3;
	[dreg:$0x9] =	wrdreg s0  }
0x7: {  	s10 =	sadd.s32 $0x16E6000, s3;
	[dreg:$0xb] =	wrdreg s8  }
0x8: {  	s12 =	sadd.s32 $0x17A9500, s3;
	[dreg:$0xd] =	wrdreg s10  }
0x9: {  	s1 =	srdreg.scid;
	s14 =	sadd.s32 $0x186CA00, s3;
	[dreg:$0xf] =	wrdreg s12  }
0xa: {  	s1 =	sand.u32 $0x1, s1;
	s16 =	sadd.s32 $0x192FF00, s3;
	[dreg:$0x11] =	wrdreg s14  }
0xb: {  	s18 =	sadd.s32 $0x19F3400, s3;
	s4 =	sor.u32 s1, s4;
	[dreg:$0x13] =	wrdreg s16  }
0xc: {  	s20 =	sadd.s32 $0x1AB6900, s3;
	[dreg:$0x15] =	wrdreg s18;
	s23 =	sshll.u32 s4, $0xA  }
0xd: {  	[dreg:$0x17] =	wrdreg s20;
	s22 =	sadd.s32 $0x1B79E00, s3;
	s6 =	sadd.s32 s23, s3  }
0xe: {  	[dreg:$0x19] =	wrdreg s22;
	s24 =	sadd.s32 $0x39E00, s6  }
0xf: {  	s26 =	sadd.s32 $0x41E00, s6;
	[dreg:$0x6] =	wrdreg s24  }
0x10: {  	s9 =	sadd.s32 $0x51E00, s6;
	[dreg:$0x8] =	wrdreg s26  }
0x11: {  	s11 =	sadd.s32 $0x59E00, s6;
	[dreg:$0xc] =	wrdreg s9  }
0x12: {  	s13 =	sadd.s32 $0x61E00, s6;
	[dreg:$0xe] =	wrdreg s11  }
0x13: {  	s15 =	sadd.s32 $0x69E00, s6;
	[dreg:$0x10] =	wrdreg s13  }
0x14: {  	s17 =	sadd.s32 $0x71E00, s6;
	[dreg:$0x12] =	wrdreg s15  }
0x15: {  	s19 =	sadd.s32 $0x79E00, s6;
	[dreg:$0x14] =	wrdreg s17  }
0x16: {  	s21 =	sadd.s32 $0x81E00, s6;
	[dreg:$0x16] =	wrdreg s19  }
0x17: {  	s5 =	smul.u32 $0xD0, s4;
	s23 =	sadd.s32 $0x89E00, s6;
	[dreg:$0x18] =	wrdreg s21  }
0x18: {  	s4 =	sshll.u32 s4, $0x9;
	s25 =	sadd.s32 $0x91E00, s6;
	[dreg:$0x1a] =	wrdreg s23  }
0x19: {  	s4 =	sadd.s32 s4, s3;
	s0 =	sadd.s32 $0x99E00, s6;
	[dreg:$0x1c] =	wrdreg s25  }
0x1a: {  	s8 =	sadd.s32 $0x9E00, s4;
	[dreg:$0x1e] =	wrdreg s0  }
0x1b: {  	s10 =	sadd.s32 $0xDE00, s4;
	[smem:$0x7E7] =	sst s8  }
0x1c: {  	s12 =	sadd.s32 $0x11E00, s4;
	[smem:$0x7E9] =	sst s10  }
0x1d: {  	s14 =	sadd.s32 $0x15E00, s4;
	[smem:$0x7EB] =	sst s12  }
0x1e: {  	s16 =	sadd.s32 $0x19E00, s4;
	[smem:$0x7ED] =	sst s14  }
0x1f: {  	s18 =	sadd.s32 $0x1DE00, s4;
	[smem:$0x7EF] =	sst s16  }
0x20: {  	s20 =	sadd.s32 $0x21E00, s4;
	[smem:$0x7F1] =	sst s18  }
0x21: {  	s5 =	sadd.s32 s5, s3;
	s22 =	sadd.s32 $0x25E00, s4;
	[smem:$0x7F3] =	sst s20  }
0x22: {  	s7 =	sadd.s32 $0x4400, s5;
	[smem:$0x7F5] =	sst s22  }
0x23: {  	s5 =	sadd.s32 $0x2A00, s5;
	[dreg:$0x4] =	wrdreg s7  }
0x24: {  	s24 =	sadd.s32 $0x1C3D300, s3;
	[dreg:$0x5] =	wrdreg s5  }
0x25: {  	s26 =	sadd.s32 $0x1D00800, s3;
	[dreg:$0x1b] =	wrdreg s24  }
0x26: {  	s9 =	sadd.s32 $0xCE01000, s3;
	[dreg:$0x1d] =	wrdreg s26  }
0x27: {  	s11 =	sadd.s32 $0xD1D1900, s3;
	[smem:$0x7E8] =	sst s9  }
0x28: {  	s13 =	sadd.s32 $0xD5A2200, s3;
	[smem:$0x7EA] =	sst s11  }
0x29: {  	s15 =	sadd.s32 $0xD972B00, s3;
	[smem:$0x7EC] =	sst s13  }
0x2a: {  	s17 =	sadd.s32 $0xDD43400, s3;
	[smem:$0x7EE] =	sst s15  }
0x2b: {  	s19 =	sadd.s32 $0xE113D00, s3;
	[smem:$0x7F0] =	sst s17  }
0x2c: {  	s21 =	sadd.s32 $0xE4E4600, s3;
	[smem:$0x7F2] =	sst s19  }
0x2d: {  	s23 =	sadd.s32 $0xE8B4F00, s3;
	[smem:$0x7F4] =	sst s21  }
0x2e: {  	s25 =	sadd.s32 $0xEC85800, s3;
	[smem:$0x7F6] =	sst s23  }
0x2f: {  	s0 =	sadd.s32 $0xF056100, s3;
	[smem:$0x7F8] =	sst s25  }
0x30: {  	s8 =	simm.s32 $0x100;
	[smem:$0x7FA] =	sst s0  }
0x31: {  	s10 =	simm.s32 $0x200;
	[smem:$0x7E2] =	sst s8  }
0x32: {  	s12 =	simm.s32 $0x280;
	[smem:$0x7E4] =	sst s10  }
0x33: {  	s7 =	sadd.s32 $0x49E00, s6;
	[smem:$0x7E5] =	sst s12  }
0x34: {  	s6 =	sadd.s32 $0x5E00, s4;
	[dreg:$0xa] =	wrdreg s7  }
0x35: {  	s24 =	sadd.s32 $0x29E00, s4;
	[dreg:$0x1f] =	wrdreg s6  }
0x36: {  	s26 =	sadd.s32 $0x2DE00, s4;
	[smem:$0x7F7] =	sst s24  }
0x37: {  	s9 =	simm.s32 $0x180;
	[smem:$0x7F9] =	sst s26  }
0x38: {  	[smem:$0x7E3] =	sst s9  }
0x39: {  	s7 =	sadd.s32 $0xCA30700, s3;
	s11 =	rddreg [dreg:$0x4]  }
0x3a: {  	s6 =	sadd.s32 $0x31E00, s4;
	[smem:$0x7E6] =	sst s7  }
0x3b: {  	s3 =	sadd.s32 $0xF426A00, s3;
	[smem:$0x7FB] =	sst s6  }
0x3c: {  	[smem:$0x7FC] =	sst s3;
	s7 =	sadd.s32 $0x35E00, s4  }
0x3d: {  	[tilespmem:s2], [sflag:$0x3] =	stream.linear.gather [hbm4b:s11+s2], $0x680, $0x38;
	[tilespmem:$0x6D00] =	vst v63  }
0x3e: {  	s3 =	simm.s32 $0x3;
	[smem:$0x7FD] =	sst s7  }
0x3f: {  	_ =	swait.ge [sflag:s3], $0x680  }
0x40: {  	[sflag:s3] =	ssyncset.done $0x0  }
0x41: {  	s4 =	simm.s32 $0x680;
	s13 =	rddreg [dreg:$0x5];
	[sflag:s3] =	ssyncadd.s32 $0xFFFFF980  }
0x42: {  	[tilespmem:s4], [sflag:$0x3] =	stream.linear.gather [hbm4b:s13+s2], $0x680, $0x38;
	[tilespmem:$0x6D00] =	vst v63  }
0x43: {  	_ =	swait.ge [sflag:s3], $0x680  }
0x44: {  	s5 =	simm.s32 $0x80;
	s6 =	simm.s32 $0x1;
	[sflag:s3] =	ssyncset.done $0x0  }
0x45: {  	s7 =	simm.s32 $0xD00;
	s8 =	rddreg [dreg:$0x2];
	[sflag:s3] =	ssyncadd.s32 $0xFFFFF980  }
0x46: {  	[tilespmem:s7], [sflag:$0x1] =	stream.indirect.gather [hbm4b:s8+s5], $0x40, s2, s5, $0xb8;
	[tilespmem:$0x6D00] =	vst v63  }
0x47: {  	_ =	swait.ge [sflag:s6], $0x2000  }
0x48: {  	[sflag:s6] =	ssyncset.done $0x0  }
0x49: {  	s14 =	rddreg [dreg:$0x6];
	[sflag:s6] =	ssyncadd.s32 $0xFFFFE000  }
0x4a: {  	[hbm4b:s14+s2] =	stream.linear.scatter [tilespmem:s7], [sflag:$0x1], $0x2000, $0x38;
	[tilespmem:$0x6D00] =	vst v63  }
0x4b: {  	s9 =	simm.s32 $0x2D00;
	s8 =	simm.s32 $0x2;
	s10 =	rddreg [dreg:$0x7]  }
0x4c: {  	[tilespmem:s9], [sflag:$0x2] =	stream.indirect.gather [hbm4b:s10+s5], $0x40, s5, s5, $0xb8;
	[tilespmem:$0x6D00] =	vst v63  }
0x4d: {  	_ =	swait.ge [sflag:s8], $0x2000  }
0x4e: {  	[sflag:s8] =	ssyncset.done $0x0  }
0x4f: {  	s15 =	rddreg [dreg:$0x8];
	[sflag:s8] =	ssyncadd.s32 $0xFFFFE000  }
0x50: {  	[hbm4b:s15+s2] =	stream.linear.scatter [tilespmem:s9], [sflag:$0x2], $0x2000, $0x38;
	[tilespmem:$0x6D00] =	vst v63  }
0x51: {  	_ =	swait.ge [sflag:s6], $0x2000  }
0x52: {  	s11 =	sld [smem:$0x7E2]  }
0x53: {  	[sflag:s6] =	ssyncset.done $0x0  }
0x54: {  	s16 =	rddreg [dreg:$0x9];
	[sflag:s6] =	ssyncadd.s32 $0xFFFFE000  }
0x55: {  	[tilespmem:s7], [sflag:$0x1] =	stream.indirect.gather [hbm4b:s16+s5], $0x40, s11, s5, $0xb8;
	[tilespmem:$0x6D00] =	vst v63  }
0x56: {  	_ =	swait.ge [sflag:s6], $0x2000  }
0x57: {  	[sflag:s6] =	ssyncset.done $0x0  }
0x58: {  	s17 =	rddreg [dreg:$0xa];
	[sflag:s6] =	ssyncadd.s32 $0xFFFFE000  }
0x59: {  	[hbm4b:s17+s2] =	stream.linear.scatter [tilespmem:s7], [sflag:$0x1], $0x2000, $0x38;
	[tilespmem:$0x6D00] =	vst v63  }
0x5a: {  	_ =	swait.ge [sflag:s8], $0x2000  }
0x5b: {  	s19 =	sld [smem:$0x7E3]  }
0x5c: {  	[sflag:s8] =	ssyncset.done $0x0  }
0x5d: {  	s18 =	rddreg [dreg:$0xb];
	[sflag:s8] =	ssyncadd.s32 $0xFFFFE000  }
0x5e: {  	[tilespmem:s9], [sflag:$0x2] =	stream.indirect.gather [hbm4b:s18+s5], $0x40, s19, s5, $0xb8;
	[tilespmem:$0x6D00] =	vst v63  }
0x5f: {  	_ =	swait.ge [sflag:s8], $0x2000  }
0x60: {  	[sflag:s8] =	ssyncset.done $0x0  }
0x61: {  	s20 =	rddreg [dreg:$0xc];
	[sflag:s8] =	ssyncadd.s32 $0xFFFFE000  }
0x62: {  	[hbm4b:s20+s2] =	stream.linear.scatter [tilespmem:s9], [sflag:$0x2], $0x2000, $0x38;
	[tilespmem:$0x6D00] =	vst v63  }
0x63: {  	_ =	swait.ge [sflag:s6], $0x2000  }
0x64: {  	s22 =	sld [smem:$0x7E4]  }
0x65: {  	[sflag:s6] =	ssyncset.done $0x0  }
0x66: {  	s21 =	rddreg [dreg:$0xd];
	[sflag:s6] =	ssyncadd.s32 $0xFFFFE000  }
0x67: {  	[tilespmem:s7], [sflag:$0x1] =	stream.indirect.gather [hbm4b:s21+s5], $0x40, s22, s5, $0xb8;
	[tilespmem:$0x6D00] =	vst v63  }
0x68: {  	_ =	swait.ge [sflag:s6], $0x2000  }
0x69: {  	[sflag:s6] =	ssyncset.done $0x0  }
0x6a: {  	s23 =	rddreg [dreg:$0xe];
	[sflag:s6] =	ssyncadd.s32 $0xFFFFE000  }
0x6b: {  	[hbm4b:s23+s2] =	stream.linear.scatter [tilespmem:s7], [sflag:$0x1], $0x2000, $0x38;
	[tilespmem:$0x6D00] =	vst v63  }
0x6c: {  	_ =	swait.ge [sflag:s8], $0x2000  }
0x6d: {  	s25 =	sld [smem:$0x7E5]  }
0x6e: {  	[sflag:s8] =	ssyncset.done $0x0  }
0x6f: {  	s24 =	rddreg [dreg:$0xf];
	[sflag:s8] =	ssyncadd.s32 $0xFFFFE000  }
0x70: {  	[tilespmem:s9], [sflag:$0x2] =	stream.indirect.gather [hbm4b:s24+s5], $0x40, s25, s5, $0xb8;
	[tilespmem:$0x6D00] =	vst v63  }
0x71: {  	_ =	swait.ge [sflag:s8], $0x2000  }
0x72: {  	[sflag:s8] =	ssyncset.done $0x0  }
0x73: {  	s26 =	rddreg [dreg:$0x10];
	[sflag:s8] =	ssyncadd.s32 $0xFFFFE000  }
0x74: {  	[hbm4b:s26+s2] =	stream.linear.scatter [tilespmem:s9], [sflag:$0x2], $0x2000, $0x38;
	[tilespmem:$0x6D00] =	vst v63  }
0x75: {  	_ =	swait.ge [sflag:s6], $0x2000  }
0x76: {  	[sflag:s6] =	ssyncset.done $0x0  }
0x77: {  	s10 =	simm.s32 $0x300;
	s0 =	rddreg [dreg:$0x11];
	[sflag:s6] =	ssyncadd.s32 $0xFFFFE000  }
0x78: {  	[tilespmem:s7], [sflag:$0x1] =	stream.indirect.gather [hbm4b:s0+s5], $0x40, s10, s5, $0xb8;
	[tilespmem:$0x6D00] =	vst v63  }
0x79: {  	_ =	swait.ge [sflag:s6], $0x2000  }
0x7a: {  	[sflag:s6] =	ssyncset.done $0x0  }
0x7b: {  	s12 =	rddreg [dreg:$0x12];
	[sflag:s6] =	ssyncadd.s32 $0xFFFFE000  }
0x7c: {  	[hbm4b:s12+s2] =	stream.linear.scatter [tilespmem:s7], [sflag:$0x1], $0x2000, $0x38;
	[tilespmem:$0x6D00] =	vst v63  }
0x7d: {  	_ =	swait.ge [sflag:s8], $0x2000  }
0x7e: {  	[sflag:s8] =	ssyncset.done $0x0  }
0x7f: {  	s11 =	simm.s32 $0x380;
	s12 =	rddreg [dreg:$0x13];
	[sflag:s8] =	ssyncadd.s32 $0xFFFFE000  }
0x80: {  	[tilespmem:s9], [sflag:$0x2] =	stream.indirect.gather [hbm4b:s12+s5], $0x40, s11, s5, $0xb8;
	[tilespmem:$0x6D00] =	vst v63  }
0x81: {  	_ =	swait.ge [sflag:s8], $0x2000  }
0x82: {  	[sflag:s8] =	ssyncset.done $0x0  }
0x83: {  	s13 =	rddreg [dreg:$0x14];
	[sflag:s8] =	ssyncadd.s32 $0xFFFFE000  }
0x84: {  	[hbm4b:s13+s2] =	stream.linear.scatter [tilespmem:s9], [sflag:$0x2], $0x2000, $0x38;
	[tilespmem:$0x6D00] =	vst v63  }
0x85: {  	_ =	swait.ge [sflag:s6], $0x2000  }
0x86: {  	[sflag:s6] =	ssyncset.done $0x0  }
0x87: {  	s12 =	simm.s32 $0x400;
	s13 =	rddreg [dreg:$0x15];
	[sflag:s6] =	ssyncadd.s32 $0xFFFFE000  }
0x88: {  	[tilespmem:s7], [sflag:$0x1] =	stream.indirect.gather [hbm4b:s13+s5], $0x40, s12, s5, $0xb8;
	[tilespmem:$0x6D00] =	vst v63  }
0x89: {  	_ =	swait.ge [sflag:s6], $0x2000  }
0x8a: {  	[sflag:s6] =	ssyncset.done $0x0  }
0x8b: {  	s14 =	rddreg [dreg:$0x16];
	[sflag:s6] =	ssyncadd.s32 $0xFFFFE000  }
0x8c: {  	[hbm4b:s14+s2] =	stream.linear.scatter [tilespmem:s7], [sflag:$0x1], $0x2000, $0x38;
	[tilespmem:$0x6D00] =	vst v63  }
0x8d: {  	_ =	swait.ge [sflag:s8], $0x2000  }
0x8e: {  	[sflag:s8] =	ssyncset.done $0x0  }
0x8f: {  	s13 =	simm.s32 $0x480;
	s14 =	rddreg [dreg:$0x17];
	[sflag:s8] =	ssyncadd.s32 $0xFFFFE000  }
0x90: {  	[tilespmem:s9], [sflag:$0x2] =	stream.indirect.gather [hbm4b:s14+s5], $0x40, s13, s5, $0xb8;
	[tilespmem:$0x6D00] =	vst v63  }
0x91: {  	_ =	swait.ge [sflag:s8], $0x2000  }
0x92: {  	[sflag:s8] =	ssyncset.done $0x0  }
0x93: {  	s15 =	rddreg [dreg:$0x18];
	[sflag:s8] =	ssyncadd.s32 $0xFFFFE000  }
0x94: {  	[hbm4b:s15+s2] =	stream.linear.scatter [tilespmem:s9], [sflag:$0x2], $0x2000, $0x38;
	[tilespmem:$0x6D00] =	vst v63  }
0x95: {  	_ =	swait.ge [sflag:s6], $0x2000  }
0x96: {  	[sflag:s6] =	ssyncset.done $0x0  }
0x97: {  	s14 =	simm.s32 $0x500;
	s15 =	rddreg [dreg:$0x19];
	[sflag:s6] =	ssyncadd.s32 $0xFFFFE000  }
0x98: {  	[tilespmem:s7], [sflag:$0x1] =	stream.indirect.gather [hbm4b:s15+s5], $0x40, s14, s5, $0xb8;
	[tilespmem:$0x6D00] =	vst v63  }
0x99: {  	_ =	swait.ge [sflag:s6], $0x2000  }
0x9a: {  	[sflag:s6] =	ssyncset.done $0x0  }
0x9b: {  	s16 =	rddreg [dreg:$0x1a];
	[sflag:s6] =	ssyncadd.s32 $0xFFFFE000  }
0x9c: {  	[hbm4b:s16+s2] =	stream.linear.scatter [tilespmem:s7], [sflag:$0x1], $0x2000, $0x38;
	[tilespmem:$0x6D00] =	vst v63  }
0x9d: {  	_ =	swait.ge [sflag:s8], $0x2000  }
0x9e: {  	[sflag:s8] =	ssyncset.done $0x0  }
0x9f: {  	s15 =	simm.s32 $0x580;
	s16 =	rddreg [dreg:$0x1b];
	[sflag:s8] =	ssyncadd.s32 $0xFFFFE000  }
0xa0: {  	[tilespmem:s9], [sflag:$0x2] =	stream.indirect.gather [hbm4b:s16+s5], $0x40, s15, s5, $0xb8;
	[tilespmem:$0x6D00] =	vst v63  }
0xa1: {  	_ =	swait.ge [sflag:s8], $0x2000  }
0xa2: {  	[sflag:s8] =	ssyncset.done $0x0  }
0xa3: {  	s17 =	rddreg [dreg:$0x1c];
	[sflag:s8] =	ssyncadd.s32 $0xFFFFE000  }
0xa4: {  	[hbm4b:s17+s2] =	stream.linear.scatter [tilespmem:s9], [sflag:$0x2], $0x2000, $0x38;
	[tilespmem:$0x6D00] =	vst v63  }
0xa5: {  	_ =	swait.ge [sflag:s6], $0x2000  }
0xa6: {  	[sflag:s6] =	ssyncset.done $0x0  }
0xa7: {  	s16 =	simm.s32 $0x600;
	s17 =	rddreg [dreg:$0x1d];
	[sflag:s6] =	ssyncadd.s32 $0xFFFFE000  }
0xa8: {  	[tilespmem:s7], [sflag:$0x1] =	stream.indirect.gather [hbm4b:s17+s5], $0x40, s16, s5, $0xb8;
	[tilespmem:$0x6D00] =	vst v63  }
0xa9: {  	_ =	swait.ge [sflag:s6], $0x2000  }
0xaa: {  	[sflag:s6] =	ssyncset.done $0x0  }
0xab: {  	s18 =	rddreg [dreg:$0x1e];
	[sflag:s6] =	ssyncadd.s32 $0xFFFFE000  }
0xac: {  	[hbm4b:s18+s2] =	stream.linear.scatter [tilespmem:s7], [sflag:$0x1], $0x2000, $0x38;
	[tilespmem:$0x6D00] =	vst v63  }
0xad: {  	_ =	swait.ge [sflag:s6], $0x2000  }
0xae: {  	[sflag:s6] =	ssyncset.done $0x0  }
0xaf: {  	[sflag:s6] =	ssyncadd.s32 $0xFFFFE000  }
0xb0: {  	_ =	swait.ge [sflag:s8], $0x2000  }
0xb1: {  	[sflag:s8] =	ssyncset.done $0x0  }
0xb2: {  	s17 =	simm.s32 $0x4D00;
	s18 =	rddreg [dreg:$0x3];
	[sflag:s8] =	ssyncadd.s32 $0xFFFFE000  }
0xb3: {  	[tilespmem:s17], [sflag:$0x1] =	stream.indirect.gather [hbm4b:s18+s5], $0x20, s4, s5, $0xb8;
	[tilespmem:$0x6D00] =	vst v63  }
0xb4: {  	_ =	swait.ge [sflag:s6], $0x1000  }
0xb5: {  	s19 =	rddreg [dreg:$0x1f];
	[sflag:s6] =	ssyncset.done $0x0  }
0xb6: {  	s20 =	sld [smem:$0x7E6];
	[sflag:s6] =	ssyncadd.s32 $0xFFFFF000  }
0xb7: {  	[hbm4b:s19+s2] =	stream.linear.scatter [tilespmem:s17], [sflag:$0x1], $0x1000, $0x38;
	[tilespmem:$0x6D00] =	vst v63  }
0xb8: {  	s18 =	simm.s32 $0x700;
	s19 =	simm.s32 $0x5D00  }
0xb9: {  	[tilespmem:s19], [sflag:$0x2] =	stream.indirect.gather [hbm4b:s20+s5], $0x20, s18, s5, $0xb8;
	[tilespmem:$0x6D00] =	vst v63  }
0xba: {  	_ =	swait.ge [sflag:s8], $0x1000  }
0xbb: {  	s21 =	sld [smem:$0x7E7]  }
0xbc: {  	[sflag:s8] =	ssyncset.done $0x0  }
0xbd: {  	[sflag:s8] =	ssyncadd.s32 $0xFFFFF000  }
0xbe: {  	[hbm4b:s21+s2] =	stream.linear.scatter [tilespmem:s19], [sflag:$0x2], $0x1000, $0x38;
	[tilespmem:$0x6D00] =	vst v63  }
0xbf: {  	_ =	swait.ge [sflag:s6], $0x1000  }
0xc0: {  	s21 =	sld [smem:$0x7E8]  }
0xc1: {  	[sflag:s6] =	ssyncset.done $0x0  }
0xc2: {  	s20 =	simm.s32 $0x780;
	[sflag:s6] =	ssyncadd.s32 $0xFFFFF000  }
0xc3: {  	[tilespmem:s17], [sflag:$0x1] =	stream.indirect.gather [hbm4b:s21+s5], $0x20, s20, s5, $0xb8;
	[tilespmem:$0x6D00] =	vst v63  }
0xc4: {  	_ =	swait.ge [sflag:s6], $0x1000  }
0xc5: {  	s22 =	sld [smem:$0x7E9]  }
0xc6: {  	[sflag:s6] =	ssyncset.done $0x0  }
0xc7: {  	[sflag:s6] =	ssyncadd.s32 $0xFFFFF000  }
0xc8: {  	[hbm4b:s22+s2] =	stream.linear.scatter [tilespmem:s17], [sflag:$0x1], $0x1000, $0x38;
	[tilespmem:$0x6D00] =	vst v63  }
0xc9: {  	_ =	swait.ge [sflag:s8], $0x1000  }
0xca: {  	s22 =	sld [smem:$0x7EA]  }
0xcb: {  	[sflag:s8] =	ssyncset.done $0x0  }
0xcc: {  	s21 =	simm.s32 $0x800;
	[sflag:s8] =	ssyncadd.s32 $0xFFFFF000  }
0xcd: {  	[tilespmem:s19], [sflag:$0x2] =	stream.indirect.gather [hbm4b:s22+s5], $0x20, s21, s5, $0xb8;
	[tilespmem:$0x6D00] =	vst v63  }
0xce: {  	_ =	swait.ge [sflag:s8], $0x1000  }
0xcf: {  	s23 =	sld [smem:$0x7EB]  }
0xd0: {  	[sflag:s8] =	ssyncset.done $0x0  }
0xd1: {  	[sflag:s8] =	ssyncadd.s32 $0xFFFFF000  }
0xd2: {  	[hbm4b:s23+s2] =	stream.linear.scatter [tilespmem:s19], [sflag:$0x2], $0x1000, $0x38;
	[tilespmem:$0x6D00] =	vst v63  }
0xd3: {  	_ =	swait.ge [sflag:s6], $0x1000  }
0xd4: {  	s23 =	sld [smem:$0x7EC]  }
0xd5: {  	[sflag:s6] =	ssyncset.done $0x0  }
0xd6: {  	s22 =	simm.s32 $0x880;
	[sflag:s6] =	ssyncadd.s32 $0xFFFFF000  }
0xd7: {  	[tilespmem:s17], [sflag:$0x1] =	stream.indirect.gather [hbm4b:s23+s5], $0x20, s22, s5, $0xb8;
	[tilespmem:$0x6D00] =	vst v63  }
0xd8: {  	_ =	swait.ge [sflag:s6], $0x1000  }
0xd9: {  	s24 =	sld [smem:$0x7ED]  }
0xda: {  	[sflag:s6] =	ssyncset.done $0x0  }
0xdb: {  	[sflag:s6] =	ssyncadd.s32 $0xFFFFF000  }
0xdc: {  	[hbm4b:s24+s2] =	stream.linear.scatter [tilespmem:s17], [sflag:$0x1], $0x1000, $0x38;
	[tilespmem:$0x6D00] =	vst v63  }
0xdd: {  	_ =	swait.ge [sflag:s8], $0x1000  }
0xde: {  	s24 =	sld [smem:$0x7EE]  }
0xdf: {  	[sflag:s8] =	ssyncset.done $0x0  }
0xe0: {  	s23 =	simm.s32 $0x900;
	[sflag:s8] =	ssyncadd.s32 $0xFFFFF000  }
0xe1: {  	[tilespmem:s19], [sflag:$0x2] =	stream.indirect.gather [hbm4b:s24+s5], $0x20, s23, s5, $0xb8;
	[tilespmem:$0x6D00] =	vst v63  }
0xe2: {  	_ =	swait.ge [sflag:s8], $0x1000  }
0xe3: {  	s25 =	sld [smem:$0x7EF]  }
0xe4: {  	[sflag:s8] =	ssyncset.done $0x0  }
0xe5: {  	[sflag:s8] =	ssyncadd.s32 $0xFFFFF000  }
0xe6: {  	[hbm4b:s25+s2] =	stream.linear.scatter [tilespmem:s19], [sflag:$0x2], $0x1000, $0x38;
	[tilespmem:$0x6D00] =	vst v63  }
0xe7: {  	_ =	swait.ge [sflag:s6], $0x1000  }
0xe8: {  	s25 =	sld [smem:$0x7F0]  }
0xe9: {  	[sflag:s6] =	ssyncset.done $0x0  }
0xea: {  	s24 =	simm.s32 $0x980;
	[sflag:s6] =	ssyncadd.s32 $0xFFFFF000  }
0xeb: {  	[tilespmem:s17], [sflag:$0x1] =	stream.indirect.gather [hbm4b:s25+s5], $0x20, s24, s5, $0xb8;
	[tilespmem:$0x6D00] =	vst v63  }
0xec: {  	_ =	swait.ge [sflag:s6], $0x1000  }
0xed: {  	s26 =	sld [smem:$0x7F1]  }
0xee: {  	[sflag:s6] =	ssyncset.done $0x0  }
0xef: {  	[sflag:s6] =	ssyncadd.s32 $0xFFFFF000  }
0xf0: {  	[hbm4b:s26+s2] =	stream.linear.scatter [tilespmem:s17], [sflag:$0x1], $0x1000, $0x38;
	[tilespmem:$0x6D00] =	vst v63  }
0xf1: {  	_ =	swait.ge [sflag:s8], $0x1000  }
0xf2: {  	s26 =	sld [smem:$0x7F2]  }
0xf3: {  	[sflag:s8] =	ssyncset.done $0x0  }
0xf4: {  	s25 =	simm.s32 $0xA00;
	[sflag:s8] =	ssyncadd.s32 $0xFFFFF000  }
0xf5: {  	[tilespmem:s19], [sflag:$0x2] =	stream.indirect.gather [hbm4b:s26+s5], $0x20, s25, s5, $0xb8;
	[tilespmem:$0x6D00] =	vst v63  }
0xf6: {  	_ =	swait.ge [sflag:s8], $0x1000  }
0xf7: {  	s0 =	sld [smem:$0x7F3]  }
0xf8: {  	[sflag:s8] =	ssyncset.done $0x0  }
0xf9: {  	[sflag:s8] =	ssyncadd.s32 $0xFFFFF000  }
0xfa: {  	[hbm4b:s0+s2] =	stream.linear.scatter [tilespmem:s19], [sflag:$0x2], $0x1000, $0x38;
	[tilespmem:$0x6D00] =	vst v63  }
0xfb: {  	_ =	swait.ge [sflag:s6], $0x1000  }
0xfc: {  	s28 =	sld [smem:$0x7F4]  }
0xfd: {  	[sflag:s6] =	ssyncset.done $0x0  }
0xfe: {  	s26 =	simm.s32 $0xA80;
	[sflag:s6] =	ssyncadd.s32 $0xFFFFF000  }
0xff: {  	[tilespmem:s17], [sflag:$0x1] =	stream.indirect.gather [hbm4b:s28+s5], $0x20, s26, s5, $0xb8;
	[tilespmem:$0x6D00] =	vst v63  }
0x100: {  	_ =	swait.ge [sflag:s6], $0x1000  }
0x101: {  	s28 =	sld [smem:$0x7F5]  }
0x102: {  	[sflag:s6] =	ssyncset.done $0x0  }
0x103: {  	[sflag:s6] =	ssyncadd.s32 $0xFFFFF000  }
0x104: {  	[hbm4b:s28+s2] =	stream.linear.scatter [tilespmem:s17], [sflag:$0x1], $0x1000, $0x38;
	[tilespmem:$0x6D00] =	vst v63  }
0x105: {  	_ =	swait.ge [sflag:s8], $0x1000  }
0x106: {  	s29 =	sld [smem:$0x7F6]  }
0x107: {  	[sflag:s8] =	ssyncset.done $0x0  }
0x108: {  	s28 =	simm.s32 $0xB00;
	[sflag:s8] =	ssyncadd.s32 $0xFFFFF000  }
0x109: {  	[tilespmem:s19], [sflag:$0x2] =	stream.indirect.gather [hbm4b:s29+s5], $0x20, s28, s5, $0xb8;
	[tilespmem:$0x6D00] =	vst v63  }
0x10a: {  	_ =	swait.ge [sflag:s8], $0x1000  }
0x10b: {  	s29 =	sld [smem:$0x7F7]  }
0x10c: {  	[sflag:s8] =	ssyncset.done $0x0  }
0x10d: {  	[sflag:s8] =	ssyncadd.s32 $0xFFFFF000  }
0x10e: {  	[hbm4b:s29+s2] =	stream.linear.scatter [tilespmem:s19], [sflag:$0x2], $0x1000, $0x38;
	[tilespmem:$0x6D00] =	vst v63  }
0x10f: {  	_ =	swait.ge [sflag:s6], $0x1000  }
0x110: {  	s30 =	sld [smem:$0x7F8]  }
0x111: {  	[sflag:s6] =	ssyncset.done $0x0  }
0x112: {  	s29 =	simm.s32 $0xB80;
	[sflag:s6] =	ssyncadd.s32 $0xFFFFF000  }
0x113: {  	[tilespmem:s17], [sflag:$0x1] =	stream.indirect.gather [hbm4b:s30+s5], $0x20, s29, s5, $0xb8;
	[tilespmem:$0x6D00] =	vst v63  }
0x114: {  	_ =	swait.ge [sflag:s6], $0x1000  }
0x115: {  	s30 =	sld [smem:$0x7F9]  }
0x116: {  	[sflag:s6] =	ssyncset.done $0x0  }
0x117: {  	[sflag:s6] =	ssyncadd.s32 $0xFFFFF000  }
0x118: {  	[hbm4b:s30+s2] =	stream.linear.scatter [tilespmem:s17], [sflag:$0x1], $0x1000, $0x38;
	[tilespmem:$0x6D00] =	vst v63  }
0x119: {  	_ =	swait.ge [sflag:s8], $0x1000  }
0x11a: {  	s31 =	sld [smem:$0x7FA]  }
0x11b: {  	[sflag:s8] =	ssyncset.done $0x0  }
0x11c: {  	s30 =	simm.s32 $0xC00;
	[sflag:s8] =	ssyncadd.s32 $0xFFFFF000  }
0x11d: {  	[tilespmem:s19], [sflag:$0x2] =	stream.indirect.gather [hbm4b:s31+s5], $0x20, s30, s5, $0xb8;
	[tilespmem:$0x6D00] =	vst v63  }
0x11e: {  	_ =	swait.ge [sflag:s8], $0x1000  }
0x11f: {  	s31 =	sld [smem:$0x7FB]  }
0x120: {  	[sflag:s8] =	ssyncset.done $0x0  }
0x121: {  	[sflag:s8] =	ssyncadd.s32 $0xFFFFF000  }
0x122: {  	[hbm4b:s31+s2] =	stream.linear.scatter [tilespmem:s19], [sflag:$0x2], $0x1000, $0x38;
	[tilespmem:$0x6D00] =	vst v63  }
0x123: {  	s0 =	ssub.s32 $0x2, s1;
	_ =	swait.ge [sflag:s6], $0x1000  }
0x124: {  	s1 =	sshrl.u32 s0, $0x1;
	s10 =	sld [smem:$0x7FC]  }
0x125: {  	s0 =	ssub.s32 s0, s1;
	[sflag:s6] =	ssyncset.done $0x0  }
0x126: {  	s0 =	smax.u32 s0, $0x1;
	s31 =	simm.s32 $0xC80;
	[sflag:s6] =	ssyncadd.s32 $0xFFFFF000  }
0x127: {  	[tilespmem:s17], [sflag:$0x1] =	stream.indirect.gather [hbm4b:s10+s5], $0x20, s31, s5, $0xb8;
	[tilespmem:$0x6D00] =	vst v63  }
0x128: {  	p0 =	sne.s32 s0, $0x1;
	_ =	swait.ge [sflag:s6], $0x1000  }
.Ltmp0:
0x129: {  	s10 =	sld [smem:$0x7FD];
	(pc) =	sbr.rel @!p0 .LBB2_2-.Ltmp0, $4  }
0x12a: {  	[sflag:s6] =	ssyncset.done $0x0  }
0x12b: {  	[sflag:s6] =	ssyncadd.s32 $0xFFFFF000  }
0x12c: {  	[hbm4b:s10+s2] =	stream.linear.scatter [tilespmem:s17], [sflag:$0x1], $0x1000, $0x38;
	[tilespmem:$0x6D00] =	vst v63  }
0x12d: {  	s1 =	sadd.s32 $0xFFFFFFFF, s0;
	_ =	swait.ge [sflag:s6], $0x1000  }
.LBB2_1:
0x12e: {  	[sflag:s6] =	ssyncset.done $0x0  }
0x12f: {  	[sflag:s6] =	ssyncadd.s32 $0xFFFFF000  }
0x130: {  	_ =	swait.ge [sflag:s8], $0x1000  }
0x131: {  	[sflag:s8] =	ssyncset.done $0x0  }
0x132: {  	s0 =	rddreg [dreg:$0x4];
	[sflag:s8] =	ssyncadd.s32 $0xFFFFF000  }
0x133: {  	[tilespmem:s2], [sflag:$0x3] =	stream.linear.gather [hbm4b:s0+s2], $0x680, $0x38;
	[tilespmem:$0x6D00] =	vst v63  }
0x134: {  	_ =	swait.ge [sflag:s3], $0x680  }
0x135: {  	[sflag:s3] =	ssyncset.done $0x0  }
0x136: {  	s10 =	rddreg [dreg:$0x5];
	[sflag:s3] =	ssyncadd.s32 $0xFFFFF980  }
0x137: {  	[tilespmem:s4], [sflag:$0x3] =	stream.linear.gather [hbm4b:s10+s2], $0x680, $0x38;
	[tilespmem:$0x6D00] =	vst v63  }
0x138: {  	_ =	swait.ge [sflag:s3], $0x680  }
0x139: {  	[sflag:s3] =	ssyncset.done $0x0  }
0x13a: {  	s10 =	rddreg [dreg:$0x2];
	[sflag:s3] =	ssyncadd.s32 $0xFFFFF980  }
0x13b: {  	[tilespmem:s7], [sflag:$0x1] =	stream.indirect.gather [hbm4b:s10+s5], $0x40, s2, s5, $0xb8;
	[tilespmem:$0x6D00] =	vst v63  }
0x13c: {  	_ =	swait.ge [sflag:s6], $0x2000  }
0x13d: {  	[sflag:s6] =	ssyncset.done $0x0  }
0x13e: {  	s0 =	rddreg [dreg:$0x6];
	[sflag:s6] =	ssyncadd.s32 $0xFFFFE000  }
0x13f: {  	[hbm4b:s0+s2] =	stream.linear.scatter [tilespmem:s7], [sflag:$0x1], $0x2000, $0x38;
	[tilespmem:$0x6D00] =	vst v63  }
0x140: {  	s10 =	rddreg [dreg:$0x7]  }
0x141: {  	[tilespmem:s9], [sflag:$0x2] =	stream.indirect.gather [hbm4b:s10+s5], $0x40, s5, s5, $0xb8;
	[tilespmem:$0x6D00] =	vst v63  }
0x142: {  	_ =	swait.ge [sflag:s8], $0x2000  }
0x143: {  	[sflag:s8] =	ssyncset.done $0x0  }
0x144: {  	s10 =	rddreg [dreg:$0x8];
	[sflag:s8] =	ssyncadd.s32 $0xFFFFE000  }
0x145: {  	[hbm4b:s10+s2] =	stream.linear.scatter [tilespmem:s9], [sflag:$0x2], $0x2000, $0x38;
	[tilespmem:$0x6D00] =	vst v63  }
0x146: {  	_ =	swait.ge [sflag:s6], $0x2000  }
0x147: {  	s10 =	sld [smem:$0x7E2]  }
0x148: {  	[sflag:s6] =	ssyncset.done $0x0  }
0x149: {  	s0 =	rddreg [dreg:$0x9];
	[sflag:s6] =	ssyncadd.s32 $0xFFFFE000  }
0x14a: {  	[tilespmem:s7], [sflag:$0x1] =	stream.indirect.gather [hbm4b:s0+s5], $0x40, s10, s5, $0xb8;
	[tilespmem:$0x6D00] =	vst v63  }
0x14b: {  	_ =	swait.ge [sflag:s6], $0x2000  }
0x14c: {  	[sflag:s6] =	ssyncset.done $0x0  }
0x14d: {  	s10 =	rddreg [dreg:$0xa];
	[sflag:s6] =	ssyncadd.s32 $0xFFFFE000  }
0x14e: {  	[hbm4b:s10+s2] =	stream.linear.scatter [tilespmem:s7], [sflag:$0x1], $0x2000, $0x38;
	[tilespmem:$0x6D00] =	vst v63  }
0x14f: {  	_ =	swait.ge [sflag:s8], $0x2000  }
0x150: {  	s10 =	sld [smem:$0x7E3]  }
0x151: {  	[sflag:s8] =	ssyncset.done $0x0  }
0x152: {  	s0 =	rddreg [dreg:$0xb];
	[sflag:s8] =	ssyncadd.s32 $0xFFFFE000  }
0x153: {  	[tilespmem:s9], [sflag:$0x2] =	stream.indirect.gather [hbm4b:s0+s5], $0x40, s10, s5, $0xb8;
	[tilespmem:$0x6D00] =	vst v63  }
0x154: {  	_ =	swait.ge [sflag:s8], $0x2000  }
0x155: {  	[sflag:s8] =	ssyncset.done $0x0  }
0x156: {  	s10 =	rddreg [dreg:$0xc];
	[sflag:s8] =	ssyncadd.s32 $0xFFFFE000  }
0x157: {  	[hbm4b:s10+s2] =	stream.linear.scatter [tilespmem:s9], [sflag:$0x2], $0x2000, $0x38;
	[tilespmem:$0x6D00] =	vst v63  }
0x158: {  	_ =	swait.ge [sflag:s6], $0x2000  }
0x159: {  	s10 =	sld [smem:$0x7E4]  }
0x15a: {  	[sflag:s6] =	ssyncset.done $0x0  }
0x15b: {  	s0 =	rddreg [dreg:$0xd];
	[sflag:s6] =	ssyncadd.s32 $0xFFFFE000  }
0x15c: {  	[tilespmem:s7], [sflag:$0x1] =	stream.indirect.gather [hbm4b:s0+s5], $0x40, s10, s5, $0xb8;
	[tilespmem:$0x6D00] =	vst v63  }
0x15d: {  	_ =	swait.ge [sflag:s6], $0x2000  }
0x15e: {  	[sflag:s6] =	ssyncset.done $0x0  }
0x15f: {  	s10 =	rddreg [dreg:$0xe];
	[sflag:s6] =	ssyncadd.s32 $0xFFFFE000  }
0x160: {  	[hbm4b:s10+s2] =	stream.linear.scatter [tilespmem:s7], [sflag:$0x1], $0x2000, $0x38;
	[tilespmem:$0x6D00] =	vst v63  }
0x161: {  	_ =	swait.ge [sflag:s8], $0x2000  }
0x162: {  	s10 =	sld [smem:$0x7E5]  }
0x163: {  	[sflag:s8] =	ssyncset.done $0x0  }
0x164: {  	s0 =	rddreg [dreg:$0xf];
	[sflag:s8] =	ssyncadd.s32 $0xFFFFE000  }
0x165: {  	[tilespmem:s9], [sflag:$0x2] =	stream.indirect.gather [hbm4b:s0+s5], $0x40, s10, s5, $0xb8;
	[tilespmem:$0x6D00] =	vst v63  }
0x166: {  	_ =	swait.ge [sflag:s8], $0x2000  }
0x167: {  	[sflag:s8] =	ssyncset.done $0x0  }
0x168: {  	s10 =	rddreg [dreg:$0x10];
	[sflag:s8] =	ssyncadd.s32 $0xFFFFE000  }
0x169: {  	[hbm4b:s10+s2] =	stream.linear.scatter [tilespmem:s9], [sflag:$0x2], $0x2000, $0x38;
	[tilespmem:$0x6D00] =	vst v63  }
0x16a: {  	_ =	swait.ge [sflag:s6], $0x2000  }
0x16b: {  	[sflag:s6] =	ssyncset.done $0x0  }
0x16c: {  	s10 =	simm.s32 $0x300;
	s0 =	rddreg [dreg:$0x11];
	[sflag:s6] =	ssyncadd.s32 $0xFFFFE000  }
0x16d: {  	[tilespmem:s7], [sflag:$0x1] =	stream.indirect.gather [hbm4b:s0+s5], $0x40, s10, s5, $0xb8;
	[tilespmem:$0x6D00] =	vst v63  }
0x16e: {  	_ =	swait.ge [sflag:s6], $0x2000  }
0x16f: {  	[sflag:s6] =	ssyncset.done $0x0  }
0x170: {  	s10 =	rddreg [dreg:$0x12];
	[sflag:s6] =	ssyncadd.s32 $0xFFFFE000  }
0x171: {  	[hbm4b:s10+s2] =	stream.linear.scatter [tilespmem:s7], [sflag:$0x1], $0x2000, $0x38;
	[tilespmem:$0x6D00] =	vst v63  }
0x172: {  	_ =	swait.ge [sflag:s8], $0x2000  }
0x173: {  	[sflag:s8] =	ssyncset.done $0x0  }
0x174: {  	s10 =	rddreg [dreg:$0x13];
	[sflag:s8] =	ssyncadd.s32 $0xFFFFE000  }
0x175: {  	[tilespmem:s9], [sflag:$0x2] =	stream.indirect.gather [hbm4b:s10+s5], $0x40, s11, s5, $0xb8;
	[tilespmem:$0x6D00] =	vst v63  }
0x176: {  	_ =	swait.ge [sflag:s8], $0x2000  }
0x177: {  	[sflag:s8] =	ssyncset.done $0x0  }
0x178: {  	s10 =	rddreg [dreg:$0x14];
	[sflag:s8] =	ssyncadd.s32 $0xFFFFE000  }
0x179: {  	[hbm4b:s10+s2] =	stream.linear.scatter [tilespmem:s9], [sflag:$0x2], $0x2000, $0x38;
	[tilespmem:$0x6D00] =	vst v63  }
0x17a: {  	_ =	swait.ge [sflag:s6], $0x2000  }
0x17b: {  	[sflag:s6] =	ssyncset.done $0x0  }
0x17c: {  	s10 =	rddreg [dreg:$0x15];
	[sflag:s6] =	ssyncadd.s32 $0xFFFFE000  }
0x17d: {  	[tilespmem:s7], [sflag:$0x1] =	stream.indirect.gather [hbm4b:s10+s5], $0x40, s12, s5, $0xb8;
	[tilespmem:$0x6D00] =	vst v63  }
0x17e: {  	_ =	swait.ge [sflag:s6], $0x2000  }
0x17f: {  	[sflag:s6] =	ssyncset.done $0x0  }
0x180: {  	s10 =	rddreg [dreg:$0x16];
	[sflag:s6] =	ssyncadd.s32 $0xFFFFE000  }
0x181: {  	[hbm4b:s10+s2] =	stream.linear.scatter [tilespmem:s7], [sflag:$0x1], $0x2000, $0x38;
	[tilespmem:$0x6D00] =	vst v63  }
0x182: {  	_ =	swait.ge [sflag:s8], $0x2000  }
0x183: {  	[sflag:s8] =	ssyncset.done $0x0  }
0x184: {  	s10 =	rddreg [dreg:$0x17];
	[sflag:s8] =	ssyncadd.s32 $0xFFFFE000  }
0x185: {  	[tilespmem:s9], [sflag:$0x2] =	stream.indirect.gather [hbm4b:s10+s5], $0x40, s13, s5, $0xb8;
	[tilespmem:$0x6D00] =	vst v63  }
0x186: {  	_ =	swait.ge [sflag:s8], $0x2000  }
0x187: {  	[sflag:s8] =	ssyncset.done $0x0  }
0x188: {  	s10 =	rddreg [dreg:$0x18];
	[sflag:s8] =	ssyncadd.s32 $0xFFFFE000  }
0x189: {  	[hbm4b:s10+s2] =	stream.linear.scatter [tilespmem:s9], [sflag:$0x2], $0x2000, $0x38;
	[tilespmem:$0x6D00] =	vst v63  }
0x18a: {  	_ =	swait.ge [sflag:s6], $0x2000  }
0x18b: {  	[sflag:s6] =	ssyncset.done $0x0  }
0x18c: {  	s10 =	rddreg [dreg:$0x19];
	[sflag:s6] =	ssyncadd.s32 $0xFFFFE000  }
0x18d: {  	[tilespmem:s7], [sflag:$0x1] =	stream.indirect.gather [hbm4b:s10+s5], $0x40, s14, s5, $0xb8;
	[tilespmem:$0x6D00] =	vst v63  }
0x18e: {  	_ =	swait.ge [sflag:s6], $0x2000  }
0x18f: {  	[sflag:s6] =	ssyncset.done $0x0  }
0x190: {  	s10 =	rddreg [dreg:$0x1a];
	[sflag:s6] =	ssyncadd.s32 $0xFFFFE000  }
0x191: {  	[hbm4b:s10+s2] =	stream.linear.scatter [tilespmem:s7], [sflag:$0x1], $0x2000, $0x38;
	[tilespmem:$0x6D00] =	vst v63  }
0x192: {  	_ =	swait.ge [sflag:s8], $0x2000  }
0x193: {  	[sflag:s8] =	ssyncset.done $0x0  }
0x194: {  	s10 =	rddreg [dreg:$0x1b];
	[sflag:s8] =	ssyncadd.s32 $0xFFFFE000  }
0x195: {  	[tilespmem:s9], [sflag:$0x2] =	stream.indirect.gather [hbm4b:s10+s5], $0x40, s15, s5, $0xb8;
	[tilespmem:$0x6D00] =	vst v63  }
0x196: {  	_ =	swait.ge [sflag:s8], $0x2000  }
0x197: {  	[sflag:s8] =	ssyncset.done $0x0  }
0x198: {  	s10 =	rddreg [dreg:$0x1c];
	[sflag:s8] =	ssyncadd.s32 $0xFFFFE000  }
0x199: {  	[hbm4b:s10+s2] =	stream.linear.scatter [tilespmem:s9], [sflag:$0x2], $0x2000, $0x38;
	[tilespmem:$0x6D00] =	vst v63  }
0x19a: {  	_ =	swait.ge [sflag:s6], $0x2000  }
0x19b: {  	[sflag:s6] =	ssyncset.done $0x0  }
0x19c: {  	s10 =	rddreg [dreg:$0x1d];
	[sflag:s6] =	ssyncadd.s32 $0xFFFFE000  }
0x19d: {  	[tilespmem:s7], [sflag:$0x1] =	stream.indirect.gather [hbm4b:s10+s5], $0x40, s16, s5, $0xb8;
	[tilespmem:$0x6D00] =	vst v63  }
0x19e: {  	_ =	swait.ge [sflag:s6], $0x2000  }
0x19f: {  	[sflag:s6] =	ssyncset.done $0x0  }
0x1a0: {  	s10 =	rddreg [dreg:$0x1e];
	[sflag:s6] =	ssyncadd.s32 $0xFFFFE000  }
0x1a1: {  	[hbm4b:s10+s2] =	stream.linear.scatter [tilespmem:s7], [sflag:$0x1], $0x2000, $0x38;
	[tilespmem:$0x6D00] =	vst v63  }
0x1a2: {  	_ =	swait.ge [sflag:s6], $0x2000  }
0x1a3: {  	[sflag:s6] =	ssyncset.done $0x0  }
0x1a4: {  	[sflag:s6] =	ssyncadd.s32 $0xFFFFE000  }
0x1a5: {  	_ =	swait.ge [sflag:s8], $0x2000  }
0x1a6: {  	[sflag:s8] =	ssyncset.done $0x0  }
0x1a7: {  	s10 =	rddreg [dreg:$0x3];
	[sflag:s8] =	ssyncadd.s32 $0xFFFFE000  }
0x1a8: {  	[tilespmem:s17], [sflag:$0x1] =	stream.indirect.gather [hbm4b:s10+s5], $0x20, s4, s5, $0xb8;
	[tilespmem:$0x6D00] =	vst v63  }
0x1a9: {  	_ =	swait.ge [sflag:s6], $0x1000  }
0x1aa: {  	[sflag:s6] =	ssyncset.done $0x0;
	s0 =	rddreg [dreg:$0x1f]  }
0x1ab: {  	s10 =	sld [smem:$0x7E6];
	[sflag:s6] =	ssyncadd.s32 $0xFFFFF000  }
0x1ac: {  	[hbm4b:s0+s2] =	stream.linear.scatter [tilespmem:s17], [sflag:$0x1], $0x1000, $0x38;
	[tilespmem:$0x6D00] =	vst v63  }
0x1ad: {  	_ = 	snop  }
0x1ae: {  	[tilespmem:s19], [sflag:$0x2] =	stream.indirect.gather [hbm4b:s10+s5], $0x20, s18, s5, $0xb8;
	[tilespmem:$0x6D00] =	vst v63  }
0x1af: {  	_ =	swait.ge [sflag:s8], $0x1000  }
0x1b0: {  	s10 =	sld [smem:$0x7E7]  }
0x1b1: {  	[sflag:s8] =	ssyncset.done $0x0  }
0x1b2: {  	[sflag:s8] =	ssyncadd.s32 $0xFFFFF000  }
0x1b3: {  	[hbm4b:s10+s2] =	stream.linear.scatter [tilespmem:s19], [sflag:$0x2], $0x1000, $0x38;
	[tilespmem:$0x6D00] =	vst v63  }
0x1b4: {  	_ =	swait.ge [sflag:s6], $0x1000  }
0x1b5: {  	s10 =	sld [smem:$0x7E8]  }
0x1b6: {  	[sflag:s6] =	ssyncset.done $0x0  }
0x1b7: {  	[sflag:s6] =	ssyncadd.s32 $0xFFFFF000  }
0x1b8: {  	[tilespmem:s17], [sflag:$0x1] =	stream.indirect.gather [hbm4b:s10+s5], $0x20, s20, s5, $0xb8;
	[tilespmem:$0x6D00] =	vst v63  }
0x1b9: {  	_ =	swait.ge [sflag:s6], $0x1000  }
0x1ba: {  	s10 =	sld [smem:$0x7E9]  }
0x1bb: {  	[sflag:s6] =	ssyncset.done $0x0  }
0x1bc: {  	[sflag:s6] =	ssyncadd.s32 $0xFFFFF000  }
0x1bd: {  	[hbm4b:s10+s2] =	stream.linear.scatter [tilespmem:s17], [sflag:$0x1], $0x1000, $0x38;
	[tilespmem:$0x6D00] =	vst v63  }
0x1be: {  	_ =	swait.ge [sflag:s8], $0x1000  }
0x1bf: {  	s10 =	sld [smem:$0x7EA]  }
0x1c0: {  	[sflag:s8] =	ssyncset.done $0x0  }
0x1c1: {  	[sflag:s8] =	ssyncadd.s32 $0xFFFFF000  }
0x1c2: {  	[tilespmem:s19], [sflag:$0x2] =	stream.indirect.gather [hbm4b:s10+s5], $0x20, s21, s5, $0xb8;
	[tilespmem:$0x6D00] =	vst v63  }
0x1c3: {  	_ =	swait.ge [sflag:s8], $0x1000  }
0x1c4: {  	s10 =	sld [smem:$0x7EB]  }
0x1c5: {  	[sflag:s8] =	ssyncset.done $0x0  }
0x1c6: {  	[sflag:s8] =	ssyncadd.s32 $0xFFFFF000  }
0x1c7: {  	[hbm4b:s10+s2] =	stream.linear.scatter [tilespmem:s19], [sflag:$0x2], $0x1000, $0x38;
	[tilespmem:$0x6D00] =	vst v63  }
0x1c8: {  	_ =	swait.ge [sflag:s6], $0x1000  }
0x1c9: {  	s10 =	sld [smem:$0x7EC]  }
0x1ca: {  	[sflag:s6] =	ssyncset.done $0x0  }
0x1cb: {  	[sflag:s6] =	ssyncadd.s32 $0xFFFFF000  }
0x1cc: {  	[tilespmem:s17], [sflag:$0x1] =	stream.indirect.gather [hbm4b:s10+s5], $0x20, s22, s5, $0xb8;
	[tilespmem:$0x6D00] =	vst v63  }
0x1cd: {  	_ =	swait.ge [sflag:s6], $0x1000  }
0x1ce: {  	s10 =	sld [smem:$0x7ED]  }
0x1cf: {  	[sflag:s6] =	ssyncset.done $0x0  }
0x1d0: {  	[sflag:s6] =	ssyncadd.s32 $0xFFFFF000  }
0x1d1: {  	[hbm4b:s10+s2] =	stream.linear.scatter [tilespmem:s17], [sflag:$0x1], $0x1000, $0x38;
	[tilespmem:$0x6D00] =	vst v63  }
0x1d2: {  	_ =	swait.ge [sflag:s8], $0x1000  }
0x1d3: {  	s10 =	sld [smem:$0x7EE]  }
0x1d4: {  	[sflag:s8] =	ssyncset.done $0x0  }
0x1d5: {  	[sflag:s8] =	ssyncadd.s32 $0xFFFFF000  }
0x1d6: {  	[tilespmem:s19], [sflag:$0x2] =	stream.indirect.gather [hbm4b:s10+s5], $0x20, s23, s5, $0xb8;
	[tilespmem:$0x6D00] =	vst v63  }
0x1d7: {  	_ =	swait.ge [sflag:s8], $0x1000  }
0x1d8: {  	s10 =	sld [smem:$0x7EF]  }
0x1d9: {  	[sflag:s8] =	ssyncset.done $0x0  }
0x1da: {  	[sflag:s8] =	ssyncadd.s32 $0xFFFFF000  }
0x1db: {  	[hbm4b:s10+s2] =	stream.linear.scatter [tilespmem:s19], [sflag:$0x2], $0x1000, $0x38;
	[tilespmem:$0x6D00] =	vst v63  }
0x1dc: {  	_ =	swait.ge [sflag:s6], $0x1000  }
0x1dd: {  	s10 =	sld [smem:$0x7F0]  }
0x1de: {  	[sflag:s6] =	ssyncset.done $0x0  }
0x1df: {  	[sflag:s6] =	ssyncadd.s32 $0xFFFFF000  }
0x1e0: {  	[tilespmem:s17], [sflag:$0x1] =	stream.indirect.gather [hbm4b:s10+s5], $0x20, s24, s5, $0xb8;
	[tilespmem:$0x6D00] =	vst v63  }
0x1e1: {  	_ =	swait.ge [sflag:s6], $0x1000  }
0x1e2: {  	s10 =	sld [smem:$0x7F1]  }
0x1e3: {  	[sflag:s6] =	ssyncset.done $0x0  }
0x1e4: {  	[sflag:s6] =	ssyncadd.s32 $0xFFFFF000  }
0x1e5: {  	[hbm4b:s10+s2] =	stream.linear.scatter [tilespmem:s17], [sflag:$0x1], $0x1000, $0x38;
	[tilespmem:$0x6D00] =	vst v63  }
0x1e6: {  	_ =	swait.ge [sflag:s8], $0x1000  }
0x1e7: {  	s10 =	sld [smem:$0x7F2]  }
0x1e8: {  	[sflag:s8] =	ssyncset.done $0x0  }
0x1e9: {  	[sflag:s8] =	ssyncadd.s32 $0xFFFFF000  }
0x1ea: {  	[tilespmem:s19], [sflag:$0x2] =	stream.indirect.gather [hbm4b:s10+s5], $0x20, s25, s5, $0xb8;
	[tilespmem:$0x6D00] =	vst v63  }
0x1eb: {  	_ =	swait.ge [sflag:s8], $0x1000  }
0x1ec: {  	s10 =	sld [smem:$0x7F3]  }
0x1ed: {  	[sflag:s8] =	ssyncset.done $0x0  }
0x1ee: {  	[sflag:s8] =	ssyncadd.s32 $0xFFFFF000  }
0x1ef: {  	[hbm4b:s10+s2] =	stream.linear.scatter [tilespmem:s19], [sflag:$0x2], $0x1000, $0x38;
	[tilespmem:$0x6D00] =	vst v63  }
0x1f0: {  	_ =	swait.ge [sflag:s6], $0x1000  }
0x1f1: {  	s10 =	sld [smem:$0x7F4]  }
0x1f2: {  	[sflag:s6] =	ssyncset.done $0x0  }
0x1f3: {  	[sflag:s6] =	ssyncadd.s32 $0xFFFFF000  }
0x1f4: {  	[tilespmem:s17], [sflag:$0x1] =	stream.indirect.gather [hbm4b:s10+s5], $0x20, s26, s5, $0xb8;
	[tilespmem:$0x6D00] =	vst v63  }
0x1f5: {  	_ =	swait.ge [sflag:s6], $0x1000  }
0x1f6: {  	s10 =	sld [smem:$0x7F5]  }
0x1f7: {  	[sflag:s6] =	ssyncset.done $0x0  }
0x1f8: {  	[sflag:s6] =	ssyncadd.s32 $0xFFFFF000  }
0x1f9: {  	[hbm4b:s10+s2] =	stream.linear.scatter [tilespmem:s17], [sflag:$0x1], $0x1000, $0x38;
	[tilespmem:$0x6D00] =	vst v63  }
0x1fa: {  	_ =	swait.ge [sflag:s8], $0x1000  }
0x1fb: {  	s10 =	sld [smem:$0x7F6]  }
0x1fc: {  	[sflag:s8] =	ssyncset.done $0x0  }
0x1fd: {  	[sflag:s8] =	ssyncadd.s32 $0xFFFFF000  }
0x1fe: {  	[tilespmem:s19], [sflag:$0x2] =	stream.indirect.gather [hbm4b:s10+s5], $0x20, s28, s5, $0xb8;
	[tilespmem:$0x6D00] =	vst v63  }
0x1ff: {  	_ =	swait.ge [sflag:s8], $0x1000  }
0x200: {  	s10 =	sld [smem:$0x7F7]  }
0x201: {  	[sflag:s8] =	ssyncset.done $0x0  }
0x202: {  	[sflag:s8] =	ssyncadd.s32 $0xFFFFF000  }
0x203: {  	[hbm4b:s10+s2] =	stream.linear.scatter [tilespmem:s19], [sflag:$0x2], $0x1000, $0x38;
	[tilespmem:$0x6D00] =	vst v63  }
0x204: {  	_ =	swait.ge [sflag:s6], $0x1000  }
0x205: {  	s10 =	sld [smem:$0x7F8]  }
0x206: {  	[sflag:s6] =	ssyncset.done $0x0  }
0x207: {  	[sflag:s6] =	ssyncadd.s32 $0xFFFFF000  }
0x208: {  	[tilespmem:s17], [sflag:$0x1] =	stream.indirect.gather [hbm4b:s10+s5], $0x20, s29, s5, $0xb8;
	[tilespmem:$0x6D00] =	vst v63  }
0x209: {  	_ =	swait.ge [sflag:s6], $0x1000  }
0x20a: {  	s10 =	sld [smem:$0x7F9]  }
0x20b: {  	[sflag:s6] =	ssyncset.done $0x0  }
0x20c: {  	[sflag:s6] =	ssyncadd.s32 $0xFFFFF000  }
0x20d: {  	[hbm4b:s10+s2] =	stream.linear.scatter [tilespmem:s17], [sflag:$0x1], $0x1000, $0x38;
	[tilespmem:$0x6D00] =	vst v63  }
0x20e: {  	_ =	swait.ge [sflag:s8], $0x1000  }
0x20f: {  	s10 =	sld [smem:$0x7FA]  }
0x210: {  	[sflag:s8] =	ssyncset.done $0x0  }
0x211: {  	[sflag:s8] =	ssyncadd.s32 $0xFFFFF000  }
0x212: {  	[tilespmem:s19], [sflag:$0x2] =	stream.indirect.gather [hbm4b:s10+s5], $0x20, s30, s5, $0xb8;
	[tilespmem:$0x6D00] =	vst v63  }
0x213: {  	_ =	swait.ge [sflag:s8], $0x1000  }
0x214: {  	s10 =	sld [smem:$0x7FB]  }
0x215: {  	[sflag:s8] =	ssyncset.done $0x0  }
0x216: {  	[sflag:s8] =	ssyncadd.s32 $0xFFFFF000  }
0x217: {  	[hbm4b:s10+s2] =	stream.linear.scatter [tilespmem:s19], [sflag:$0x2], $0x1000, $0x38;
	[tilespmem:$0x6D00] =	vst v63  }
0x218: {  	_ =	swait.ge [sflag:s6], $0x1000  }
0x219: {  	s10 =	sld [smem:$0x7FC]  }
0x21a: {  	[sflag:s6] =	ssyncset.done $0x0  }
0x21b: {  	[sflag:s6] =	ssyncadd.s32 $0xFFFFF000  }
0x21c: {  	[tilespmem:s17], [sflag:$0x1] =	stream.indirect.gather [hbm4b:s10+s5], $0x20, s31, s5, $0xb8;
	[tilespmem:$0x6D00] =	vst v63  }
0x21d: {  	p0 =	sne.s32 s1, $0x1;
	_ =	swait.ge [sflag:s6], $0x1000  }
.Ltmp1:
0x21e: {  	s10 =	sld [smem:$0x7FD];
	(pc) =	sbr.rel @p0 .LBB2_1-.Ltmp1, $4  }
0x21f: {  	[sflag:s6] =	ssyncset.done $0x0  }
0x220: {  	[sflag:s6] =	ssyncadd.s32 $0xFFFFF000  }
0x221: {  	[hbm4b:s10+s2] =	stream.linear.scatter [tilespmem:s17], [sflag:$0x1], $0x1000, $0x38;
	[tilespmem:$0x6D00] =	vst v63  }
0x222: {  	s1 =	sadd.s32 $0xFFFFFFFF, s1;
	_ =	swait.ge [sflag:s6], $0x1000  }
.LBB2_2:
0x223: {  	[sflag:s6] =	ssyncset.done $0x0  }
0x224: {  	[sflag:s6] =	ssyncadd.s32 $0xFFFFF000  }
0x225: {  	_ =	swait.ge [sflag:s8], $0x1000  }
0x226: {  	[sflag:s8] =	ssyncset.done $0x0  }
0x227: {  	[sflag:s8] =	ssyncadd.s32 $0xFFFFF000  }
0x228: {  	_ =	sfence.sel $0x180000  }
0x229: {  	[bflag:$0x0] =	sbarrier.arrive $0xFFFF  }
0x22a: {  	_ =	strace $0x90000047  }
0x22b: {  	s0 =	stileid.u32;
	[bflag:$0x2] =	sbarrier.arrive $0xFFFF  }
0x22c: {  	p0 =	sne.s32 s0, $0x0;
	s0 =	rddreg [dreg:$0x1]  }
0x22d: {  	s0 =	sadd.s32 @!p0 $0x100000, s0  }
0x22e: {  	[sflag:s0] =	ssyncadd.tile.s32 @!p0 $0x1;
	_ =	shalt  }
.Lfunc_end2:
_tile_overlayer_lowered:
.L_overlay_start_2:
0x22f: {  	(tag) =	ssettag $0x2  }
0x230: {  	s0 =	rddreg [dreg:$0x0];
	s2 =	stileid.u32  }
0x231: {  	s1 =	rddreg [dreg:$0x1];
	p0 =	sne.s32 s2, $0x0  }
0x232: {  	s3 =	rddreg [dreg:$0x2];
	[bflag:$0x3] =	sbarrier.arrive $0xFFFF;
	s2 =	simm.s32 @!p0 $0x1C03  }
0x233: {  	[timem:s3], [sflag:s2] =	dma.local @!p0 [hbm:s0], s1  }
0x234: {  	s0 =	simm.s32 @!p0 $0x3  }
0x235: {  	_ =	swait.ge @!p0 [sflag:s0], s1  }
0x236: {  	s1 =	ssub.s32 @!p0 $0x0, s1;
	[sflag:s0] =	ssyncset.done @!p0 $0x0  }
0x237: {  	[sflag:s0] =	ssyncadd.s32 @!p0 s1  }
0x238: {  	[bflag:$0x3] =	sbarrier.arrive $0xFFFF  }
0x239: {  	_ =	shalt  }

</sc_bundles>
